<compile_context>
chip_gen: v7x
topology: tpu7x:2x2x1
jax: 0.10.2.dev20260603
libtpu: 0.0.44.dev20260713+nightly
codegen_flags: <defaults>
</compile_context>

<pallas_src>
import functools

import jax
import jax.numpy as jnp
from jax import lax
from jax.experimental import pallas as pl
from jax.experimental.pallas import tpu as pltpu
from jax.experimental.pallas import tpu_sc as plsc

N = 10000
E = 320000
D = 128

NC = 2
NS = 16
NW = NC * NS
NPAD = 10240
RPT = NPAD // NS
EPT = E // NW
C = 128
NF = EPT // C
TAIL = EPT - NF * C

_mesh = plsc.VectorSubcoreMesh(core_axis_name="c", subcore_axis_name="s")


@functools.partial(
    pl.kernel,
    out_type=jax.ShapeDtypeStruct((NC, NPAD), jnp.float32),
    mesh=_mesh,
    scratch_types=[
        pltpu.VMEM((2, C), jnp.int32),
        pltpu.VMEM((TAIL,), jnp.int32),
        pltpu.VMEM((C,), jnp.float32),
        pltpu.VMEM((RPT,), jnp.float32),
        pltpu.VMEM_SHARED((NPAD,), jnp.float32),
        pltpu.SemaphoreType.DMA,
        pltpu.SemaphoreType.DMA,
    ],
)
def _sc_degree(edges_hbm, out_hbm, dst_v, tdst_v, ones_v, zero_v, deg_sh,
               sem_a, sem_b):
    cid = lax.axis_index("c")
    sid = lax.axis_index("s")
    wid = cid * NS + sid

    def fill(i, _):
        ones_v[pl.ds(i * 16, 16)] = jnp.ones((16,), jnp.float32)
        return 0
    lax.fori_loop(0, C // 16, fill, 0)

    def fillz(i, _):
        zero_v[pl.ds(i * 16, 16)] = jnp.zeros((16,), jnp.float32)
        return 0
    lax.fori_loop(0, RPT // 16, fillz, 0)

    pltpu.sync_copy(zero_v, deg_sh.at[pl.ds(sid * RPT, RPT)])
    plsc.subcore_barrier()

    def dst_src_ref(j):
        return edges_hbm.at[1, wid, pl.ds(j * C, C)]

    pltpu.async_copy(dst_src_ref(0), dst_v.at[0], sem_a)

    def body(i, _):
        j0 = 2 * i
        j1 = 2 * i + 1
        pltpu.async_copy(dst_src_ref(j1), dst_v.at[1], sem_b)
        pltpu.make_async_copy(dst_src_ref(j0), dst_v.at[0], sem_a).wait()
        pltpu.sync_copy(ones_v, deg_sh.at[dst_v.at[0]], add=True)

        @pl.when(j0 + 2 < NF)
        def _():
            pltpu.async_copy(dst_src_ref(j0 + 2), dst_v.at[0], sem_a)

        pltpu.make_async_copy(dst_src_ref(j1), dst_v.at[1], sem_b).wait()
        pltpu.sync_copy(ones_v, deg_sh.at[dst_v.at[1]], add=True)
        return 0
    lax.fori_loop(0, NF // 2, body, 0)

    pltpu.sync_copy(edges_hbm.at[1, wid, pl.ds(NF * C, TAIL)], tdst_v)
    pltpu.sync_copy(ones_v.at[pl.ds(0, TAIL)], deg_sh.at[tdst_v], add=True)

    plsc.subcore_barrier()
    pltpu.sync_copy(deg_sh.at[pl.ds(sid * RPT, RPT)],
                    out_hbm.at[cid, pl.ds(sid * RPT, RPT)])


@functools.partial(
    pl.kernel,
    out_type=jax.ShapeDtypeStruct((NC, NPAD, D), jnp.float32),
    mesh=_mesh,
    scratch_types=[
        pltpu.VMEM((2, C), jnp.int32),
        pltpu.VMEM((2, C), jnp.int32),
        pltpu.VMEM((TAIL,), jnp.int32),
        pltpu.VMEM((TAIL,), jnp.int32),
        pltpu.VMEM((C, D), jnp.float32),
        pltpu.VMEM((C, D), jnp.float32),
        pltpu.VMEM_SHARED((NPAD, D), jnp.float32),
        pltpu.SemaphoreType.DMA,
        pltpu.SemaphoreType.DMA,
        pltpu.SemaphoreType.DMA,
        pltpu.SemaphoreType.DMA,
        pltpu.SemaphoreType.DMA,
        pltpu.SemaphoreType.DMA,
    ],
)
def _sc_gather_scatter(h_hbm, edges_hbm, out_hbm,
                       src_v, dst_v, tsrc_v, tdst_v, buf_a, buf_b, agg_sh,
                       isem_sa, isem_da, isem_sb, isem_db, gsem_a, gsem_b):
    cid = lax.axis_index("c")
    sid = lax.axis_index("s")
    wid = cid * NS + sid

    def fillz(i, _):
        for l in range(D // 16):
            buf_a[i, pl.ds(l * 16, 16)] = jnp.zeros((16,), jnp.float32)
        return 0
    lax.fori_loop(0, C, fillz, 0)
    for k in range(RPT // C):
        pltpu.sync_copy(buf_a, agg_sh.at[pl.ds(sid * RPT + k * C, C)])
    plsc.subcore_barrier()

    def src_src_ref(j):
        return edges_hbm.at[0, wid, pl.ds(j * C, C)]

    def dst_src_ref(j):
        return edges_hbm.at[1, wid, pl.ds(j * C, C)]

    def fire_src(j, slot, sem):
        pltpu.async_copy(src_src_ref(j), src_v.at[slot], sem)

    def fire_dst(j, slot, sem):
        pltpu.async_copy(dst_src_ref(j), dst_v.at[slot], sem)

    def wait_src(j, slot, sem):
        pltpu.make_async_copy(src_src_ref(j), src_v.at[slot], sem).wait()

    def wait_dst(j, slot, sem):
        pltpu.make_async_copy(dst_src_ref(j), dst_v.at[slot], sem).wait()

    def fire_gather(slot, buf, sem):
        pltpu.async_copy(h_hbm.at[src_v.at[slot]], buf, sem)

    def wait_gather(slot, buf, sem):
        pltpu.make_async_copy(h_hbm.at[src_v.at[slot]], buf, sem).wait()

    fire_src(0, 0, isem_sa)
    fire_dst(0, 0, isem_da)
    fire_src(1, 1, isem_sb)
    fire_dst(1, 1, isem_db)
    wait_src(0, 0, isem_sa)
    fire_gather(0, buf_a, gsem_a)
    wait_src(1, 1, isem_sb)
    fire_gather(1, buf_b, gsem_b)

    def half(j, slot, buf, isem_s, isem_d, gsem):
        wait_gather(slot, buf, gsem)
        wait_dst(j, slot, isem_d)
        pltpu.sync_copy(buf, agg_sh.at[dst_v.at[slot]], add=True)

        @pl.when(j + 2 < NF)
        def _():
            fire_src(j + 2, slot, isem_s)
            fire_dst(j + 2, slot, isem_d)
            wait_src(j + 2, slot, isem_s)
            fire_gather(slot, buf, gsem)

    def body(i, _):
        half(2 * i, 0, buf_a, isem_sa, isem_da, gsem_a)
        half(2 * i + 1, 1, buf_b, isem_sb, isem_db, gsem_b)
        return 0
    lax.fori_loop(0, NF // 2, body, 0)

    pltpu.sync_copy(edges_hbm.at[0, wid, pl.ds(NF * C, TAIL)], tsrc_v)
    pltpu.sync_copy(edges_hbm.at[1, wid, pl.ds(NF * C, TAIL)], tdst_v)
    pltpu.async_copy(h_hbm.at[tsrc_v], buf_a.at[pl.ds(0, TAIL)], gsem_a).wait()
    pltpu.sync_copy(buf_a.at[pl.ds(0, TAIL)], agg_sh.at[tdst_v], add=True)

    plsc.subcore_barrier()
    pltpu.sync_copy(agg_sh.at[pl.ds(sid * RPT, RPT)],
                    out_hbm.at[cid, pl.ds(sid * RPT, RPT)])


BM = 2000


def _tc_mm_body(x_ref, w_ref, h_ref):
    h_ref[...] = jnp.dot(x_ref[...], w_ref[...],
                         preferred_element_type=jnp.float32)


def _tc_scale_body(h_ref, degt_ref, dinv_ref, hp_ref):
    deg = 1.0 + degt_ref[:, 0:1] + degt_ref[:, 1:2]
    dinv = lax.rsqrt(deg)
    dinv_ref[...] = dinv
    hp_ref[...] = h_ref[...] * dinv


def _tc2_body(s_ref, hp_ref, dinv_ref, b_ref, w_ref, hp2_ref):
    s = s_ref[0] + s_ref[1]
    dinv = dinv_ref[...]
    z = jnp.maximum(dinv * (s + hp_ref[...]) + b_ref[...], 0.0)
    hp2_ref[...] = jnp.dot(z, w_ref[...],
                           preferred_element_type=jnp.float32) * dinv


def _tc3_body(s_ref, hp_ref, dinv_ref, b_ref, out_ref):
    i = pl.program_id(0)
    s = s_ref[0] + s_ref[1]
    z = jnp.maximum(dinv_ref[...] * (s + hp_ref[...]) + b_ref[...], 0.0)

    @pl.when(i == 0)
    def _():
        out_ref[...] = jnp.zeros_like(out_ref)

    out_ref[...] += jnp.sum(z, axis=0, keepdims=True) * (1.0 / N)


def _tc_mm(x, w):
    return pl.pallas_call(
        _tc_mm_body,
        grid=(N // BM,),
        in_specs=[
            pl.BlockSpec((BM, D), lambda i: (i, 0)),
            pl.BlockSpec((D, D), lambda i: (0, 0)),
        ],
        out_specs=pl.BlockSpec((BM, D), lambda i: (i, 0)),
        out_shape=jax.ShapeDtypeStruct((N, D), jnp.float32),
    )(x, w)


def _tc_scale(h, degt):
    return pl.pallas_call(
        _tc_scale_body,
        grid=(N // BM,),
        in_specs=[
            pl.BlockSpec((BM, D), lambda i: (i, 0)),
            pl.BlockSpec((BM, NC), lambda i: (i, 0)),
        ],
        out_specs=[
            pl.BlockSpec((BM, 1), lambda i: (i, 0)),
            pl.BlockSpec((BM, D), lambda i: (i, 0)),
        ],
        out_shape=[
            jax.ShapeDtypeStruct((N, 1), jnp.float32),
            jax.ShapeDtypeStruct((N, D), jnp.float32),
        ],
    )(h, degt)


def _tc2(s, hp, dinv, b, w):
    return pl.pallas_call(
        _tc2_body,
        grid=(N // BM,),
        in_specs=[
            pl.BlockSpec((NC, BM, D), lambda i: (0, i, 0)),
            pl.BlockSpec((BM, D), lambda i: (i, 0)),
            pl.BlockSpec((BM, 1), lambda i: (i, 0)),
            pl.BlockSpec((1, D), lambda i: (0, 0)),
            pl.BlockSpec((D, D), lambda i: (0, 0)),
        ],
        out_specs=pl.BlockSpec((BM, D), lambda i: (i, 0)),
        out_shape=jax.ShapeDtypeStruct((N, D), jnp.float32),
    )(s, hp, dinv, b, w)


def _tc3(s, hp, dinv, b):
    return pl.pallas_call(
        _tc3_body,
        grid=(N // BM,),
        in_specs=[
            pl.BlockSpec((NC, BM, D), lambda i: (0, i, 0)),
            pl.BlockSpec((BM, D), lambda i: (i, 0)),
            pl.BlockSpec((BM, 1), lambda i: (i, 0)),
            pl.BlockSpec((1, D), lambda i: (0, 0)),
        ],
        out_specs=pl.BlockSpec((1, D), lambda i: (0, 0)),
        out_shape=jax.ShapeDtypeStruct((1, D), jnp.float32),
    )(s, hp, dinv, b)


def kernel(x, edge_index, W1, b1, W2, b2):
    edges = edge_index.reshape(2, NW, EPT)

    degp = _sc_degree(edges)
    h1 = _tc_mm(x, W1)
    degt = degp.T[:N]

    dinv, h1p = _tc_scale(h1, degt)
    s1 = _sc_gather_scatter(h1p, edges)
    h2p = _tc2(s1, h1p, dinv, b1.reshape(1, D), W2)
    s2 = _sc_gather_scatter(h2p, edges)
    return _tc3(s2, h2p, dinv, b2.reshape(1, D))

# --- scband reference (transcript-rebuilt; emitter-appended) ---
"""Pipeline reference for scband-gnnencoder-58428735095225 (READ-ONLY COPY).

The authoritative reference and input builder live on the scoring server;
editing this copy changes nothing except your own understanding.
"""

import jax, jax.numpy as jnp
import numpy as np

N = 10000
E = 320000
IN_DIM = 128
HID_DIM = 128
OUT_DIM = 128


def setup_inputs(seed: int = 0) -> dict:
    key = jax.random.key(seed)
    k1, k2, k3, k4 = jax.random.split(key, 4)
    x = jax.random.normal(k1, (N, IN_DIM), dtype=jnp.float32)
    edge_index = jax.random.randint(k2, (2, E), 0, N, dtype=jnp.int32)
    W1 = jax.random.normal(k3, (IN_DIM, HID_DIM), dtype=jnp.float32) * (1.0 / np.sqrt(IN_DIM))
    b1 = jnp.zeros((HID_DIM,), dtype=jnp.float32)
    W2 = jax.random.normal(k4, (HID_DIM, OUT_DIM), dtype=jnp.float32) * (1.0 / np.sqrt(HID_DIM))
    b2 = jnp.zeros((OUT_DIM,), dtype=jnp.float32)
    return {"x": x, "edge_index": edge_index, "W1": W1, "b1": b1, "W2": W2, "b2": b2}


def _gcn_layer(x, src, dst, W, b):
    n = x.shape[0]
    h = x @ W
    # degree with implicit self-loop (GCN symmetric normalization)
    deg = jnp.ones((n,), dtype=jnp.float32).at[dst].add(jnp.ones_like(dst, dtype=jnp.float32))
    dinv = jax.lax.rsqrt(deg)
    norm = (dinv[src] * dinv[dst])[:, None]
    msg = jnp.take(h, src, axis=0) * norm
    agg = jnp.zeros_like(h).at[dst].add(msg)
    agg = agg + h * (dinv * dinv)[:, None]  # self-loop contribution
    return jax.nn.relu(agg + b)


def reference(x, edge_index, W1, b1, W2, b2):
    src = edge_index[0]
    dst = edge_index[1]
    h = _gcn_layer(x, src, dst, W1, b1)
    # dropout is identity in eval/reference mode
    h = _gcn_layer(h, src, dst, W2, b2)
    graph_emb = h.mean(axis=0, keepdims=True)
    return graph_emb

if __name__ == "__main__":
    import jax
    _d = setup_inputs()
    print(jax.jit(kernel)(*tuple(_d.values())))

</pallas_src>

<mosaic_0001>
#map = affine_map<(d0, d1) -> (0, 0, 0)>
#map1 = affine_map<(d0, d1) -> (0, 0)>
module attributes {stable_mosaic.version = 14 : i64} {
  func.func @_sc_degree(%arg0: i32, %arg1: i32, %arg2: memref<2x32x10000xi32, #tpu.memory_space<hbm>>, %arg3: memref<2x10240xf32, #tpu.memory_space<hbm>>, %arg4: memref<2x128xi32, #tpu.memory_space<vmem>>, %arg5: memref<16xi32, #tpu.memory_space<vmem>>, %arg6: memref<128xf32, #tpu.memory_space<vmem>>, %arg7: memref<640xf32, #tpu.memory_space<vmem>>, %arg8: memref<10240xf32, #tpu.memory_space<vmem_shared>>, %arg9: memref<!tpu.dma_semaphore, #tpu.memory_space<semaphore_mem>>, %arg10: memref<!tpu.dma_semaphore, #tpu.memory_space<semaphore_mem>>) attributes {dimension_semantics = [#tpu.dimension_semantics<core_parallel>, #tpu.dimension_semantics<subcore_parallel>], iteration_bounds = array<i64: 2, 16>, scalar_prefetch = 0 : i64, scratch_operands = 7 : i64, tpu.core_type = #tpu.core_type<sc_vector_subcore>, window_params = [{transform_indices = #map}, {transform_indices = #map1}]} {
    %mul3A = arith.constant 16 : i32
    %mul3A_0 = arith.muli %arg0, %mul3A : i32
    %add3A = arith.addi %mul3A_0, %arg1 : i32
    %scan3A = arith.constant 0 : i32
    %scan3A_1 = arith.constant 0 : i32
    %scan3A_2 = arith.constant 8 : i32
    %scan3A_3 = arith.addi %scan3A_1, %scan3A_2 : i32
    %scan3A_4 = arith.constant 1 : i32
    %scan3A_5 = scf.for %scan3A_41 = %scan3A_1 to %scan3A_3 step %scan3A_4 iter_args(%scan3A_42 = %scan3A) -> (i32)  : i32 {
      %broadcast_in_dim3A = arith.constant 1.000000e+00 : f32
      %broadcast_in_dim3A_43 = vector.broadcast %broadcast_in_dim3A : f32 to vector<16xf32>
      %mul3A_44 = arith.constant 16 : i32
      %mul3A_45 = arith.muli %scan3A_41, %mul3A_44 : i32
      %swap3A = arith.index_cast %mul3A_45 : i32 to index
      %swap3A_46 = tpu.vector_load %arg6[%swap3A] {strides = array<i32>} : memref<128xf32, #tpu.memory_space<vmem>>, vector<16xf32>,
      %swap3A_47 = vector.shape_cast %swap3A_46 : vector<16xf32> to vector<16xf32>
      %swap3A_48 = vector.shape_cast %broadcast_in_dim3A_43 : vector<16xf32> to vector<16xf32>
      tpu.vector_store %arg6[%swap3A], %swap3A_48 {strides = array<i32>} : memref<128xf32, #tpu.memory_space<vmem>>, vector<16xf32>,
      %scan3A_49 = arith.constant 0 : i32
      scf.yield %scan3A_49 : i32
    }
    %scan3A_6 = arith.constant 8 : i32
    %scan3A_7 = arith.constant 0 : i32
    %scan3A_8 = arith.constant 0 : i32
    %scan3A_9 = arith.constant 40 : i32
    %scan3A_10 = arith.addi %scan3A_8, %scan3A_9 : i32
    %scan3A_11 = arith.constant 1 : i32
    %scan3A_12 = scf.for %scan3A_41 = %scan3A_8 to %scan3A_10 step %scan3A_11 iter_args(%scan3A_42 = %scan3A_7) -> (i32)  : i32 {
      %broadcast_in_dim3A = arith.constant 0.000000e+00 : f32
      %broadcast_in_dim3A_43 = vector.broadcast %broadcast_in_dim3A : f32 to vector<16xf32>
      %mul3A_44 = arith.constant 16 : i32
      %mul3A_45 = arith.muli %scan3A_41, %mul3A_44 : i32
      %swap3A = arith.index_cast %mul3A_45 : i32 to index
      %swap3A_46 = tpu.vector_load %arg7[%swap3A] {strides = array<i32>} : memref<640xf32, #tpu.memory_space<vmem>>, vector<16xf32>,
      %swap3A_47 = vector.shape_cast %swap3A_46 : vector<16xf32> to vector<16xf32>
      %swap3A_48 = vector.shape_cast %broadcast_in_dim3A_43 : vector<16xf32> to vector<16xf32>
      tpu.vector_store %arg7[%swap3A], %swap3A_48 {strides = array<i32>} : memref<640xf32, #tpu.memory_space<vmem>>, vector<16xf32>,
      %scan3A_49 = arith.constant 0 : i32
      scf.yield %scan3A_49 : i32
    }
    %scan3A_13 = arith.constant 40 : i32
    %mul3A_14 = arith.constant 640 : i32
    %mul3A_15 = arith.muli %arg1, %mul3A_14 : i32
    "tpu.region"() ({
      %run_scoped3A_41 = tpu.sem_alloc : memref<!tpu.dma_semaphore, #tpu.memory_space<semaphore_mem>>
      %dma_start3A_42 = tpu.memref_slice %arg8[%mul3A_15] : memref<10240xf32, #tpu.memory_space<vmem_shared>> -> memref<640xf32, #tpu.memory_space<vmem_shared>>
      %dma_start3A_43 = tpu.memref_slice %arg8[%mul3A_15] : memref<10240xf32, #tpu.memory_space<vmem_shared>> -> memref<640xf32, #tpu.memory_space<vmem_shared>>
      tpu.enqueue_dma source(%arg7 : memref<640xf32, #tpu.memory_space<vmem>>) target(%dma_start3A_43 : memref<640xf32, #tpu.memory_space<vmem_shared>>) target_semaphore(%run_scoped3A_41 : memref<!tpu.dma_semaphore, #tpu.memory_space<semaphore_mem>>)
      %dma_wait3A = tpu.memref_slice %arg8[%mul3A_15] : memref<10240xf32, #tpu.memory_space<vmem_shared>> -> memref<640xf32, #tpu.memory_space<vmem_shared>>
      %dma_wait3A_44 = tpu.memref_slice %arg8[%mul3A_15] : memref<10240xf32, #tpu.memory_space<vmem_shared>> -> memref<640xf32, #tpu.memory_space<vmem_shared>>
      tpu.wait_dma2 semaphore(%run_scoped3A_41 : memref<!tpu.dma_semaphore, #tpu.memory_space<semaphore_mem>>) src(%arg7 : memref<640xf32, #tpu.memory_space<vmem>>) dst(%dma_wait3A_44 : memref<640xf32, #tpu.memory_space<vmem_shared>>)
      tpu.yield
    }) : () -> ()
    %barrier3A = arith.constant 0 : index
    tpu.barrier barrier_id(%barrier3A)
    %dma_start3A = arith.constant 1 : i32
    %dma_start3A_16 = arith.constant 0 : i32
    %dma_start3A_17 = arith.constant 0 : i32
    %dma_start3A_18 = tpu.memref_slice %arg4[%dma_start3A_16, %dma_start3A_17] : memref<2x128xi32, #tpu.memory_space<vmem>> -> memref<1x128xi32, #tpu.memory_space<vmem>>
    %dma_start3A_19 = tpu.memref_squeeze %dma_start3A_18 : memref<1x128xi32, #tpu.memory_space<vmem>> -> memref<128xi32, #tpu.memory_space<vmem>>
    %dma_start3A_20 = arith.constant 0 : i32
    %dma_start3A_21 = tpu.memref_slice %arg2[%dma_start3A, %add3A, %dma_start3A_20] : memref<2x32x10000xi32, #tpu.memory_space<hbm>> -> memref<1x1x128xi32, #tpu.memory_space<hbm>>
    %dma_start3A_22 = tpu.memref_squeeze %dma_start3A_21 : memref<1x1x128xi32, #tpu.memory_space<hbm>> -> memref<128xi32, #tpu.memory_space<hbm>>
    %dma_start3A_23 = arith.constant 0 : i32
    %dma_start3A_24 = tpu.memref_slice %arg4[%dma_start3A_16, %dma_start3A_23] : memref<2x128xi32, #tpu.memory_space<vmem>> -> memref<1x128xi32, #tpu.memory_space<vmem>>
    %dma_start3A_25 = tpu.memref_squeeze %dma_start3A_24 : memref<1x128xi32, #tpu.memory_space<vmem>> -> memref<128xi32, #tpu.memory_space<vmem>>
    %dma_start3A_26 = arith.constant 0 : i32
    %dma_start3A_27 = tpu.memref_slice %arg2[%dma_start3A, %add3A, %dma_start3A_26] : memref<2x32x10000xi32, #tpu.memory_space<hbm>> -> memref<1x1x128xi32, #tpu.memory_space<hbm>>
    %dma_start3A_28 = tpu.memref_squeeze %dma_start3A_27 : memref<1x1x128xi32, #tpu.memory_space<hbm>> -> memref<128xi32, #tpu.memory_space<hbm>>
    tpu.enqueue_dma source(%dma_start3A_28 : memref<128xi32, #tpu.memory_space<hbm>>) target(%dma_start3A_25 : memref<128xi32, #tpu.memory_space<vmem>>) target_semaphore(%arg9 : memref<!tpu.dma_semaphore, #tpu.memory_space<semaphore_mem>>)
    %scan3A_29 = arith.constant 0 : i32
    %scan3A_30 = arith.constant 0 : i32
    %scan3A_31 = arith.constant 39 : i32
    %scan3A_32 = arith.addi %scan3A_30, %scan3A_31 : i32
    %scan3A_33 = arith.constant 1 : i32
    %scan3A_34 = scf.for %scan3A_41 = %scan3A_30 to %scan3A_32 step %scan3A_33 iter_args(%scan3A_42 = %scan3A_29) -> (i32)  : i32 {
      %mul3A_43 = arith.constant 2 : i32
      %mul3A_44 = arith.muli %mul3A_43, %scan3A_41 : i32
      %mul3A_45 = arith.constant 2 : i32
      %mul3A_46 = arith.muli %mul3A_45, %scan3A_41 : i32
      %add3A_47 = arith.constant 1 : i32
      %add3A_48 = arith.addi %mul3A_46, %add3A_47 : i32
      %mul3A_49 = arith.constant 128 : i32
      %mul3A_50 = arith.muli %add3A_48, %mul3A_49 : i32
      %dma_start3A_51 = arith.constant 1 : i32
      %dma_start3A_52 = arith.constant 1 : i32
      %dma_start3A_53 = arith.constant 0 : i32
      %dma_start3A_54 = tpu.memref_slice %arg4[%dma_start3A_52, %dma_start3A_53] : memref<2x128xi32, #tpu.memory_space<vmem>> -> memref<1x128xi32, #tpu.memory_space<vmem>>
      %dma_start3A_55 = tpu.memref_squeeze %dma_start3A_54 : memref<1x128xi32, #tpu.memory_space<vmem>> -> memref<128xi32, #tpu.memory_space<vmem>>
      %dma_start3A_56 = tpu.memref_slice %arg2[%dma_start3A_51, %add3A, %mul3A_50] : memref<2x32x10000xi32, #tpu.memory_space<hbm>> -> memref<1x1x128xi32, #tpu.memory_space<hbm>>
      %dma_start3A_57 = tpu.memref_squeeze %dma_start3A_56 : memref<1x1x128xi32, #tpu.memory_space<hbm>> -> memref<128xi32, #tpu.memory_space<hbm>>
      %dma_start3A_58 = arith.constant 0 : i32
      %dma_start3A_59 = tpu.memref_slice %arg4[%dma_start3A_52, %dma_start3A_58] : memref<2x128xi32, #tpu.memory_space<vmem>> -> memref<1x128xi32, #tpu.memory_space<vmem>>
      %dma_start3A_60 = tpu.memref_squeeze %dma_start3A_59 : memref<1x128xi32, #tpu.memory_space<vmem>> -> memref<128xi32, #tpu.memory_space<vmem>>
      %dma_start3A_61 = tpu.memref_slice %arg2[%dma_start3A_51, %add3A, %mul3A_50] : memref<2x32x10000xi32, #tpu.memory_space<hbm>> -> memref<1x1x128xi32, #tpu.memory_space<hbm>>
      %dma_start3A_62 = tpu.memref_squeeze %dma_start3A_61 : memref<1x1x128xi32, #tpu.memory_space<hbm>> -> memref<128xi32, #tpu.memory_space<hbm>>
      tpu.enqueue_dma source(%dma_start3A_62 : memref<128xi32, #tpu.memory_space<hbm>>) target(%dma_start3A_60 : memref<128xi32, #tpu.memory_space<vmem>>) target_semaphore(%arg10 : memref<!tpu.dma_semaphore, #tpu.memory_space<semaphore_mem>>)
      %mul3A_63 = arith.constant 128 : i32
      %mul3A_64 = arith.muli %mul3A_44, %mul3A_63 : i32
      %dma_wait3A = arith.constant 1 : i32
      %dma_wait3A_65 = arith.constant 0 : i32
      %dma_wait3A_66 = arith.constant 0 : i32
      %dma_wait3A_67 = tpu.memref_slice %arg4[%dma_wait3A_65, %dma_wait3A_66] : memref<2x128xi32, #tpu.memory_space<vmem>> -> memref<1x128xi32, #tpu.memory_space<vmem>>
      %dma_wait3A_68 = tpu.memref_squeeze %dma_wait3A_67 : memref<1x128xi32, #tpu.memory_space<vmem>> -> memref<128xi32, #tpu.memory_space<vmem>>
      %dma_wait3A_69 = tpu.memref_slice %arg2[%dma_wait3A, %add3A, %mul3A_64] : memref<2x32x10000xi32, #tpu.memory_space<hbm>> -> memref<1x1x128xi32, #tpu.memory_space<hbm>>
      %dma_wait3A_70 = tpu.memref_squeeze %dma_wait3A_69 : memref<1x1x128xi32, #tpu.memory_space<hbm>> -> memref<128xi32, #tpu.memory_space<hbm>>
      %dma_wait3A_71 = arith.constant 0 : i32
      %dma_wait3A_72 = tpu.memref_slice %arg4[%dma_wait3A_65, %dma_wait3A_71] : memref<2x128xi32, #tpu.memory_space<vmem>> -> memref<1x128xi32, #tpu.memory_space<vmem>>
      %dma_wait3A_73 = tpu.memref_squeeze %dma_wait3A_72 : memref<1x128xi32, #tpu.memory_space<vmem>> -> memref<128xi32, #tpu.memory_space<vmem>>
      %dma_wait3A_74 = tpu.memref_slice %arg2[%dma_wait3A, %add3A, %mul3A_64] : memref<2x32x10000xi32, #tpu.memory_space<hbm>> -> memref<1x1x128xi32, #tpu.memory_space<hbm>>
      %dma_wait3A_75 = tpu.memref_squeeze %dma_wait3A_74 : memref<1x1x128xi32, #tpu.memory_space<hbm>> -> memref<128xi32, #tpu.memory_space<hbm>>
      tpu.wait_dma2 semaphore(%arg9 : memref<!tpu.dma_semaphore, #tpu.memory_space<semaphore_mem>>) src(%dma_wait3A_75 : memref<128xi32, #tpu.memory_space<hbm>>) dst(%dma_wait3A_73 : memref<128xi32, #tpu.memory_space<vmem>>)
      %run_scoped3A_76 = arith.constant 0 : i32
      "tpu.region"() ({
        %run_scoped3A_97 = tpu.sem_alloc : memref<!tpu.dma_semaphore, #tpu.memory_space<semaphore_mem>>
        %dma_start3A_98 = arith.constant 0 : i32
        %dma_start3A_99 = tpu.memref_slice %arg4[%run_scoped3A_76, %dma_start3A_98] : memref<2x128xi32, #tpu.memory_space<vmem>> -> memref<1x128xi32, #tpu.memory_space<vmem>>
        %dma_start3A_100 = tpu.memref_squeeze %dma_start3A_99 : memref<1x128xi32, #tpu.memory_space<vmem>> -> memref<128xi32, #tpu.memory_space<vmem>>
        %dma_start3A_101 = arith.constant 0 : i32
        %dma_start3A_102 = tpu.memref_slice %arg8[%dma_start3A_101] : memref<10240xf32, #tpu.memory_space<vmem_shared>> -> memref<10240xf32, #tpu.memory_space<vmem_shared>>
        tpu.enqueue_indirect_dma source(%arg6 : memref<128xf32, #tpu.memory_space<vmem>>) target(%dma_start3A_102 : memref<10240xf32, #tpu.memory_space<vmem_shared>>) offsets(%dma_start3A_100 : memref<128xi32, #tpu.memory_space<vmem>>) semaphore(%run_scoped3A_97 : memref<!tpu.dma_semaphore, #tpu.memory_space<semaphore_mem>>) {add = true}
        %dma_wait3A_103 = arith.constant 0 : i32
        %dma_wait3A_104 = tpu.memref_slice %arg4[%run_scoped3A_76, %dma_wait3A_103] : memref<2x128xi32, #tpu.memory_space<vmem>> -> memref<1x128xi32, #tpu.memory_space<vmem>>
        %dma_wait3A_105 = tpu.memref_squeeze %dma_wait3A_104 : memref<1x128xi32, #tpu.memory_space<vmem>> -> memref<128xi32, #tpu.memory_space<vmem>>
        %dma_wait3A_106 = arith.constant 0 : i32
        %dma_wait3A_107 = tpu.memref_slice %arg8[%dma_wait3A_106] : memref<10240xf32, #tpu.memory_space<vmem_shared>> -> memref<10240xf32, #tpu.memory_space<vmem_shared>>
        tpu.wait_indirect_dma semaphore(%run_scoped3A_97 : memref<!tpu.dma_semaphore, #tpu.memory_space<semaphore_mem>>) src(%arg6 : memref<128xf32, #tpu.memory_space<vmem>>) dst(%dma_wait3A_107 : memref<10240xf32, #tpu.memory_space<vmem_shared>>)
        tpu.yield
      }) : () -> ()
      %add3A_77 = arith.constant 2 : i32
      %add3A_78 = arith.addi %mul3A_44, %add3A_77 : i32
      %lt3A = arith.constant 78 : i32
      %lt3A_79 = arith.cmpi slt, %add3A_78, %lt3A : i32
      %convert_element_type3A = arith.extui %lt3A_79 : i1 to i32
      %cond3A = arith.constant 0 : i32
      %cond3A_80 = arith.cmpi ne, %convert_element_type3A, %cond3A : i32
      scf.if %cond3A_80 {
        %add3A_97 = arith.constant 2 : i32
        %add3A_98 = arith.addi %mul3A_44, %add3A_97 : i32
        %mul3A_99 = arith.constant 128 : i32
        %mul3A_100 = arith.muli %add3A_98, %mul3A_99 : i32
        %dma_start3A_101 = arith.constant 1 : i32
        %dma_start3A_102 = arith.constant 0 : i32
        %dma_start3A_103 = arith.constant 0 : i32
        %dma_start3A_104 = tpu.memref_slice %arg4[%dma_start3A_102, %dma_start3A_103] : memref<2x128xi32, #tpu.memory_space<vmem>> -> memref<1x128xi32, #tpu.memory_space<vmem>>
        %dma_start3A_105 = tpu.memref_squeeze %dma_start3A_104 : memref<1x128xi32, #tpu.memory_space<vmem>> -> memref<128xi32, #tpu.memory_space<vmem>>
        %dma_start3A_106 = tpu.memref_slice %arg2[%dma_start3A_101, %add3A, %mul3A_100] : memref<2x32x10000xi32, #tpu.memory_space<hbm>> -> memref<1x1x128xi32, #tpu.memory_space<hbm>>
        %dma_start3A_107 = tpu.memref_squeeze %dma_start3A_106 : memref<1x1x128xi32, #tpu.memory_space<hbm>> -> memref<128xi32, #tpu.memory_space<hbm>>
        %dma_start3A_108 = arith.constant 0 : i32
        %dma_start3A_109 = tpu.memref_slice %arg4[%dma_start3A_102, %dma_start3A_108] : memref<2x128xi32, #tpu.memory_space<vmem>> -> memref<1x128xi32, #tpu.memory_space<vmem>>
        %dma_start3A_110 = tpu.memref_squeeze %dma_start3A_109 : memref<1x128xi32, #tpu.memory_space<vmem>> -> memref<128xi32, #tpu.memory_space<vmem>>
        %dma_start3A_111 = tpu.memref_slice %arg2[%dma_start3A_101, %add3A, %mul3A_100] : memref<2x32x10000xi32, #tpu.memory_space<hbm>> -> memref<1x1x128xi32, #tpu.memory_space<hbm>>
        %dma_start3A_112 = tpu.memref_squeeze %dma_start3A_111 : memref<1x1x128xi32, #tpu.memory_space<hbm>> -> memref<128xi32, #tpu.memory_space<hbm>>
        tpu.enqueue_dma source(%dma_start3A_112 : memref<128xi32, #tpu.memory_space<hbm>>) target(%dma_start3A_110 : memref<128xi32, #tpu.memory_space<vmem>>) target_semaphore(%arg9 : memref<!tpu.dma_semaphore, #tpu.memory_space<semaphore_mem>>)
      } else {
      }
      %mul3A_81 = arith.constant 128 : i32
      %mul3A_82 = arith.muli %add3A_48, %mul3A_81 : i32
      %dma_wait3A_83 = arith.constant 1 : i32
      %dma_wait3A_84 = arith.constant 1 : i32
      %dma_wait3A_85 = arith.constant 0 : i32
      %dma_wait3A_86 = tpu.memref_slice %arg4[%dma_wait3A_84, %dma_wait3A_85] : memref<2x128xi32, #tpu.memory_space<vmem>> -> memref<1x128xi32, #tpu.memory_space<vmem>>
      %dma_wait3A_87 = tpu.memref_squeeze %dma_wait3A_86 : memref<1x128xi32, #tpu.memory_space<vmem>> -> memref<128xi32, #tpu.memory_space<vmem>>
      %dma_wait3A_88 = tpu.memref_slice %arg2[%dma_wait3A_83, %add3A, %mul3A_82] : memref<2x32x10000xi32, #tpu.memory_space<hbm>> -> memref<1x1x128xi32, #tpu.memory_space<hbm>>
      %dma_wait3A_89 = tpu.memref_squeeze %dma_wait3A_88 : memref<1x1x128xi32, #tpu.memory_space<hbm>> -> memref<128xi32, #tpu.memory_space<hbm>>
      %dma_wait3A_90 = arith.constant 0 : i32
      %dma_wait3A_91 = tpu.memref_slice %arg4[%dma_wait3A_84, %dma_wait3A_90] : memref<2x128xi32, #tpu.memory_space<vmem>> -> memref<1x128xi32, #tpu.memory_space<vmem>>
      %dma_wait3A_92 = tpu.memref_squeeze %dma_wait3A_91 : memref<1x128xi32, #tpu.memory_space<vmem>> -> memref<128xi32, #tpu.memory_space<vmem>>
      %dma_wait3A_93 = tpu.memref_slice %arg2[%dma_wait3A_83, %add3A, %mul3A_82] : memref<2x32x10000xi32, #tpu.memory_space<hbm>> -> memref<1x1x128xi32, #tpu.memory_space<hbm>>
      %dma_wait3A_94 = tpu.memref_squeeze %dma_wait3A_93 : memref<1x1x128xi32, #tpu.memory_space<hbm>> -> memref<128xi32, #tpu.memory_space<hbm>>
      tpu.wait_dma2 semaphore(%arg10 : memref<!tpu.dma_semaphore, #tpu.memory_space<semaphore_mem>>) src(%dma_wait3A_94 : memref<128xi32, #tpu.memory_space<hbm>>) dst(%dma_wait3A_92 : memref<128xi32, #tpu.memory_space<vmem>>)
      %run_scoped3A_95 = arith.constant 1 : i32
      "tpu.region"() ({
        %run_scoped3A_97 = tpu.sem_alloc : memref<!tpu.dma_semaphore, #tpu.memory_space<semaphore_mem>>
        %dma_start3A_98 = arith.constant 0 : i32
        %dma_start3A_99 = tpu.memref_slice %arg4[%run_scoped3A_95, %dma_start3A_98] : memref<2x128xi32, #tpu.memory_space<vmem>> -> memref<1x128xi32, #tpu.memory_space<vmem>>
        %dma_start3A_100 = tpu.memref_squeeze %dma_start3A_99 : memref<1x128xi32, #tpu.memory_space<vmem>> -> memref<128xi32, #tpu.memory_space<vmem>>
        %dma_start3A_101 = arith.constant 0 : i32
        %dma_start3A_102 = tpu.memref_slice %arg8[%dma_start3A_101] : memref<10240xf32, #tpu.memory_space<vmem_shared>> -> memref<10240xf32, #tpu.memory_space<vmem_shared>>
        tpu.enqueue_indirect_dma source(%arg6 : memref<128xf32, #tpu.memory_space<vmem>>) target(%dma_start3A_102 : memref<10240xf32, #tpu.memory_space<vmem_shared>>) offsets(%dma_start3A_100 : memref<128xi32, #tpu.memory_space<vmem>>) semaphore(%run_scoped3A_97 : memref<!tpu.dma_semaphore, #tpu.memory_space<semaphore_mem>>) {add = true}
        %dma_wait3A_103 = arith.constant 0 : i32
        %dma_wait3A_104 = tpu.memref_slice %arg4[%run_scoped3A_95, %dma_wait3A_103] : memref<2x128xi32, #tpu.memory_space<vmem>> -> memref<1x128xi32, #tpu.memory_space<vmem>>
        %dma_wait3A_105 = tpu.memref_squeeze %dma_wait3A_104 : memref<1x128xi32, #tpu.memory_space<vmem>> -> memref<128xi32, #tpu.memory_space<vmem>>
        %dma_wait3A_106 = arith.constant 0 : i32
        %dma_wait3A_107 = tpu.memref_slice %arg8[%dma_wait3A_106] : memref<10240xf32, #tpu.memory_space<vmem_shared>> -> memref<10240xf32, #tpu.memory_space<vmem_shared>>
        tpu.wait_indirect_dma semaphore(%run_scoped3A_97 : memref<!tpu.dma_semaphore, #tpu.memory_space<semaphore_mem>>) src(%arg6 : memref<128xf32, #tpu.memory_space<vmem>>) dst(%dma_wait3A_107 : memref<10240xf32, #tpu.memory_space<vmem_shared>>)
        tpu.yield
      }) : () -> ()
      %scan3A_96 = arith.constant 0 : i32
      scf.yield %scan3A_96 : i32
    }
    %scan3A_35 = arith.constant 39 : i32
    %run_scoped3A = arith.constant 1 : i32
    "tpu.region"() ({
      %run_scoped3A_41 = tpu.sem_alloc : memref<!tpu.dma_semaphore, #tpu.memory_space<semaphore_mem>>
      %dma_start3A_42 = arith.constant 9984 : i32
      %dma_start3A_43 = tpu.memref_slice %arg2[%run_scoped3A, %add3A, %dma_start3A_42] : memref<2x32x10000xi32, #tpu.memory_space<hbm>> -> memref<1x1x16xi32, #tpu.memory_space<hbm>>
      %dma_start3A_44 = tpu.memref_squeeze %dma_start3A_43 : memref<1x1x16xi32, #tpu.memory_space<hbm>> -> memref<16xi32, #tpu.memory_space<hbm>>
      %dma_start3A_45 = arith.constant 9984 : i32
      %dma_start3A_46 = tpu.memref_slice %arg2[%run_scoped3A, %add3A, %dma_start3A_45] : memref<2x32x10000xi32, #tpu.memory_space<hbm>> -> memref<1x1x16xi32, #tpu.memory_space<hbm>>
      %dma_start3A_47 = tpu.memref_squeeze %dma_start3A_46 : memref<1x1x16xi32, #tpu.memory_space<hbm>> -> memref<16xi32, #tpu.memory_space<hbm>>
      tpu.enqueue_dma source(%dma_start3A_47 : memref<16xi32, #tpu.memory_space<hbm>>) target(%arg5 : memref<16xi32, #tpu.memory_space<vmem>>) target_semaphore(%run_scoped3A_41 : memref<!tpu.dma_semaphore, #tpu.memory_space<semaphore_mem>>)
      %dma_wait3A = arith.constant 9984 : i32
      %dma_wait3A_48 = tpu.memref_slice %arg2[%run_scoped3A, %add3A, %dma_wait3A] : memref<2x32x10000xi32, #tpu.memory_space<hbm>> -> memref<1x1x16xi32, #tpu.memory_space<hbm>>
      %dma_wait3A_49 = tpu.memref_squeeze %dma_wait3A_48 : memref<1x1x16xi32, #tpu.memory_space<hbm>> -> memref<16xi32, #tpu.memory_space<hbm>>
      %dma_wait3A_50 = arith.constant 9984 : i32
      %dma_wait3A_51 = tpu.memref_slice %arg2[%run_scoped3A, %add3A, %dma_wait3A_50] : memref<2x32x10000xi32, #tpu.memory_space<hbm>> -> memref<1x1x16xi32, #tpu.memory_space<hbm>>
      %dma_wait3A_52 = tpu.memref_squeeze %dma_wait3A_51 : memref<1x1x16xi32, #tpu.memory_space<hbm>> -> memref<16xi32, #tpu.memory_space<hbm>>
      tpu.wait_dma2 semaphore(%run_scoped3A_41 : memref<!tpu.dma_semaphore, #tpu.memory_space<semaphore_mem>>) src(%dma_wait3A_52 : memref<16xi32, #tpu.memory_space<hbm>>) dst(%arg5 : memref<16xi32, #tpu.memory_space<vmem>>)
      tpu.yield
    }) : () -> ()
    "tpu.region"() ({
      %run_scoped3A_41 = tpu.sem_alloc : memref<!tpu.dma_semaphore, #tpu.memory_space<semaphore_mem>>
      %dma_start3A_42 = arith.constant 0 : i32
      %dma_start3A_43 = tpu.memref_slice %arg6[%dma_start3A_42] : memref<128xf32, #tpu.memory_space<vmem>> -> memref<16xf32, #tpu.memory_space<vmem>>
      %dma_start3A_44 = arith.constant 0 : i32
      %dma_start3A_45 = tpu.memref_slice %arg8[%dma_start3A_44] : memref<10240xf32, #tpu.memory_space<vmem_shared>> -> memref<10240xf32, #tpu.memory_space<vmem_shared>>
      tpu.enqueue_indirect_dma source(%dma_start3A_43 : memref<16xf32, #tpu.memory_space<vmem>>) target(%dma_start3A_45 : memref<10240xf32, #tpu.memory_space<vmem_shared>>) offsets(%arg5 : memref<16xi32, #tpu.memory_space<vmem>>) semaphore(%run_scoped3A_41 : memref<!tpu.dma_semaphore, #tpu.memory_space<semaphore_mem>>) {add = true}
      %dma_wait3A = arith.constant 0 : i32
      %dma_wait3A_46 = tpu.memref_slice %arg6[%dma_wait3A] : memref<128xf32, #tpu.memory_space<vmem>> -> memref<16xf32, #tpu.memory_space<vmem>>
      %dma_wait3A_47 = arith.constant 0 : i32
      %dma_wait3A_48 = tpu.memref_slice %arg8[%dma_wait3A_47] : memref<10240xf32, #tpu.memory_space<vmem_shared>> -> memref<10240xf32, #tpu.memory_space<vmem_shared>>
      tpu.wait_indirect_dma semaphore(%run_scoped3A_41 : memref<!tpu.dma_semaphore, #tpu.memory_space<semaphore_mem>>) src(%dma_wait3A_46 : memref<16xf32, #tpu.memory_space<vmem>>) dst(%dma_wait3A_48 : memref<10240xf32, #tpu.memory_space<vmem_shared>>)
      tpu.yield
    }) : () -> ()
    %barrier3A_36 = arith.constant 0 : index
    tpu.barrier barrier_id(%barrier3A_36)
    %mul3A_37 = arith.constant 640 : i32
    %mul3A_38 = arith.muli %arg1, %mul3A_37 : i32
    %mul3A_39 = arith.constant 640 : i32
    %mul3A_40 = arith.muli %arg1, %mul3A_39 : i32
    "tpu.region"() ({
      %run_scoped3A_41 = tpu.sem_alloc : memref<!tpu.dma_semaphore, #tpu.memory_space<semaphore_mem>>
      %dma_start3A_42 = tpu.memref_slice %arg3[%arg0, %mul3A_40] : memref<2x10240xf32, #tpu.memory_space<hbm>> -> memref<1x640xf32, #tpu.memory_space<hbm>>
      %dma_start3A_43 = tpu.memref_squeeze %dma_start3A_42 : memref<1x640xf32, #tpu.memory_space<hbm>> -> memref<640xf32, #tpu.memory_space<hbm>>
      %dma_start3A_44 = tpu.memref_slice %arg8[%mul3A_38] : memref<10240xf32, #tpu.memory_space<vmem_shared>> -> memref<640xf32, #tpu.memory_space<vmem_shared>>
      tpu.enqueue_dma source(%dma_start3A_44 : memref<640xf32, #tpu.memory_space<vmem_shared>>) target(%dma_start3A_43 : memref<640xf32, #tpu.memory_space<hbm>>) target_semaphore(%run_scoped3A_41 : memref<!tpu.dma_semaphore, #tpu.memory_space<semaphore_mem>>)
      %dma_wait3A = tpu.memref_slice %arg3[%arg0, %mul3A_40] : memref<2x10240xf32, #tpu.memory_space<hbm>> -> memref<1x640xf32, #tpu.memory_space<hbm>>
      %dma_wait3A_45 = tpu.memref_squeeze %dma_wait3A : memref<1x640xf32, #tpu.memory_space<hbm>> -> memref<640xf32, #tpu.memory_space<hbm>>
      %dma_wait3A_46 = tpu.memref_slice %arg8[%mul3A_38] : memref<10240xf32, #tpu.memory_space<vmem_shared>> -> memref<640xf32, #tpu.memory_space<vmem_shared>>
      tpu.wait_dma2 semaphore(%run_scoped3A_41 : memref<!tpu.dma_semaphore, #tpu.memory_space<semaphore_mem>>) src(%dma_wait3A_46 : memref<640xf32, #tpu.memory_space<vmem_shared>>) dst(%dma_wait3A_45 : memref<640xf32, #tpu.memory_space<hbm>>)
      tpu.yield
    }) : () -> ()
    return
  }
}

#map = affine_map<(d0, d1) -> (0, 0)>
#map1 = affine_map<(d0, d1) -> (0, 0, 0)>
module attributes {stable_mosaic.version = 14 : i64} {
  func.func @_sc_gather_scatter(%arg0: i32, %arg1: i32, %arg2: memref<10000x128xf32, #tpu.memory_space<hbm>>, %arg3: memref<2x32x10000xi32, #tpu.memory_space<hbm>>, %arg4: memref<2x10240x128xf32, #tpu.memory_space<hbm>>, %arg5: memref<2x128xi32, #tpu.memory_space<vmem>>, %arg6: memref<2x128xi32, #tpu.memory_space<vmem>>, %arg7: memref<16xi32, #tpu.memory_space<vmem>>, %arg8: memref<16xi32, #tpu.memory_space<vmem>>, %arg9: memref<128x128xf32, #tpu.memory_space<vmem>>, %arg10: memref<128x128xf32, #tpu.memory_space<vmem>>, %arg11: memref<10240x128xf32, #tpu.memory_space<vmem_shared>>, %arg12: memref<!tpu.dma_semaphore, #tpu.memory_space<semaphore_mem>>, %arg13: memref<!tpu.dma_semaphore, #tpu.memory_space<semaphore_mem>>, %arg14: memref<!tpu.dma_semaphore, #tpu.memory_space<semaphore_mem>>, %arg15: memref<!tpu.dma_semaphore, #tpu.memory_space<semaphore_mem>>, %arg16: memref<!tpu.dma_semaphore, #tpu.memory_space<semaphore_mem>>, %arg17: memref<!tpu.dma_semaphore, #tpu.memory_space<semaphore_mem>>) attributes {dimension_semantics = [#tpu.dimension_semantics<core_parallel>, #tpu.dimension_semantics<subcore_parallel>], iteration_bounds = array<i64: 2, 16>, scalar_prefetch = 0 : i64, scratch_operands = 13 : i64, tpu.core_type = #tpu.core_type<sc_vector_subcore>, window_params = [{transform_indices = #map}, {transform_indices = #map1}, {transform_indices = #map1}]} {
    %mul3A = arith.constant 16 : i32
    %mul3A_0 = arith.muli %arg0, %mul3A : i32
    %add3A = arith.addi %mul3A_0, %arg1 : i32
    %scan3A = arith.constant 0 : i32
    %scan3A_1 = arith.constant 0 : i32
    %scan3A_2 = arith.constant 128 : i32
    %scan3A_3 = arith.addi %scan3A_1, %scan3A_2 : i32
    %scan3A_4 = arith.constant 1 : i32
    %scan3A_5 = scf.for %scan3A_148 = %scan3A_1 to %scan3A_3 step %scan3A_4 iter_args(%scan3A_149 = %scan3A) -> (i32)  : i32 {
      %broadcast_in_dim3A = arith.constant 0.000000e+00 : f32
      %broadcast_in_dim3A_150 = vector.broadcast %broadcast_in_dim3A : f32 to vector<16xf32>
      %swap3A = arith.index_cast %scan3A_148 : i32 to index
      %swap3A_151 = arith.constant 0 : index
      %swap3A_152 = tpu.vector_load %arg9[%swap3A, %swap3A_151] {strides = array<i32>} : memref<128x128xf32, #tpu.memory_space<vmem>>, vector<1x16xf32>,
      %swap3A_153 = vector.shape_cast %swap3A_152 : vector<1x16xf32> to vector<16xf32>
      %swap3A_154 = vector.shape_cast %broadcast_in_dim3A_150 : vector<16xf32> to vector<1x16xf32>
      tpu.vector_store %arg9[%swap3A, %swap3A_151], %swap3A_154 {strides = array<i32>} : memref<128x128xf32, #tpu.memory_space<vmem>>, vector<1x16xf32>,
      %broadcast_in_dim3A_155 = arith.constant 0.000000e+00 : f32
      %broadcast_in_dim3A_156 = vector.broadcast %broadcast_in_dim3A_155 : f32 to vector<16xf32>
      %swap3A_157 = arith.index_cast %scan3A_148 : i32 to index
      %swap3A_158 = arith.constant 16 : index
      %swap3A_159 = tpu.vector_load %arg9[%swap3A_157, %swap3A_158] {strides = array<i32>} : memref<128x128xf32, #tpu.memory_space<vmem>>, vector<1x16xf32>,
      %swap3A_160 = vector.shape_cast %swap3A_159 : vector<1x16xf32> to vector<16xf32>
      %swap3A_161 = vector.shape_cast %broadcast_in_dim3A_156 : vector<16xf32> to vector<1x16xf32>
      tpu.vector_store %arg9[%swap3A_157, %swap3A_158], %swap3A_161 {strides = array<i32>} : memref<128x128xf32, #tpu.memory_space<vmem>>, vector<1x16xf32>,
      %broadcast_in_dim3A_162 = arith.constant 0.000000e+00 : f32
      %broadcast_in_dim3A_163 = vector.broadcast %broadcast_in_dim3A_162 : f32 to vector<16xf32>
      %swap3A_164 = arith.index_cast %scan3A_148 : i32 to index
      %swap3A_165 = arith.constant 32 : index
      %swap3A_166 = tpu.vector_load %arg9[%swap3A_164, %swap3A_165] {strides = array<i32>} : memref<128x128xf32, #tpu.memory_space<vmem>>, vector<1x16xf32>,
      %swap3A_167 = vector.shape_cast %swap3A_166 : vector<1x16xf32> to vector<16xf32>
      %swap3A_168 = vector.shape_cast %broadcast_in_dim3A_163 : vector<16xf32> to vector<1x16xf32>
      tpu.vector_store %arg9[%swap3A_164, %swap3A_165], %swap3A_168 {strides = array<i32>} : memref<128x128xf32, #tpu.memory_space<vmem>>, vector<1x16xf32>,
      %broadcast_in_dim3A_169 = arith.constant 0.000000e+00 : f32
      %broadcast_in_dim3A_170 = vector.broadcast %broadcast_in_dim3A_169 : f32 to vector<16xf32>
      %swap3A_171 = arith.index_cast %scan3A_148 : i32 to index
      %swap3A_172 = arith.constant 48 : index
      %swap3A_173 = tpu.vector_load %arg9[%swap3A_171, %swap3A_172] {strides = array<i32>} : memref<128x128xf32, #tpu.memory_space<vmem>>, vector<1x16xf32>,
      %swap3A_174 = vector.shape_cast %swap3A_173 : vector<1x16xf32> to vector<16xf32>
      %swap3A_175 = vector.shape_cast %broadcast_in_dim3A_170 : vector<16xf32> to vector<1x16xf32>
      tpu.vector_store %arg9[%swap3A_171, %swap3A_172], %swap3A_175 {strides = array<i32>} : memref<128x128xf32, #tpu.memory_space<vmem>>, vector<1x16xf32>,
      %broadcast_in_dim3A_176 = arith.constant 0.000000e+00 : f32
      %broadcast_in_dim3A_177 = vector.broadcast %broadcast_in_dim3A_176 : f32 to vector<16xf32>
      %swap3A_178 = arith.index_cast %scan3A_148 : i32 to index
      %swap3A_179 = arith.constant 64 : index
      %swap3A_180 = tpu.vector_load %arg9[%swap3A_178, %swap3A_179] {strides = array<i32>} : memref<128x128xf32, #tpu.memory_space<vmem>>, vector<1x16xf32>,
      %swap3A_181 = vector.shape_cast %swap3A_180 : vector<1x16xf32> to vector<16xf32>
      %swap3A_182 = vector.shape_cast %broadcast_in_dim3A_177 : vector<16xf32> to vector<1x16xf32>
      tpu.vector_store %arg9[%swap3A_178, %swap3A_179], %swap3A_182 {strides = array<i32>} : memref<128x128xf32, #tpu.memory_space<vmem>>, vector<1x16xf32>,
      %broadcast_in_dim3A_183 = arith.constant 0.000000e+00 : f32
      %broadcast_in_dim3A_184 = vector.broadcast %broadcast_in_dim3A_183 : f32 to vector<16xf32>
      %swap3A_185 = arith.index_cast %scan3A_148 : i32 to index
      %swap3A_186 = arith.constant 80 : index
      %swap3A_187 = tpu.vector_load %arg9[%swap3A_185, %swap3A_186] {strides = array<i32>} : memref<128x128xf32, #tpu.memory_space<vmem>>, vector<1x16xf32>,
      %swap3A_188 = vector.shape_cast %swap3A_187 : vector<1x16xf32> to vector<16xf32>
      %swap3A_189 = vector.shape_cast %broadcast_in_dim3A_184 : vector<16xf32> to vector<1x16xf32>
      tpu.vector_store %arg9[%swap3A_185, %swap3A_186], %swap3A_189 {strides = array<i32>} : memref<128x128xf32, #tpu.memory_space<vmem>>, vector<1x16xf32>,
      %broadcast_in_dim3A_190 = arith.constant 0.000000e+00 : f32
      %broadcast_in_dim3A_191 = vector.broadcast %broadcast_in_dim3A_190 : f32 to vector<16xf32>
      %swap3A_192 = arith.index_cast %scan3A_148 : i32 to index
      %swap3A_193 = arith.constant 96 : index
      %swap3A_194 = tpu.vector_load %arg9[%swap3A_192, %swap3A_193] {strides = array<i32>} : memref<128x128xf32, #tpu.memory_space<vmem>>, vector<1x16xf32>,
      %swap3A_195 = vector.shape_cast %swap3A_194 : vector<1x16xf32> to vector<16xf32>
      %swap3A_196 = vector.shape_cast %broadcast_in_dim3A_191 : vector<16xf32> to vector<1x16xf32>
      tpu.vector_store %arg9[%swap3A_192, %swap3A_193], %swap3A_196 {strides = array<i32>} : memref<128x128xf32, #tpu.memory_space<vmem>>, vector<1x16xf32>,
      %broadcast_in_dim3A_197 = arith.constant 0.000000e+00 : f32
      %broadcast_in_dim3A_198 = vector.broadcast %broadcast_in_dim3A_197 : f32 to vector<16xf32>
      %swap3A_199 = arith.index_cast %scan3A_148 : i32 to index
      %swap3A_200 = arith.constant 112 : index
      %swap3A_201 = tpu.vector_load %arg9[%swap3A_199, %swap3A_200] {strides = array<i32>} : memref<128x128xf32, #tpu.memory_space<vmem>>, vector<1x16xf32>,
      %swap3A_202 = vector.shape_cast %swap3A_201 : vector<1x16xf32> to vector<16xf32>
      %swap3A_203 = vector.shape_cast %broadcast_in_dim3A_198 : vector<16xf32> to vector<1x16xf32>
      tpu.vector_store %arg9[%swap3A_199, %swap3A_200], %swap3A_203 {strides = array<i32>} : memref<128x128xf32, #tpu.memory_space<vmem>>, vector<1x16xf32>,
      %scan3A_204 = arith.constant 0 : i32
      scf.yield %scan3A_204 : i32
    }
    %scan3A_6 = arith.constant 128 : i32
    %mul3A_7 = arith.constant 640 : i32
    %mul3A_8 = arith.muli %arg1, %mul3A_7 : i32
    %add3A_9 = arith.constant 0 : i32
    %add3A_10 = arith.addi %mul3A_8, %add3A_9 : i32
    "tpu.region"() ({
      %run_scoped3A_148 = tpu.sem_alloc : memref<!tpu.dma_semaphore, #tpu.memory_space<semaphore_mem>>
      %dma_start3A_149 = arith.constant 0 : i32
      %dma_start3A_150 = tpu.memref_slice %arg11[%add3A_10, %dma_start3A_149] : memref<10240x128xf32, #tpu.memory_space<vmem_shared>> -> memref<128x128xf32, #tpu.memory_space<vmem_shared>>
      %dma_start3A_151 = arith.constant 0 : i32
      %dma_start3A_152 = tpu.memref_slice %arg11[%add3A_10, %dma_start3A_151] : memref<10240x128xf32, #tpu.memory_space<vmem_shared>> -> memref<128x128xf32, #tpu.memory_space<vmem_shared>>
      tpu.enqueue_dma source(%arg9 : memref<128x128xf32, #tpu.memory_space<vmem>>) target(%dma_start3A_152 : memref<128x128xf32, #tpu.memory_space<vmem_shared>>) target_semaphore(%run_scoped3A_148 : memref<!tpu.dma_semaphore, #tpu.memory_space<semaphore_mem>>)
      %dma_wait3A_153 = arith.constant 0 : i32
      %dma_wait3A_154 = tpu.memref_slice %arg11[%add3A_10, %dma_wait3A_153] : memref<10240x128xf32, #tpu.memory_space<vmem_shared>> -> memref<128x128xf32, #tpu.memory_space<vmem_shared>>
      %dma_wait3A_155 = arith.constant 0 : i32
      %dma_wait3A_156 = tpu.memref_slice %arg11[%add3A_10, %dma_wait3A_155] : memref<10240x128xf32, #tpu.memory_space<vmem_shared>> -> memref<128x128xf32, #tpu.memory_space<vmem_shared>>
      tpu.wait_dma2 semaphore(%run_scoped3A_148 : memref<!tpu.dma_semaphore, #tpu.memory_space<semaphore_mem>>) src(%arg9 : memref<128x128xf32, #tpu.memory_space<vmem>>) dst(%dma_wait3A_156 : memref<128x128xf32, #tpu.memory_space<vmem_shared>>)
      tpu.yield
    }) : () -> ()
    %mul3A_11 = arith.constant 640 : i32
    %mul3A_12 = arith.muli %arg1, %mul3A_11 : i32
    %add3A_13 = arith.constant 128 : i32
    %add3A_14 = arith.addi %mul3A_12, %add3A_13 : i32
    "tpu.region"() ({
      %run_scoped3A_148 = tpu.sem_alloc : memref<!tpu.dma_semaphore, #tpu.memory_space<semaphore_mem>>
      %dma_start3A_149 = arith.constant 0 : i32
      %dma_start3A_150 = tpu.memref_slice %arg11[%add3A_14, %dma_start3A_149] : memref<10240x128xf32, #tpu.memory_space<vmem_shared>> -> memref<128x128xf32, #tpu.memory_space<vmem_shared>>
      %dma_start3A_151 = arith.constant 0 : i32
      %dma_start3A_152 = tpu.memref_slice %arg11[%add3A_14, %dma_start3A_151] : memref<10240x128xf32, #tpu.memory_space<vmem_shared>> -> memref<128x128xf32, #tpu.memory_space<vmem_shared>>
      tpu.enqueue_dma source(%arg9 : memref<128x128xf32, #tpu.memory_space<vmem>>) target(%dma_start3A_152 : memref<128x128xf32, #tpu.memory_space<vmem_shared>>) target_semaphore(%run_scoped3A_148 : memref<!tpu.dma_semaphore, #tpu.memory_space<semaphore_mem>>)
      %dma_wait3A_153 = arith.constant 0 : i32
      %dma_wait3A_154 = tpu.memref_slice %arg11[%add3A_14, %dma_wait3A_153] : memref<10240x128xf32, #tpu.memory_space<vmem_shared>> -> memref<128x128xf32, #tpu.memory_space<vmem_shared>>
      %dma_wait3A_155 = arith.constant 0 : i32
      %dma_wait3A_156 = tpu.memref_slice %arg11[%add3A_14, %dma_wait3A_155] : memref<10240x128xf32, #tpu.memory_space<vmem_shared>> -> memref<128x128xf32, #tpu.memory_space<vmem_shared>>
      tpu.wait_dma2 semaphore(%run_scoped3A_148 : memref<!tpu.dma_semaphore, #tpu.memory_space<semaphore_mem>>) src(%arg9 : memref<128x128xf32, #tpu.memory_space<vmem>>) dst(%dma_wait3A_156 : memref<128x128xf32, #tpu.memory_space<vmem_shared>>)
      tpu.yield
    }) : () -> ()
    %mul3A_15 = arith.constant 640 : i32
    %mul3A_16 = arith.muli %arg1, %mul3A_15 : i32
    %add3A_17 = arith.constant 256 : i32
    %add3A_18 = arith.addi %mul3A_16, %add3A_17 : i32
    "tpu.region"() ({
      %run_scoped3A_148 = tpu.sem_alloc : memref<!tpu.dma_semaphore, #tpu.memory_space<semaphore_mem>>
      %dma_start3A_149 = arith.constant 0 : i32
      %dma_start3A_150 = tpu.memref_slice %arg11[%add3A_18, %dma_start3A_149] : memref<10240x128xf32, #tpu.memory_space<vmem_shared>> -> memref<128x128xf32, #tpu.memory_space<vmem_shared>>
      %dma_start3A_151 = arith.constant 0 : i32
      %dma_start3A_152 = tpu.memref_slice %arg11[%add3A_18, %dma_start3A_151] : memref<10240x128xf32, #tpu.memory_space<vmem_shared>> -> memref<128x128xf32, #tpu.memory_space<vmem_shared>>
      tpu.enqueue_dma source(%arg9 : memref<128x128xf32, #tpu.memory_space<vmem>>) target(%dma_start3A_152 : memref<128x128xf32, #tpu.memory_space<vmem_shared>>) target_semaphore(%run_scoped3A_148 : memref<!tpu.dma_semaphore, #tpu.memory_space<semaphore_mem>>)
      %dma_wait3A_153 = arith.constant 0 : i32
      %dma_wait3A_154 = tpu.memref_slice %arg11[%add3A_18, %dma_wait3A_153] : memref<10240x128xf32, #tpu.memory_space<vmem_shared>> -> memref<128x128xf32, #tpu.memory_space<vmem_shared>>
      %dma_wait3A_155 = arith.constant 0 : i32
      %dma_wait3A_156 = tpu.memref_slice %arg11[%add3A_18, %dma_wait3A_155] : memref<10240x128xf32, #tpu.memory_space<vmem_shared>> -> memref<128x128xf32, #tpu.memory_space<vmem_shared>>
      tpu.wait_dma2 semaphore(%run_scoped3A_148 : memref<!tpu.dma_semaphore, #tpu.memory_space<semaphore_mem>>) src(%arg9 : memref<128x128xf32, #tpu.memory_space<vmem>>) dst(%dma_wait3A_156 : memref<128x128xf32, #tpu.memory_space<vmem_shared>>)
      tpu.yield
    }) : () -> ()
    %mul3A_19 = arith.constant 640 : i32
    %mul3A_20 = arith.muli %arg1, %mul3A_19 : i32
    %add3A_21 = arith.constant 384 : i32
    %add3A_22 = arith.addi %mul3A_20, %add3A_21 : i32
    "tpu.region"() ({
      %run_scoped3A_148 = tpu.sem_alloc : memref<!tpu.dma_semaphore, #tpu.memory_space<semaphore_mem>>
      %dma_start3A_149 = arith.constant 0 : i32
      %dma_start3A_150 = tpu.memref_slice %arg11[%add3A_22, %dma_start3A_149] : memref<10240x128xf32, #tpu.memory_space<vmem_shared>> -> memref<128x128xf32, #tpu.memory_space<vmem_shared>>
      %dma_start3A_151 = arith.constant 0 : i32
      %dma_start3A_152 = tpu.memref_slice %arg11[%add3A_22, %dma_start3A_151] : memref<10240x128xf32, #tpu.memory_space<vmem_shared>> -> memref<128x128xf32, #tpu.memory_space<vmem_shared>>
      tpu.enqueue_dma source(%arg9 : memref<128x128xf32, #tpu.memory_space<vmem>>) target(%dma_start3A_152 : memref<128x128xf32, #tpu.memory_space<vmem_shared>>) target_semaphore(%run_scoped3A_148 : memref<!tpu.dma_semaphore, #tpu.memory_space<semaphore_mem>>)
      %dma_wait3A_153 = arith.constant 0 : i32
      %dma_wait3A_154 = tpu.memref_slice %arg11[%add3A_22, %dma_wait3A_153] : memref<10240x128xf32, #tpu.memory_space<vmem_shared>> -> memref<128x128xf32, #tpu.memory_space<vmem_shared>>
      %dma_wait3A_155 = arith.constant 0 : i32
      %dma_wait3A_156 = tpu.memref_slice %arg11[%add3A_22, %dma_wait3A_155] : memref<10240x128xf32, #tpu.memory_space<vmem_shared>> -> memref<128x128xf32, #tpu.memory_space<vmem_shared>>
      tpu.wait_dma2 semaphore(%run_scoped3A_148 : memref<!tpu.dma_semaphore, #tpu.memory_space<semaphore_mem>>) src(%arg9 : memref<128x128xf32, #tpu.memory_space<vmem>>) dst(%dma_wait3A_156 : memref<128x128xf32, #tpu.memory_space<vmem_shared>>)
      tpu.yield
    }) : () -> ()
    %mul3A_23 = arith.constant 640 : i32
    %mul3A_24 = arith.muli %arg1, %mul3A_23 : i32
    %add3A_25 = arith.constant 512 : i32
    %add3A_26 = arith.addi %mul3A_24, %add3A_25 : i32
    "tpu.region"() ({
      %run_scoped3A_148 = tpu.sem_alloc : memref<!tpu.dma_semaphore, #tpu.memory_space<semaphore_mem>>
      %dma_start3A_149 = arith.constant 0 : i32
      %dma_start3A_150 = tpu.memref_slice %arg11[%add3A_26, %dma_start3A_149] : memref<10240x128xf32, #tpu.memory_space<vmem_shared>> -> memref<128x128xf32, #tpu.memory_space<vmem_shared>>
      %dma_start3A_151 = arith.constant 0 : i32
      %dma_start3A_152 = tpu.memref_slice %arg11[%add3A_26, %dma_start3A_151] : memref<10240x128xf32, #tpu.memory_space<vmem_shared>> -> memref<128x128xf32, #tpu.memory_space<vmem_shared>>
      tpu.enqueue_dma source(%arg9 : memref<128x128xf32, #tpu.memory_space<vmem>>) target(%dma_start3A_152 : memref<128x128xf32, #tpu.memory_space<vmem_shared>>) target_semaphore(%run_scoped3A_148 : memref<!tpu.dma_semaphore, #tpu.memory_space<semaphore_mem>>)
      %dma_wait3A_153 = arith.constant 0 : i32
      %dma_wait3A_154 = tpu.memref_slice %arg11[%add3A_26, %dma_wait3A_153] : memref<10240x128xf32, #tpu.memory_space<vmem_shared>> -> memref<128x128xf32, #tpu.memory_space<vmem_shared>>
      %dma_wait3A_155 = arith.constant 0 : i32
      %dma_wait3A_156 = tpu.memref_slice %arg11[%add3A_26, %dma_wait3A_155] : memref<10240x128xf32, #tpu.memory_space<vmem_shared>> -> memref<128x128xf32, #tpu.memory_space<vmem_shared>>
      tpu.wait_dma2 semaphore(%run_scoped3A_148 : memref<!tpu.dma_semaphore, #tpu.memory_space<semaphore_mem>>) src(%arg9 : memref<128x128xf32, #tpu.memory_space<vmem>>) dst(%dma_wait3A_156 : memref<128x128xf32, #tpu.memory_space<vmem_shared>>)
      tpu.yield
    }) : () -> ()
    %barrier3A = arith.constant 0 : index
    tpu.barrier barrier_id(%barrier3A)
    %dma_start3A = arith.constant 0 : i32
    %dma_start3A_27 = arith.constant 0 : i32
    %dma_start3A_28 = arith.constant 0 : i32
    %dma_start3A_29 = tpu.memref_slice %arg5[%dma_start3A_27, %dma_start3A_28] : memref<2x128xi32, #tpu.memory_space<vmem>> -> memref<1x128xi32, #tpu.memory_space<vmem>>
    %dma_start3A_30 = tpu.memref_squeeze %dma_start3A_29 : memref<1x128xi32, #tpu.memory_space<vmem>> -> memref<128xi32, #tpu.memory_space<vmem>>
    %dma_start3A_31 = arith.constant 0 : i32
    %dma_start3A_32 = tpu.memref_slice %arg3[%dma_start3A, %add3A, %dma_start3A_31] : memref<2x32x10000xi32, #tpu.memory_space<hbm>> -> memref<1x1x128xi32, #tpu.memory_space<hbm>>
    %dma_start3A_33 = tpu.memref_squeeze %dma_start3A_32 : memref<1x1x128xi32, #tpu.memory_space<hbm>> -> memref<128xi32, #tpu.memory_space<hbm>>
    %dma_start3A_34 = arith.constant 0 : i32
    %dma_start3A_35 = tpu.memref_slice %arg5[%dma_start3A_27, %dma_start3A_34] : memref<2x128xi32, #tpu.memory_space<vmem>> -> memref<1x128xi32, #tpu.memory_space<vmem>>
    %dma_start3A_36 = tpu.memref_squeeze %dma_start3A_35 : memref<1x128xi32, #tpu.memory_space<vmem>> -> memref<128xi32, #tpu.memory_space<vmem>>
    %dma_start3A_37 = arith.constant 0 : i32
    %dma_start3A_38 = tpu.memref_slice %arg3[%dma_start3A, %add3A, %dma_start3A_37] : memref<2x32x10000xi32, #tpu.memory_space<hbm>> -> memref<1x1x128xi32, #tpu.memory_space<hbm>>
    %dma_start3A_39 = tpu.memref_squeeze %dma_start3A_38 : memref<1x1x128xi32, #tpu.memory_space<hbm>> -> memref<128xi32, #tpu.memory_space<hbm>>
    tpu.enqueue_dma source(%dma_start3A_39 : memref<128xi32, #tpu.memory_space<hbm>>) target(%dma_start3A_36 : memref<128xi32, #tpu.memory_space<vmem>>) target_semaphore(%arg12 : memref<!tpu.dma_semaphore, #tpu.memory_space<semaphore_mem>>)
    %dma_start3A_40 = arith.constant 1 : i32
    %dma_start3A_41 = arith.constant 0 : i32
    %dma_start3A_42 = arith.constant 0 : i32
    %dma_start3A_43 = tpu.memref_slice %arg6[%dma_start3A_41, %dma_start3A_42] : memref<2x128xi32, #tpu.memory_space<vmem>> -> memref<1x128xi32, #tpu.memory_space<vmem>>
    %dma_start3A_44 = tpu.memref_squeeze %dma_start3A_43 : memref<1x128xi32, #tpu.memory_space<vmem>> -> memref<128xi32, #tpu.memory_space<vmem>>
    %dma_start3A_45 = arith.constant 0 : i32
    %dma_start3A_46 = tpu.memref_slice %arg3[%dma_start3A_40, %add3A, %dma_start3A_45] : memref<2x32x10000xi32, #tpu.memory_space<hbm>> -> memref<1x1x128xi32, #tpu.memory_space<hbm>>
    %dma_start3A_47 = tpu.memref_squeeze %dma_start3A_46 : memref<1x1x128xi32, #tpu.memory_space<hbm>> -> memref<128xi32, #tpu.memory_space<hbm>>
    %dma_start3A_48 = arith.constant 0 : i32
    %dma_start3A_49 = tpu.memref_slice %arg6[%dma_start3A_41, %dma_start3A_48] : memref<2x128xi32, #tpu.memory_space<vmem>> -> memref<1x128xi32, #tpu.memory_space<vmem>>
    %dma_start3A_50 = tpu.memref_squeeze %dma_start3A_49 : memref<1x128xi32, #tpu.memory_space<vmem>> -> memref<128xi32, #tpu.memory_space<vmem>>
    %dma_start3A_51 = arith.constant 0 : i32
    %dma_start3A_52 = tpu.memref_slice %arg3[%dma_start3A_40, %add3A, %dma_start3A_51] : memref<2x32x10000xi32, #tpu.memory_space<hbm>> -> memref<1x1x128xi32, #tpu.memory_space<hbm>>
    %dma_start3A_53 = tpu.memref_squeeze %dma_start3A_52 : memref<1x1x128xi32, #tpu.memory_space<hbm>> -> memref<128xi32, #tpu.memory_space<hbm>>
    tpu.enqueue_dma source(%dma_start3A_53 : memref<128xi32, #tpu.memory_space<hbm>>) target(%dma_start3A_50 : memref<128xi32, #tpu.memory_space<vmem>>) target_semaphore(%arg13 : memref<!tpu.dma_semaphore, #tpu.memory_space<semaphore_mem>>)
    %dma_start3A_54 = arith.constant 0 : i32
    %dma_start3A_55 = arith.constant 1 : i32
    %dma_start3A_56 = arith.constant 0 : i32
    %dma_start3A_57 = tpu.memref_slice %arg5[%dma_start3A_55, %dma_start3A_56] : memref<2x128xi32, #tpu.memory_space<vmem>> -> memref<1x128xi32, #tpu.memory_space<vmem>>
    %dma_start3A_58 = tpu.memref_squeeze %dma_start3A_57 : memref<1x128xi32, #tpu.memory_space<vmem>> -> memref<128xi32, #tpu.memory_space<vmem>>
    %dma_start3A_59 = arith.constant 128 : i32
    %dma_start3A_60 = tpu.memref_slice %arg3[%dma_start3A_54, %add3A, %dma_start3A_59] : memref<2x32x10000xi32, #tpu.memory_space<hbm>> -> memref<1x1x128xi32, #tpu.memory_space<hbm>>
    %dma_start3A_61 = tpu.memref_squeeze %dma_start3A_60 : memref<1x1x128xi32, #tpu.memory_space<hbm>> -> memref<128xi32, #tpu.memory_space<hbm>>
    %dma_start3A_62 = arith.constant 0 : i32
    %dma_start3A_63 = tpu.memref_slice %arg5[%dma_start3A_55, %dma_start3A_62] : memref<2x128xi32, #tpu.memory_space<vmem>> -> memref<1x128xi32, #tpu.memory_space<vmem>>
    %dma_start3A_64 = tpu.memref_squeeze %dma_start3A_63 : memref<1x128xi32, #tpu.memory_space<vmem>> -> memref<128xi32, #tpu.memory_space<vmem>>
    %dma_start3A_65 = arith.constant 128 : i32
    %dma_start3A_66 = tpu.memref_slice %arg3[%dma_start3A_54, %add3A, %dma_start3A_65] : memref<2x32x10000xi32, #tpu.memory_space<hbm>> -> memref<1x1x128xi32, #tpu.memory_space<hbm>>
    %dma_start3A_67 = tpu.memref_squeeze %dma_start3A_66 : memref<1x1x128xi32, #tpu.memory_space<hbm>> -> memref<128xi32, #tpu.memory_space<hbm>>
    tpu.enqueue_dma source(%dma_start3A_67 : memref<128xi32, #tpu.memory_space<hbm>>) target(%dma_start3A_64 : memref<128xi32, #tpu.memory_space<vmem>>) target_semaphore(%arg14 : memref<!tpu.dma_semaphore, #tpu.memory_space<semaphore_mem>>)
    %dma_start3A_68 = arith.constant 1 : i32
    %dma_start3A_69 = arith.constant 1 : i32
    %dma_start3A_70 = arith.constant 0 : i32
    %dma_start3A_71 = tpu.memref_slice %arg6[%dma_start3A_69, %dma_start3A_70] : memref<2x128xi32, #tpu.memory_space<vmem>> -> memref<1x128xi32, #tpu.memory_space<vmem>>
    %dma_start3A_72 = tpu.memref_squeeze %dma_start3A_71 : memref<1x128xi32, #tpu.memory_space<vmem>> -> memref<128xi32, #tpu.memory_space<vmem>>
    %dma_start3A_73 = arith.constant 128 : i32
    %dma_start3A_74 = tpu.memref_slice %arg3[%dma_start3A_68, %add3A, %dma_start3A_73] : memref<2x32x10000xi32, #tpu.memory_space<hbm>> -> memref<1x1x128xi32, #tpu.memory_space<hbm>>
    %dma_start3A_75 = tpu.memref_squeeze %dma_start3A_74 : memref<1x1x128xi32, #tpu.memory_space<hbm>> -> memref<128xi32, #tpu.memory_space<hbm>>
    %dma_start3A_76 = arith.constant 0 : i32
    %dma_start3A_77 = tpu.memref_slice %arg6[%dma_start3A_69, %dma_start3A_76] : memref<2x128xi32, #tpu.memory_space<vmem>> -> memref<1x128xi32, #tpu.memory_space<vmem>>
    %dma_start3A_78 = tpu.memref_squeeze %dma_start3A_77 : memref<1x128xi32, #tpu.memory_space<vmem>> -> memref<128xi32, #tpu.memory_space<vmem>>
    %dma_start3A_79 = arith.constant 128 : i32
    %dma_start3A_80 = tpu.memref_slice %arg3[%dma_start3A_68, %add3A, %dma_start3A_79] : memref<2x32x10000xi32, #tpu.memory_space<hbm>> -> memref<1x1x128xi32, #tpu.memory_space<hbm>>
    %dma_start3A_81 = tpu.memref_squeeze %dma_start3A_80 : memref<1x1x128xi32, #tpu.memory_space<hbm>> -> memref<128xi32, #tpu.memory_space<hbm>>
    tpu.enqueue_dma source(%dma_start3A_81 : memref<128xi32, #tpu.memory_space<hbm>>) target(%dma_start3A_78 : memref<128xi32, #tpu.memory_space<vmem>>) target_semaphore(%arg15 : memref<!tpu.dma_semaphore, #tpu.memory_space<semaphore_mem>>)
    %dma_wait3A = arith.constant 0 : i32
    %dma_wait3A_82 = arith.constant 0 : i32
    %dma_wait3A_83 = arith.constant 0 : i32
    %dma_wait3A_84 = tpu.memref_slice %arg5[%dma_wait3A_82, %dma_wait3A_83] : memref<2x128xi32, #tpu.memory_space<vmem>> -> memref<1x128xi32, #tpu.memory_space<vmem>>
    %dma_wait3A_85 = tpu.memref_squeeze %dma_wait3A_84 : memref<1x128xi32, #tpu.memory_space<vmem>> -> memref<128xi32, #tpu.memory_space<vmem>>
    %dma_wait3A_86 = arith.constant 0 : i32
    %dma_wait3A_87 = tpu.memref_slice %arg3[%dma_wait3A, %add3A, %dma_wait3A_86] : memref<2x32x10000xi32, #tpu.memory_space<hbm>> -> memref<1x1x128xi32, #tpu.memory_space<hbm>>
    %dma_wait3A_88 = tpu.memref_squeeze %dma_wait3A_87 : memref<1x1x128xi32, #tpu.memory_space<hbm>> -> memref<128xi32, #tpu.memory_space<hbm>>
    %dma_wait3A_89 = arith.constant 0 : i32
    %dma_wait3A_90 = tpu.memref_slice %arg5[%dma_wait3A_82, %dma_wait3A_89] : memref<2x128xi32, #tpu.memory_space<vmem>> -> memref<1x128xi32, #tpu.memory_space<vmem>>
    %dma_wait3A_91 = tpu.memref_squeeze %dma_wait3A_90 : memref<1x128xi32, #tpu.memory_space<vmem>> -> memref<128xi32, #tpu.memory_space<vmem>>
    %dma_wait3A_92 = arith.constant 0 : i32
    %dma_wait3A_93 = tpu.memref_slice %arg3[%dma_wait3A, %add3A, %dma_wait3A_92] : memref<2x32x10000xi32, #tpu.memory_space<hbm>> -> memref<1x1x128xi32, #tpu.memory_space<hbm>>
    %dma_wait3A_94 = tpu.memref_squeeze %dma_wait3A_93 : memref<1x1x128xi32, #tpu.memory_space<hbm>> -> memref<128xi32, #tpu.memory_space<hbm>>
    tpu.wait_dma2 semaphore(%arg12 : memref<!tpu.dma_semaphore, #tpu.memory_space<semaphore_mem>>) src(%dma_wait3A_94 : memref<128xi32, #tpu.memory_space<hbm>>) dst(%dma_wait3A_91 : memref<128xi32, #tpu.memory_space<vmem>>)
    %dma_start3A_95 = arith.constant 0 : i32
    %dma_start3A_96 = arith.constant 0 : i32
    %dma_start3A_97 = tpu.memref_slice %arg5[%dma_start3A_95, %dma_start3A_96] : memref<2x128xi32, #tpu.memory_space<vmem>> -> memref<1x128xi32, #tpu.memory_space<vmem>>
    %dma_start3A_98 = tpu.memref_squeeze %dma_start3A_97 : memref<1x128xi32, #tpu.memory_space<vmem>> -> memref<128xi32, #tpu.memory_space<vmem>>
    %dma_start3A_99 = arith.constant 0 : i32
    %dma_start3A_100 = arith.constant 0 : i32
    %dma_start3A_101 = tpu.memref_slice %arg2[%dma_start3A_99, %dma_start3A_100] : memref<10000x128xf32, #tpu.memory_space<hbm>> -> memref<10000x128xf32, #tpu.memory_space<hbm>>
    tpu.enqueue_indirect_dma source(%dma_start3A_101 : memref<10000x128xf32, #tpu.memory_space<hbm>>) target(%arg9 : memref<128x128xf32, #tpu.memory_space<vmem>>) offsets(%dma_start3A_98 : memref<128xi32, #tpu.memory_space<vmem>>) semaphore(%arg16 : memref<!tpu.dma_semaphore, #tpu.memory_space<semaphore_mem>>)
    %dma_wait3A_102 = arith.constant 0 : i32
    %dma_wait3A_103 = arith.constant 1 : i32
    %dma_wait3A_104 = arith.constant 0 : i32
    %dma_wait3A_105 = tpu.memref_slice %arg5[%dma_wait3A_103, %dma_wait3A_104] : memref<2x128xi32, #tpu.memory_space<vmem>> -> memref<1x128xi32, #tpu.memory_space<vmem>>
    %dma_wait3A_106 = tpu.memref_squeeze %dma_wait3A_105 : memref<1x128xi32, #tpu.memory_space<vmem>> -> memref<128xi32, #tpu.memory_space<vmem>>
    %dma_wait3A_107 = arith.constant 128 : i32
    %dma_wait3A_108 = tpu.memref_slice %arg3[%dma_wait3A_102, %add3A, %dma_wait3A_107] : memref<2x32x10000xi32, #tpu.memory_space<hbm>> -> memref<1x1x128xi32, #tpu.memory_space<hbm>>
    %dma_wait3A_109 = tpu.memref_squeeze %dma_wait3A_108 : memref<1x1x128xi32, #tpu.memory_space<hbm>> -> memref<128xi32, #tpu.memory_space<hbm>>
    %dma_wait3A_110 = arith.constant 0 : i32
    %dma_wait3A_111 = tpu.memref_slice %arg5[%dma_wait3A_103, %dma_wait3A_110] : memref<2x128xi32, #tpu.memory_space<vmem>> -> memref<1x128xi32, #tpu.memory_space<vmem>>
    %dma_wait3A_112 = tpu.memref_squeeze %dma_wait3A_111 : memref<1x128xi32, #tpu.memory_space<vmem>> -> memref<128xi32, #tpu.memory_space<vmem>>
    %dma_wait3A_113 = arith.constant 128 : i32
    %dma_wait3A_114 = tpu.memref_slice %arg3[%dma_wait3A_102, %add3A, %dma_wait3A_113] : memref<2x32x10000xi32, #tpu.memory_space<hbm>> -> memref<1x1x128xi32, #tpu.memory_space<hbm>>
    %dma_wait3A_115 = tpu.memref_squeeze %dma_wait3A_114 : memref<1x1x128xi32, #tpu.memory_space<hbm>> -> memref<128xi32, #tpu.memory_space<hbm>>
    tpu.wait_dma2 semaphore(%arg14 : memref<!tpu.dma_semaphore, #tpu.memory_space<semaphore_mem>>) src(%dma_wait3A_115 : memref<128xi32, #tpu.memory_space<hbm>>) dst(%dma_wait3A_112 : memref<128xi32, #tpu.memory_space<vmem>>)
    %dma_start3A_116 = arith.constant 1 : i32
    %dma_start3A_117 = arith.constant 0 : i32
    %dma_start3A_118 = tpu.memref_slice %arg5[%dma_start3A_116, %dma_start3A_117] : memref<2x128xi32, #tpu.memory_space<vmem>> -> memref<1x128xi32, #tpu.memory_space<vmem>>
    %dma_start3A_119 = tpu.memref_squeeze %dma_start3A_118 : memref<1x128xi32, #tpu.memory_space<vmem>> -> memref<128xi32, #tpu.memory_space<vmem>>
    %dma_start3A_120 = arith.constant 0 : i32
    %dma_start3A_121 = arith.constant 0 : i32
    %dma_start3A_122 = tpu.memref_slice %arg2[%dma_start3A_120, %dma_start3A_121] : memref<10000x128xf32, #tpu.memory_space<hbm>> -> memref<10000x128xf32, #tpu.memory_space<hbm>>
    tpu.enqueue_indirect_dma source(%dma_start3A_122 : memref<10000x128xf32, #tpu.memory_space<hbm>>) target(%arg10 : memref<128x128xf32, #tpu.memory_space<vmem>>) offsets(%dma_start3A_119 : memref<128xi32, #tpu.memory_space<vmem>>) semaphore(%arg17 : memref<!tpu.dma_semaphore, #tpu.memory_space<semaphore_mem>>)
    %scan3A_123 = arith.constant 0 : i32
    %scan3A_124 = arith.constant 0 : i32
    %scan3A_125 = arith.constant 39 : i32
    %scan3A_126 = arith.addi %scan3A_124, %scan3A_125 : i32
    %scan3A_127 = arith.constant 1 : i32
    %scan3A_128 = scf.for %scan3A_148 = %scan3A_124 to %scan3A_126 step %scan3A_127 iter_args(%scan3A_149 = %scan3A_123) -> (i32)  : i32 {
      %mul3A_150 = arith.constant 2 : i32
      %mul3A_151 = arith.muli %mul3A_150, %scan3A_148 : i32
      %dma_wait3A_152 = arith.constant 0 : i32
      %dma_wait3A_153 = arith.constant 0 : i32
      %dma_wait3A_154 = tpu.memref_slice %arg5[%dma_wait3A_152, %dma_wait3A_153] : memref<2x128xi32, #tpu.memory_space<vmem>> -> memref<1x128xi32, #tpu.memory_space<vmem>>
      %dma_wait3A_155 = tpu.memref_squeeze %dma_wait3A_154 : memref<1x128xi32, #tpu.memory_space<vmem>> -> memref<128xi32, #tpu.memory_space<vmem>>
      %dma_wait3A_156 = arith.constant 0 : i32
      %dma_wait3A_157 = arith.constant 0 : i32
      %dma_wait3A_158 = tpu.memref_slice %arg2[%dma_wait3A_156, %dma_wait3A_157] : memref<10000x128xf32, #tpu.memory_space<hbm>> -> memref<10000x128xf32, #tpu.memory_space<hbm>>
      tpu.wait_indirect_dma semaphore(%arg16 : memref<!tpu.dma_semaphore, #tpu.memory_space<semaphore_mem>>) src(%dma_wait3A_158 : memref<10000x128xf32, #tpu.memory_space<hbm>>) dst(%arg9 : memref<128x128xf32, #tpu.memory_space<vmem>>)
      %mul3A_159 = arith.constant 128 : i32
      %mul3A_160 = arith.muli %mul3A_151, %mul3A_159 : i32
      %dma_wait3A_161 = arith.constant 1 : i32
      %dma_wait3A_162 = arith.constant 0 : i32
      %dma_wait3A_163 = arith.constant 0 : i32
      %dma_wait3A_164 = tpu.memref_slice %arg6[%dma_wait3A_162, %dma_wait3A_163] : memref<2x128xi32, #tpu.memory_space<vmem>> -> memref<1x128xi32, #tpu.memory_space<vmem>>
      %dma_wait3A_165 = tpu.memref_squeeze %dma_wait3A_164 : memref<1x128xi32, #tpu.memory_space<vmem>> -> memref<128xi32, #tpu.memory_space<vmem>>
      %dma_wait3A_166 = tpu.memref_slice %arg3[%dma_wait3A_161, %add3A, %mul3A_160] : memref<2x32x10000xi32, #tpu.memory_space<hbm>> -> memref<1x1x128xi32, #tpu.memory_space<hbm>>
      %dma_wait3A_167 = tpu.memref_squeeze %dma_wait3A_166 : memref<1x1x128xi32, #tpu.memory_space<hbm>> -> memref<128xi32, #tpu.memory_space<hbm>>
      %dma_wait3A_168 = arith.constant 0 : i32
      %dma_wait3A_169 = tpu.memref_slice %arg6[%dma_wait3A_162, %dma_wait3A_168] : memref<2x128xi32, #tpu.memory_space<vmem>> -> memref<1x128xi32, #tpu.memory_space<vmem>>
      %dma_wait3A_170 = tpu.memref_squeeze %dma_wait3A_169 : memref<1x128xi32, #tpu.memory_space<vmem>> -> memref<128xi32, #tpu.memory_space<vmem>>
      %dma_wait3A_171 = tpu.memref_slice %arg3[%dma_wait3A_161, %add3A, %mul3A_160] : memref<2x32x10000xi32, #tpu.memory_space<hbm>> -> memref<1x1x128xi32, #tpu.memory_space<hbm>>
      %dma_wait3A_172 = tpu.memref_squeeze %dma_wait3A_171 : memref<1x1x128xi32, #tpu.memory_space<hbm>> -> memref<128xi32, #tpu.memory_space<hbm>>
      tpu.wait_dma2 semaphore(%arg13 : memref<!tpu.dma_semaphore, #tpu.memory_space<semaphore_mem>>) src(%dma_wait3A_172 : memref<128xi32, #tpu.memory_space<hbm>>) dst(%dma_wait3A_170 : memref<128xi32, #tpu.memory_space<vmem>>)
      %run_scoped3A_173 = arith.constant 0 : i32
      "tpu.region"() ({
        %run_scoped3A_212 = tpu.sem_alloc : memref<!tpu.dma_semaphore, #tpu.memory_space<semaphore_mem>>
        %dma_start3A_213 = arith.constant 0 : i32
        %dma_start3A_214 = tpu.memref_slice %arg6[%run_scoped3A_173, %dma_start3A_213] : memref<2x128xi32, #tpu.memory_space<vmem>> -> memref<1x128xi32, #tpu.memory_space<vmem>>
        %dma_start3A_215 = tpu.memref_squeeze %dma_start3A_214 : memref<1x128xi32, #tpu.memory_space<vmem>> -> memref<128xi32, #tpu.memory_space<vmem>>
        %dma_start3A_216 = arith.constant 0 : i32
        %dma_start3A_217 = arith.constant 0 : i32
        %dma_start3A_218 = tpu.memref_slice %arg11[%dma_start3A_216, %dma_start3A_217] : memref<10240x128xf32, #tpu.memory_space<vmem_shared>> -> memref<10240x128xf32, #tpu.memory_space<vmem_shared>>
        tpu.enqueue_indirect_dma source(%arg9 : memref<128x128xf32, #tpu.memory_space<vmem>>) target(%dma_start3A_218 : memref<10240x128xf32, #tpu.memory_space<vmem_shared>>) offsets(%dma_start3A_215 : memref<128xi32, #tpu.memory_space<vmem>>) semaphore(%run_scoped3A_212 : memref<!tpu.dma_semaphore, #tpu.memory_space<semaphore_mem>>) {add = true}
        %dma_wait3A_219 = arith.constant 0 : i32
        %dma_wait3A_220 = tpu.memref_slice %arg6[%run_scoped3A_173, %dma_wait3A_219] : memref<2x128xi32, #tpu.memory_space<vmem>> -> memref<1x128xi32, #tpu.memory_space<vmem>>
        %dma_wait3A_221 = tpu.memref_squeeze %dma_wait3A_220 : memref<1x128xi32, #tpu.memory_space<vmem>> -> memref<128xi32, #tpu.memory_space<vmem>>
        %dma_wait3A_222 = arith.constant 0 : i32
        %dma_wait3A_223 = arith.constant 0 : i32
        %dma_wait3A_224 = tpu.memref_slice %arg11[%dma_wait3A_222, %dma_wait3A_223] : memref<10240x128xf32, #tpu.memory_space<vmem_shared>> -> memref<10240x128xf32, #tpu.memory_space<vmem_shared>>
        tpu.wait_indirect_dma semaphore(%run_scoped3A_212 : memref<!tpu.dma_semaphore, #tpu.memory_space<semaphore_mem>>) src(%arg9 : memref<128x128xf32, #tpu.memory_space<vmem>>) dst(%dma_wait3A_224 : memref<10240x128xf32, #tpu.memory_space<vmem_shared>>)
        tpu.yield
      }) : () -> ()
      %add3A_174 = arith.constant 2 : i32
      %add3A_175 = arith.addi %mul3A_151, %add3A_174 : i32
      %lt3A = arith.constant 78 : i32
      %lt3A_176 = arith.cmpi slt, %add3A_175, %lt3A : i32
      %convert_element_type3A = arith.extui %lt3A_176 : i1 to i32
      %cond3A = arith.constant 0 : i32
      %cond3A_177 = arith.cmpi ne, %convert_element_type3A, %cond3A : i32
      scf.if %cond3A_177 {
        %add3A_212 = arith.constant 2 : i32
        %add3A_213 = arith.addi %mul3A_151, %add3A_212 : i32
        %mul3A_214 = arith.constant 128 : i32
        %mul3A_215 = arith.muli %add3A_213, %mul3A_214 : i32
        %dma_start3A_216 = arith.constant 0 : i32
        %dma_start3A_217 = arith.constant 0 : i32
        %dma_start3A_218 = arith.constant 0 : i32
        %dma_start3A_219 = tpu.memref_slice %arg5[%dma_start3A_217, %dma_start3A_218] : memref<2x128xi32, #tpu.memory_space<vmem>> -> memref<1x128xi32, #tpu.memory_space<vmem>>
        %dma_start3A_220 = tpu.memref_squeeze %dma_start3A_219 : memref<1x128xi32, #tpu.memory_space<vmem>> -> memref<128xi32, #tpu.memory_space<vmem>>
        %dma_start3A_221 = tpu.memref_slice %arg3[%dma_start3A_216, %add3A, %mul3A_215] : memref<2x32x10000xi32, #tpu.memory_space<hbm>> -> memref<1x1x128xi32, #tpu.memory_space<hbm>>
        %dma_start3A_222 = tpu.memref_squeeze %dma_start3A_221 : memref<1x1x128xi32, #tpu.memory_space<hbm>> -> memref<128xi32, #tpu.memory_space<hbm>>
        %dma_start3A_223 = arith.constant 0 : i32
        %dma_start3A_224 = tpu.memref_slice %arg5[%dma_start3A_217, %dma_start3A_223] : memref<2x128xi32, #tpu.memory_space<vmem>> -> memref<1x128xi32, #tpu.memory_space<vmem>>
        %dma_start3A_225 = tpu.memref_squeeze %dma_start3A_224 : memref<1x128xi32, #tpu.memory_space<vmem>> -> memref<128xi32, #tpu.memory_space<vmem>>
        %dma_start3A_226 = tpu.memref_slice %arg3[%dma_start3A_216, %add3A, %mul3A_215] : memref<2x32x10000xi32, #tpu.memory_space<hbm>> -> memref<1x1x128xi32, #tpu.memory_space<hbm>>
        %dma_start3A_227 = tpu.memref_squeeze %dma_start3A_226 : memref<1x1x128xi32, #tpu.memory_space<hbm>> -> memref<128xi32, #tpu.memory_space<hbm>>
        tpu.enqueue_dma source(%dma_start3A_227 : memref<128xi32, #tpu.memory_space<hbm>>) target(%dma_start3A_225 : memref<128xi32, #tpu.memory_space<vmem>>) target_semaphore(%arg12 : memref<!tpu.dma_semaphore, #tpu.memory_space<semaphore_mem>>)
        %add3A_228 = arith.constant 2 : i32
        %add3A_229 = arith.addi %mul3A_151, %add3A_228 : i32
        %mul3A_230 = arith.constant 128 : i32
        %mul3A_231 = arith.muli %add3A_229, %mul3A_230 : i32
        %dma_start3A_232 = arith.constant 1 : i32
        %dma_start3A_233 = arith.constant 0 : i32
        %dma_start3A_234 = arith.constant 0 : i32
        %dma_start3A_235 = tpu.memref_slice %arg6[%dma_start3A_233, %dma_start3A_234] : memref<2x128xi32, #tpu.memory_space<vmem>> -> memref<1x128xi32, #tpu.memory_space<vmem>>
        %dma_start3A_236 = tpu.memref_squeeze %dma_start3A_235 : memref<1x128xi32, #tpu.memory_space<vmem>> -> memref<128xi32, #tpu.memory_space<vmem>>
        %dma_start3A_237 = tpu.memref_slice %arg3[%dma_start3A_232, %add3A, %mul3A_231] : memref<2x32x10000xi32, #tpu.memory_space<hbm>> -> memref<1x1x128xi32, #tpu.memory_space<hbm>>
        %dma_start3A_238 = tpu.memref_squeeze %dma_start3A_237 : memref<1x1x128xi32, #tpu.memory_space<hbm>> -> memref<128xi32, #tpu.memory_space<hbm>>
        %dma_start3A_239 = arith.constant 0 : i32
        %dma_start3A_240 = tpu.memref_slice %arg6[%dma_start3A_233, %dma_start3A_239] : memref<2x128xi32, #tpu.memory_space<vmem>> -> memref<1x128xi32, #tpu.memory_space<vmem>>
        %dma_start3A_241 = tpu.memref_squeeze %dma_start3A_240 : memref<1x128xi32, #tpu.memory_space<vmem>> -> memref<128xi32, #tpu.memory_space<vmem>>
        %dma_start3A_242 = tpu.memref_slice %arg3[%dma_start3A_232, %add3A, %mul3A_231] : memref<2x32x10000xi32, #tpu.memory_space<hbm>> -> memref<1x1x128xi32, #tpu.memory_space<hbm>>
        %dma_start3A_243 = tpu.memref_squeeze %dma_start3A_242 : memref<1x1x128xi32, #tpu.memory_space<hbm>> -> memref<128xi32, #tpu.memory_space<hbm>>
        tpu.enqueue_dma source(%dma_start3A_243 : memref<128xi32, #tpu.memory_space<hbm>>) target(%dma_start3A_241 : memref<128xi32, #tpu.memory_space<vmem>>) target_semaphore(%arg13 : memref<!tpu.dma_semaphore, #tpu.memory_space<semaphore_mem>>)
        %add3A_244 = arith.constant 2 : i32
        %add3A_245 = arith.addi %mul3A_151, %add3A_244 : i32
        %mul3A_246 = arith.constant 128 : i32
        %mul3A_247 = arith.muli %add3A_245, %mul3A_246 : i32
        %dma_wait3A_248 = arith.constant 0 : i32
        %dma_wait3A_249 = arith.constant 0 : i32
        %dma_wait3A_250 = arith.constant 0 : i32
        %dma_wait3A_251 = tpu.memref_slice %arg5[%dma_wait3A_249, %dma_wait3A_250] : memref<2x128xi32, #tpu.memory_space<vmem>> -> memref<1x128xi32, #tpu.memory_space<vmem>>
        %dma_wait3A_252 = tpu.memref_squeeze %dma_wait3A_251 : memref<1x128xi32, #tpu.memory_space<vmem>> -> memref<128xi32, #tpu.memory_space<vmem>>
        %dma_wait3A_253 = tpu.memref_slice %arg3[%dma_wait3A_248, %add3A, %mul3A_247] : memref<2x32x10000xi32, #tpu.memory_space<hbm>> -> memref<1x1x128xi32, #tpu.memory_space<hbm>>
        %dma_wait3A_254 = tpu.memref_squeeze %dma_wait3A_253 : memref<1x1x128xi32, #tpu.memory_space<hbm>> -> memref<128xi32, #tpu.memory_space<hbm>>
        %dma_wait3A_255 = arith.constant 0 : i32
        %dma_wait3A_256 = tpu.memref_slice %arg5[%dma_wait3A_249, %dma_wait3A_255] : memref<2x128xi32, #tpu.memory_space<vmem>> -> memref<1x128xi32, #tpu.memory_space<vmem>>
        %dma_wait3A_257 = tpu.memref_squeeze %dma_wait3A_256 : memref<1x128xi32, #tpu.memory_space<vmem>> -> memref<128xi32, #tpu.memory_space<vmem>>
        %dma_wait3A_258 = tpu.memref_slice %arg3[%dma_wait3A_248, %add3A, %mul3A_247] : memref<2x32x10000xi32, #tpu.memory_space<hbm>> -> memref<1x1x128xi32, #tpu.memory_space<hbm>>
        %dma_wait3A_259 = tpu.memref_squeeze %dma_wait3A_258 : memref<1x1x128xi32, #tpu.memory_space<hbm>> -> memref<128xi32, #tpu.memory_space<hbm>>
        tpu.wait_dma2 semaphore(%arg12 : memref<!tpu.dma_semaphore, #tpu.memory_space<semaphore_mem>>) src(%dma_wait3A_259 : memref<128xi32, #tpu.memory_space<hbm>>) dst(%dma_wait3A_257 : memref<128xi32, #tpu.memory_space<vmem>>)
        %dma_start3A_260 = arith.constant 0 : i32
        %dma_start3A_261 = arith.constant 0 : i32
        %dma_start3A_262 = tpu.memref_slice %arg5[%dma_start3A_260, %dma_start3A_261] : memref<2x128xi32, #tpu.memory_space<vmem>> -> memref<1x128xi32, #tpu.memory_space<vmem>>
        %dma_start3A_263 = tpu.memref_squeeze %dma_start3A_262 : memref<1x128xi32, #tpu.memory_space<vmem>> -> memref<128xi32, #tpu.memory_space<vmem>>
        %dma_start3A_264 = arith.constant 0 : i32
        %dma_start3A_265 = arith.constant 0 : i32
        %dma_start3A_266 = tpu.memref_slice %arg2[%dma_start3A_264, %dma_start3A_265] : memref<10000x128xf32, #tpu.memory_space<hbm>> -> memref<10000x128xf32, #tpu.memory_space<hbm>>
        tpu.enqueue_indirect_dma source(%dma_start3A_266 : memref<10000x128xf32, #tpu.memory_space<hbm>>) target(%arg9 : memref<128x128xf32, #tpu.memory_space<vmem>>) offsets(%dma_start3A_263 : memref<128xi32, #tpu.memory_space<vmem>>) semaphore(%arg16 : memref<!tpu.dma_semaphore, #tpu.memory_space<semaphore_mem>>)
      } else {
      }
      %mul3A_178 = arith.constant 2 : i32
      %mul3A_179 = arith.muli %mul3A_178, %scan3A_148 : i32
      %add3A_180 = arith.constant 1 : i32
      %add3A_181 = arith.addi %mul3A_179, %add3A_180 : i32
      %dma_wait3A_182 = arith.constant 1 : i32
      %dma_wait3A_183 = arith.constant 0 : i32
      %dma_wait3A_184 = tpu.memref_slice %arg5[%dma_wait3A_182, %dma_wait3A_183] : memref<2x128xi32, #tpu.memory_space<vmem>> -> memref<1x128xi32, #tpu.memory_space<vmem>>
      %dma_wait3A_185 = tpu.memref_squeeze %dma_wait3A_184 : memref<1x128xi32, #tpu.memory_space<vmem>> -> memref<128xi32, #tpu.memory_space<vmem>>
      %dma_wait3A_186 = arith.constant 0 : i32
      %dma_wait3A_187 = arith.constant 0 : i32
      %dma_wait3A_188 = tpu.memref_slice %arg2[%dma_wait3A_186, %dma_wait3A_187] : memref<10000x128xf32, #tpu.memory_space<hbm>> -> memref<10000x128xf32, #tpu.memory_space<hbm>>
      tpu.wait_indirect_dma semaphore(%arg17 : memref<!tpu.dma_semaphore, #tpu.memory_space<semaphore_mem>>) src(%dma_wait3A_188 : memref<10000x128xf32, #tpu.memory_space<hbm>>) dst(%arg10 : memref<128x128xf32, #tpu.memory_space<vmem>>)
      %mul3A_189 = arith.constant 128 : i32
      %mul3A_190 = arith.muli %add3A_181, %mul3A_189 : i32
      %dma_wait3A_191 = arith.constant 1 : i32
      %dma_wait3A_192 = arith.constant 1 : i32
      %dma_wait3A_193 = arith.constant 0 : i32
      %dma_wait3A_194 = tpu.memref_slice %arg6[%dma_wait3A_192, %dma_wait3A_193] : memref<2x128xi32, #tpu.memory_space<vmem>> -> memref<1x128xi32, #tpu.memory_space<vmem>>
      %dma_wait3A_195 = tpu.memref_squeeze %dma_wait3A_194 : memref<1x128xi32, #tpu.memory_space<vmem>> -> memref<128xi32, #tpu.memory_space<vmem>>
      %dma_wait3A_196 = tpu.memref_slice %arg3[%dma_wait3A_191, %add3A, %mul3A_190] : memref<2x32x10000xi32, #tpu.memory_space<hbm>> -> memref<1x1x128xi32, #tpu.memory_space<hbm>>
      %dma_wait3A_197 = tpu.memref_squeeze %dma_wait3A_196 : memref<1x1x128xi32, #tpu.memory_space<hbm>> -> memref<128xi32, #tpu.memory_space<hbm>>
      %dma_wait3A_198 = arith.constant 0 : i32
      %dma_wait3A_199 = tpu.memref_slice %arg6[%dma_wait3A_192, %dma_wait3A_198] : memref<2x128xi32, #tpu.memory_space<vmem>> -> memref<1x128xi32, #tpu.memory_space<vmem>>
      %dma_wait3A_200 = tpu.memref_squeeze %dma_wait3A_199 : memref<1x128xi32, #tpu.memory_space<vmem>> -> memref<128xi32, #tpu.memory_space<vmem>>
      %dma_wait3A_201 = tpu.memref_slice %arg3[%dma_wait3A_191, %add3A, %mul3A_190] : memref<2x32x10000xi32, #tpu.memory_space<hbm>> -> memref<1x1x128xi32, #tpu.memory_space<hbm>>
      %dma_wait3A_202 = tpu.memref_squeeze %dma_wait3A_201 : memref<1x1x128xi32, #tpu.memory_space<hbm>> -> memref<128xi32, #tpu.memory_space<hbm>>
      tpu.wait_dma2 semaphore(%arg15 : memref<!tpu.dma_semaphore, #tpu.memory_space<semaphore_mem>>) src(%dma_wait3A_202 : memref<128xi32, #tpu.memory_space<hbm>>) dst(%dma_wait3A_200 : memref<128xi32, #tpu.memory_space<vmem>>)
      %run_scoped3A_203 = arith.constant 1 : i32
      "tpu.region"() ({
        %run_scoped3A_212 = tpu.sem_alloc : memref<!tpu.dma_semaphore, #tpu.memory_space<semaphore_mem>>
        %dma_start3A_213 = arith.constant 0 : i32
        %dma_start3A_214 = tpu.memref_slice %arg6[%run_scoped3A_203, %dma_start3A_213] : memref<2x128xi32, #tpu.memory_space<vmem>> -> memref<1x128xi32, #tpu.memory_space<vmem>>
        %dma_start3A_215 = tpu.memref_squeeze %dma_start3A_214 : memref<1x128xi32, #tpu.memory_space<vmem>> -> memref<128xi32, #tpu.memory_space<vmem>>
        %dma_start3A_216 = arith.constant 0 : i32
        %dma_start3A_217 = arith.constant 0 : i32
        %dma_start3A_218 = tpu.memref_slice %arg11[%dma_start3A_216, %dma_start3A_217] : memref<10240x128xf32, #tpu.memory_space<vmem_shared>> -> memref<10240x128xf32, #tpu.memory_space<vmem_shared>>
        tpu.enqueue_indirect_dma source(%arg10 : memref<128x128xf32, #tpu.memory_space<vmem>>) target(%dma_start3A_218 : memref<10240x128xf32, #tpu.memory_space<vmem_shared>>) offsets(%dma_start3A_215 : memref<128xi32, #tpu.memory_space<vmem>>) semaphore(%run_scoped3A_212 : memref<!tpu.dma_semaphore, #tpu.memory_space<semaphore_mem>>) {add = true}
        %dma_wait3A_219 = arith.constant 0 : i32
        %dma_wait3A_220 = tpu.memref_slice %arg6[%run_scoped3A_203, %dma_wait3A_219] : memref<2x128xi32, #tpu.memory_space<vmem>> -> memref<1x128xi32, #tpu.memory_space<vmem>>
        %dma_wait3A_221 = tpu.memref_squeeze %dma_wait3A_220 : memref<1x128xi32, #tpu.memory_space<vmem>> -> memref<128xi32, #tpu.memory_space<vmem>>
        %dma_wait3A_222 = arith.constant 0 : i32
        %dma_wait3A_223 = arith.constant 0 : i32
        %dma_wait3A_224 = tpu.memref_slice %arg11[%dma_wait3A_222, %dma_wait3A_223] : memref<10240x128xf32, #tpu.memory_space<vmem_shared>> -> memref<10240x128xf32, #tpu.memory_space<vmem_shared>>
        tpu.wait_indirect_dma semaphore(%run_scoped3A_212 : memref<!tpu.dma_semaphore, #tpu.memory_space<semaphore_mem>>) src(%arg10 : memref<128x128xf32, #tpu.memory_space<vmem>>) dst(%dma_wait3A_224 : memref<10240x128xf32, #tpu.memory_space<vmem_shared>>)
        tpu.yield
      }) : () -> ()
      %add3A_204 = arith.constant 2 : i32
      %add3A_205 = arith.addi %add3A_181, %add3A_204 : i32
      %lt3A_206 = arith.constant 78 : i32
      %lt3A_207 = arith.cmpi slt, %add3A_205, %lt3A_206 : i32
      %convert_element_type3A_208 = arith.extui %lt3A_207 : i1 to i32
      %cond3A_209 = arith.constant 0 : i32
      %cond3A_210 = arith.cmpi ne, %convert_element_type3A_208, %cond3A_209 : i32
      scf.if %cond3A_210 {
        %add3A_212 = arith.constant 2 : i32
        %add3A_213 = arith.addi %add3A_181, %add3A_212 : i32
        %mul3A_214 = arith.constant 128 : i32
        %mul3A_215 = arith.muli %add3A_213, %mul3A_214 : i32
        %dma_start3A_216 = arith.constant 0 : i32
        %dma_start3A_217 = arith.constant 1 : i32
        %dma_start3A_218 = arith.constant 0 : i32
        %dma_start3A_219 = tpu.memref_slice %arg5[%dma_start3A_217, %dma_start3A_218] : memref<2x128xi32, #tpu.memory_space<vmem>> -> memref<1x128xi32, #tpu.memory_space<vmem>>
        %dma_start3A_220 = tpu.memref_squeeze %dma_start3A_219 : memref<1x128xi32, #tpu.memory_space<vmem>> -> memref<128xi32, #tpu.memory_space<vmem>>
        %dma_start3A_221 = tpu.memref_slice %arg3[%dma_start3A_216, %add3A, %mul3A_215] : memref<2x32x10000xi32, #tpu.memory_space<hbm>> -> memref<1x1x128xi32, #tpu.memory_space<hbm>>
        %dma_start3A_222 = tpu.memref_squeeze %dma_start3A_221 : memref<1x1x128xi32, #tpu.memory_space<hbm>> -> memref<128xi32, #tpu.memory_space<hbm>>
        %dma_start3A_223 = arith.constant 0 : i32
        %dma_start3A_224 = tpu.memref_slice %arg5[%dma_start3A_217, %dma_start3A_223] : memref<2x128xi32, #tpu.memory_space<vmem>> -> memref<1x128xi32, #tpu.memory_space<vmem>>
        %dma_start3A_225 = tpu.memref_squeeze %dma_start3A_224 : memref<1x128xi32, #tpu.memory_space<vmem>> -> memref<128xi32, #tpu.memory_space<vmem>>
        %dma_start3A_226 = tpu.memref_slice %arg3[%dma_start3A_216, %add3A, %mul3A_215] : memref<2x32x10000xi32, #tpu.memory_space<hbm>> -> memref<1x1x128xi32, #tpu.memory_space<hbm>>
        %dma_start3A_227 = tpu.memref_squeeze %dma_start3A_226 : memref<1x1x128xi32, #tpu.memory_space<hbm>> -> memref<128xi32, #tpu.memory_space<hbm>>
        tpu.enqueue_dma source(%dma_start3A_227 : memref<128xi32, #tpu.memory_space<hbm>>) target(%dma_start3A_225 : memref<128xi32, #tpu.memory_space<vmem>>) target_semaphore(%arg14 : memref<!tpu.dma_semaphore, #tpu.memory_space<semaphore_mem>>)
        %add3A_228 = arith.constant 2 : i32
        %add3A_229 = arith.addi %add3A_181, %add3A_228 : i32
        %mul3A_230 = arith.constant 128 : i32
        %mul3A_231 = arith.muli %add3A_229, %mul3A_230 : i32
        %dma_start3A_232 = arith.constant 1 : i32
        %dma_start3A_233 = arith.constant 1 : i32
        %dma_start3A_234 = arith.constant 0 : i32
        %dma_start3A_235 = tpu.memref_slice %arg6[%dma_start3A_233, %dma_start3A_234] : memref<2x128xi32, #tpu.memory_space<vmem>> -> memref<1x128xi32, #tpu.memory_space<vmem>>
        %dma_start3A_236 = tpu.memref_squeeze %dma_start3A_235 : memref<1x128xi32, #tpu.memory_space<vmem>> -> memref<128xi32, #tpu.memory_space<vmem>>
        %dma_start3A_237 = tpu.memref_slice %arg3[%dma_start3A_232, %add3A, %mul3A_231] : memref<2x32x10000xi32, #tpu.memory_space<hbm>> -> memref<1x1x128xi32, #tpu.memory_space<hbm>>
        %dma_start3A_238 = tpu.memref_squeeze %dma_start3A_237 : memref<1x1x128xi32, #tpu.memory_space<hbm>> -> memref<128xi32, #tpu.memory_space<hbm>>
        %dma_start3A_239 = arith.constant 0 : i32
        %dma_start3A_240 = tpu.memref_slice %arg6[%dma_start3A_233, %dma_start3A_239] : memref<2x128xi32, #tpu.memory_space<vmem>> -> memref<1x128xi32, #tpu.memory_space<vmem>>
        %dma_start3A_241 = tpu.memref_squeeze %dma_start3A_240 : memref<1x128xi32, #tpu.memory_space<vmem>> -> memref<128xi32, #tpu.memory_space<vmem>>
        %dma_start3A_242 = tpu.memref_slice %arg3[%dma_start3A_232, %add3A, %mul3A_231] : memref<2x32x10000xi32, #tpu.memory_space<hbm>> -> memref<1x1x128xi32, #tpu.memory_space<hbm>>
        %dma_start3A_243 = tpu.memref_squeeze %dma_start3A_242 : memref<1x1x128xi32, #tpu.memory_space<hbm>> -> memref<128xi32, #tpu.memory_space<hbm>>
        tpu.enqueue_dma source(%dma_start3A_243 : memref<128xi32, #tpu.memory_space<hbm>>) target(%dma_start3A_241 : memref<128xi32, #tpu.memory_space<vmem>>) target_semaphore(%arg15 : memref<!tpu.dma_semaphore, #tpu.memory_space<semaphore_mem>>)
        %add3A_244 = arith.constant 2 : i32
        %add3A_245 = arith.addi %add3A_181, %add3A_244 : i32
        %mul3A_246 = arith.constant 128 : i32
        %mul3A_247 = arith.muli %add3A_245, %mul3A_246 : i32
        %dma_wait3A_248 = arith.constant 0 : i32
        %dma_wait3A_249 = arith.constant 1 : i32
        %dma_wait3A_250 = arith.constant 0 : i32
        %dma_wait3A_251 = tpu.memref_slice %arg5[%dma_wait3A_249, %dma_wait3A_250] : memref<2x128xi32, #tpu.memory_space<vmem>> -> memref<1x128xi32, #tpu.memory_space<vmem>>
        %dma_wait3A_252 = tpu.memref_squeeze %dma_wait3A_251 : memref<1x128xi32, #tpu.memory_space<vmem>> -> memref<128xi32, #tpu.memory_space<vmem>>
        %dma_wait3A_253 = tpu.memref_slice %arg3[%dma_wait3A_248, %add3A, %mul3A_247] : memref<2x32x10000xi32, #tpu.memory_space<hbm>> -> memref<1x1x128xi32, #tpu.memory_space<hbm>>
        %dma_wait3A_254 = tpu.memref_squeeze %dma_wait3A_253 : memref<1x1x128xi32, #tpu.memory_space<hbm>> -> memref<128xi32, #tpu.memory_space<hbm>>
        %dma_wait3A_255 = arith.constant 0 : i32
        %dma_wait3A_256 = tpu.memref_slice %arg5[%dma_wait3A_249, %dma_wait3A_255] : memref<2x128xi32, #tpu.memory_space<vmem>> -> memref<1x128xi32, #tpu.memory_space<vmem>>
        %dma_wait3A_257 = tpu.memref_squeeze %dma_wait3A_256 : memref<1x128xi32, #tpu.memory_space<vmem>> -> memref<128xi32, #tpu.memory_space<vmem>>
        %dma_wait3A_258 = tpu.memref_slice %arg3[%dma_wait3A_248, %add3A, %mul3A_247] : memref<2x32x10000xi32, #tpu.memory_space<hbm>> -> memref<1x1x128xi32, #tpu.memory_space<hbm>>
        %dma_wait3A_259 = tpu.memref_squeeze %dma_wait3A_258 : memref<1x1x128xi32, #tpu.memory_space<hbm>> -> memref<128xi32, #tpu.memory_space<hbm>>
        tpu.wait_dma2 semaphore(%arg14 : memref<!tpu.dma_semaphore, #tpu.memory_space<semaphore_mem>>) src(%dma_wait3A_259 : memref<128xi32, #tpu.memory_space<hbm>>) dst(%dma_wait3A_257 : memref<128xi32, #tpu.memory_space<vmem>>)
        %dma_start3A_260 = arith.constant 1 : i32
        %dma_start3A_261 = arith.constant 0 : i32
        %dma_start3A_262 = tpu.memref_slice %arg5[%dma_start3A_260, %dma_start3A_261] : memref<2x128xi32, #tpu.memory_space<vmem>> -> memref<1x128xi32, #tpu.memory_space<vmem>>
        %dma_start3A_263 = tpu.memref_squeeze %dma_start3A_262 : memref<1x128xi32, #tpu.memory_space<vmem>> -> memref<128xi32, #tpu.memory_space<vmem>>
        %dma_start3A_264 = arith.constant 0 : i32
        %dma_start3A_265 = arith.constant 0 : i32
        %dma_start3A_266 = tpu.memref_slice %arg2[%dma_start3A_264, %dma_start3A_265] : memref<10000x128xf32, #tpu.memory_space<hbm>> -> memref<10000x128xf32, #tpu.memory_space<hbm>>
        tpu.enqueue_indirect_dma source(%dma_start3A_266 : memref<10000x128xf32, #tpu.memory_space<hbm>>) target(%arg10 : memref<128x128xf32, #tpu.memory_space<vmem>>) offsets(%dma_start3A_263 : memref<128xi32, #tpu.memory_space<vmem>>) semaphore(%arg17 : memref<!tpu.dma_semaphore, #tpu.memory_space<semaphore_mem>>)
      } else {
      }
      %scan3A_211 = arith.constant 0 : i32
      scf.yield %scan3A_211 : i32
    }
    %scan3A_129 = arith.constant 39 : i32
    %run_scoped3A = arith.constant 0 : i32
    "tpu.region"() ({
      %run_scoped3A_148 = tpu.sem_alloc : memref<!tpu.dma_semaphore, #tpu.memory_space<semaphore_mem>>
      %dma_start3A_149 = arith.constant 9984 : i32
      %dma_start3A_150 = tpu.memref_slice %arg3[%run_scoped3A, %add3A, %dma_start3A_149] : memref<2x32x10000xi32, #tpu.memory_space<hbm>> -> memref<1x1x16xi32, #tpu.memory_space<hbm>>
      %dma_start3A_151 = tpu.memref_squeeze %dma_start3A_150 : memref<1x1x16xi32, #tpu.memory_space<hbm>> -> memref<16xi32, #tpu.memory_space<hbm>>
      %dma_start3A_152 = arith.constant 9984 : i32
      %dma_start3A_153 = tpu.memref_slice %arg3[%run_scoped3A, %add3A, %dma_start3A_152] : memref<2x32x10000xi32, #tpu.memory_space<hbm>> -> memref<1x1x16xi32, #tpu.memory_space<hbm>>
      %dma_start3A_154 = tpu.memref_squeeze %dma_start3A_153 : memref<1x1x16xi32, #tpu.memory_space<hbm>> -> memref<16xi32, #tpu.memory_space<hbm>>
      tpu.enqueue_dma source(%dma_start3A_154 : memref<16xi32, #tpu.memory_space<hbm>>) target(%arg7 : memref<16xi32, #tpu.memory_space<vmem>>) target_semaphore(%run_scoped3A_148 : memref<!tpu.dma_semaphore, #tpu.memory_space<semaphore_mem>>)
      %dma_wait3A_155 = arith.constant 9984 : i32
      %dma_wait3A_156 = tpu.memref_slice %arg3[%run_scoped3A, %add3A, %dma_wait3A_155] : memref<2x32x10000xi32, #tpu.memory_space<hbm>> -> memref<1x1x16xi32, #tpu.memory_space<hbm>>
      %dma_wait3A_157 = tpu.memref_squeeze %dma_wait3A_156 : memref<1x1x16xi32, #tpu.memory_space<hbm>> -> memref<16xi32, #tpu.memory_space<hbm>>
      %dma_wait3A_158 = arith.constant 9984 : i32
      %dma_wait3A_159 = tpu.memref_slice %arg3[%run_scoped3A, %add3A, %dma_wait3A_158] : memref<2x32x10000xi32, #tpu.memory_space<hbm>> -> memref<1x1x16xi32, #tpu.memory_space<hbm>>
      %dma_wait3A_160 = tpu.memref_squeeze %dma_wait3A_159 : memref<1x1x16xi32, #tpu.memory_space<hbm>> -> memref<16xi32, #tpu.memory_space<hbm>>
      tpu.wait_dma2 semaphore(%run_scoped3A_148 : memref<!tpu.dma_semaphore, #tpu.memory_space<semaphore_mem>>) src(%dma_wait3A_160 : memref<16xi32, #tpu.memory_space<hbm>>) dst(%arg7 : memref<16xi32, #tpu.memory_space<vmem>>)
      tpu.yield
    }) : () -> ()
    %run_scoped3A_130 = arith.constant 1 : i32
    "tpu.region"() ({
      %run_scoped3A_148 = tpu.sem_alloc : memref<!tpu.dma_semaphore, #tpu.memory_space<semaphore_mem>>
      %dma_start3A_149 = arith.constant 9984 : i32
      %dma_start3A_150 = tpu.memref_slice %arg3[%run_scoped3A_130, %add3A, %dma_start3A_149] : memref<2x32x10000xi32, #tpu.memory_space<hbm>> -> memref<1x1x16xi32, #tpu.memory_space<hbm>>
      %dma_start3A_151 = tpu.memref_squeeze %dma_start3A_150 : memref<1x1x16xi32, #tpu.memory_space<hbm>> -> memref<16xi32, #tpu.memory_space<hbm>>
      %dma_start3A_152 = arith.constant 9984 : i32
      %dma_start3A_153 = tpu.memref_slice %arg3[%run_scoped3A_130, %add3A, %dma_start3A_152] : memref<2x32x10000xi32, #tpu.memory_space<hbm>> -> memref<1x1x16xi32, #tpu.memory_space<hbm>>
      %dma_start3A_154 = tpu.memref_squeeze %dma_start3A_153 : memref<1x1x16xi32, #tpu.memory_space<hbm>> -> memref<16xi32, #tpu.memory_space<hbm>>
      tpu.enqueue_dma source(%dma_start3A_154 : memref<16xi32, #tpu.memory_space<hbm>>) target(%arg8 : memref<16xi32, #tpu.memory_space<vmem>>) target_semaphore(%run_scoped3A_148 : memref<!tpu.dma_semaphore, #tpu.memory_space<semaphore_mem>>)
      %dma_wait3A_155 = arith.constant 9984 : i32
      %dma_wait3A_156 = tpu.memref_slice %arg3[%run_scoped3A_130, %add3A, %dma_wait3A_155] : memref<2x32x10000xi32, #tpu.memory_space<hbm>> -> memref<1x1x16xi32, #tpu.memory_space<hbm>>
      %dma_wait3A_157 = tpu.memref_squeeze %dma_wait3A_156 : memref<1x1x16xi32, #tpu.memory_space<hbm>> -> memref<16xi32, #tpu.memory_space<hbm>>
      %dma_wait3A_158 = arith.constant 9984 : i32
      %dma_wait3A_159 = tpu.memref_slice %arg3[%run_scoped3A_130, %add3A, %dma_wait3A_158] : memref<2x32x10000xi32, #tpu.memory_space<hbm>> -> memref<1x1x16xi32, #tpu.memory_space<hbm>>
      %dma_wait3A_160 = tpu.memref_squeeze %dma_wait3A_159 : memref<1x1x16xi32, #tpu.memory_space<hbm>> -> memref<16xi32, #tpu.memory_space<hbm>>
      tpu.wait_dma2 semaphore(%run_scoped3A_148 : memref<!tpu.dma_semaphore, #tpu.memory_space<semaphore_mem>>) src(%dma_wait3A_160 : memref<16xi32, #tpu.memory_space<hbm>>) dst(%arg8 : memref<16xi32, #tpu.memory_space<vmem>>)
      tpu.yield
    }) : () -> ()
    %dma_start3A_131 = arith.constant 0 : i32
    %dma_start3A_132 = arith.constant 0 : i32
    %dma_start3A_133 = tpu.memref_slice %arg9[%dma_start3A_131, %dma_start3A_132] : memref<128x128xf32, #tpu.memory_space<vmem>> -> memref<16x128xf32, #tpu.memory_space<vmem>>
    %dma_start3A_134 = arith.constant 0 : i32
    %dma_start3A_135 = arith.constant 0 : i32
    %dma_start3A_136 = tpu.memref_slice %arg2[%dma_start3A_134, %dma_start3A_135] : memref<10000x128xf32, #tpu.memory_space<hbm>> -> memref<10000x128xf32, #tpu.memory_space<hbm>>
    tpu.enqueue_indirect_dma source(%dma_start3A_136 : memref<10000x128xf32, #tpu.memory_space<hbm>>) target(%dma_start3A_133 : memref<16x128xf32, #tpu.memory_space<vmem>>) offsets(%arg7 : memref<16xi32, #tpu.memory_space<vmem>>) semaphore(%arg16 : memref<!tpu.dma_semaphore, #tpu.memory_space<semaphore_mem>>)
    %dma_wait3A_137 = arith.constant 0 : i32
    %dma_wait3A_138 = arith.constant 0 : i32
    %dma_wait3A_139 = tpu.memref_slice %arg9[%dma_wait3A_137, %dma_wait3A_138] : memref<128x128xf32, #tpu.memory_space<vmem>> -> memref<16x128xf32, #tpu.memory_space<vmem>>
    %dma_wait3A_140 = arith.constant 0 : i32
    %dma_wait3A_141 = arith.constant 0 : i32
    %dma_wait3A_142 = tpu.memref_slice %arg2[%dma_wait3A_140, %dma_wait3A_141] : memref<10000x128xf32, #tpu.memory_space<hbm>> -> memref<10000x128xf32, #tpu.memory_space<hbm>>
    tpu.wait_indirect_dma semaphore(%arg16 : memref<!tpu.dma_semaphore, #tpu.memory_space<semaphore_mem>>) src(%dma_wait3A_142 : memref<10000x128xf32, #tpu.memory_space<hbm>>) dst(%dma_wait3A_139 : memref<16x128xf32, #tpu.memory_space<vmem>>)
    "tpu.region"() ({
      %run_scoped3A_148 = tpu.sem_alloc : memref<!tpu.dma_semaphore, #tpu.memory_space<semaphore_mem>>
      %dma_start3A_149 = arith.constant 0 : i32
      %dma_start3A_150 = arith.constant 0 : i32
      %dma_start3A_151 = tpu.memref_slice %arg9[%dma_start3A_149, %dma_start3A_150] : memref<128x128xf32, #tpu.memory_space<vmem>> -> memref<16x128xf32, #tpu.memory_space<vmem>>
      %dma_start3A_152 = arith.constant 0 : i32
      %dma_start3A_153 = arith.constant 0 : i32
      %dma_start3A_154 = tpu.memref_slice %arg11[%dma_start3A_152, %dma_start3A_153] : memref<10240x128xf32, #tpu.memory_space<vmem_shared>> -> memref<10240x128xf32, #tpu.memory_space<vmem_shared>>
      tpu.enqueue_indirect_dma source(%dma_start3A_151 : memref<16x128xf32, #tpu.memory_space<vmem>>) target(%dma_start3A_154 : memref<10240x128xf32, #tpu.memory_space<vmem_shared>>) offsets(%arg8 : memref<16xi32, #tpu.memory_space<vmem>>) semaphore(%run_scoped3A_148 : memref<!tpu.dma_semaphore, #tpu.memory_space<semaphore_mem>>) {add = true}
      %dma_wait3A_155 = arith.constant 0 : i32
      %dma_wait3A_156 = arith.constant 0 : i32
      %dma_wait3A_157 = tpu.memref_slice %arg9[%dma_wait3A_155, %dma_wait3A_156] : memref<128x128xf32, #tpu.memory_space<vmem>> -> memref<16x128xf32, #tpu.memory_space<vmem>>
      %dma_wait3A_158 = arith.constant 0 : i32
      %dma_wait3A_159 = arith.constant 0 : i32
      %dma_wait3A_160 = tpu.memref_slice %arg11[%dma_wait3A_158, %dma_wait3A_159] : memref<10240x128xf32, #tpu.memory_space<vmem_shared>> -> memref<10240x128xf32, #tpu.memory_space<vmem_shared>>
      tpu.wait_indirect_dma semaphore(%run_scoped3A_148 : memref<!tpu.dma_semaphore, #tpu.memory_space<semaphore_mem>>) src(%dma_wait3A_157 : memref<16x128xf32, #tpu.memory_space<vmem>>) dst(%dma_wait3A_160 : memref<10240x128xf32, #tpu.memory_space<vmem_shared>>)
      tpu.yield
    }) : () -> ()
    %barrier3A_143 = arith.constant 0 : index
    tpu.barrier barrier_id(%barrier3A_143)
    %mul3A_144 = arith.constant 640 : i32
    %mul3A_145 = arith.muli %arg1, %mul3A_144 : i32
    %mul3A_146 = arith.constant 640 : i32
    %mul3A_147 = arith.muli %arg1, %mul3A_146 : i32
    "tpu.region"() ({
      %run_scoped3A_148 = tpu.sem_alloc : memref<!tpu.dma_semaphore, #tpu.memory_space<semaphore_mem>>
      %dma_start3A_149 = arith.constant 0 : i32
      %dma_start3A_150 = tpu.memref_slice %arg4[%arg0, %mul3A_147, %dma_start3A_149] : memref<2x10240x128xf32, #tpu.memory_space<hbm>> -> memref<1x640x128xf32, #tpu.memory_space<hbm>>
      %dma_start3A_151 = tpu.memref_squeeze %dma_start3A_150 : memref<1x640x128xf32, #tpu.memory_space<hbm>> -> memref<640x128xf32, #tpu.memory_space<hbm>>
      %dma_start3A_152 = arith.constant 0 : i32
      %dma_start3A_153 = tpu.memref_slice %arg11[%mul3A_145, %dma_start3A_152] : memref<10240x128xf32, #tpu.memory_space<vmem_shared>> -> memref<640x128xf32, #tpu.memory_space<vmem_shared>>
      tpu.enqueue_dma source(%dma_start3A_153 : memref<640x128xf32, #tpu.memory_space<vmem_shared>>) target(%dma_start3A_151 : memref<640x128xf32, #tpu.memory_space<hbm>>) target_semaphore(%run_scoped3A_148 : memref<!tpu.dma_semaphore, #tpu.memory_space<semaphore_mem>>)
      %dma_wait3A_154 = arith.constant 0 : i32
      %dma_wait3A_155 = tpu.memref_slice %arg4[%arg0, %mul3A_147, %dma_wait3A_154] : memref<2x10240x128xf32, #tpu.memory_space<hbm>> -> memref<1x640x128xf32, #tpu.memory_space<hbm>>
      %dma_wait3A_156 = tpu.memref_squeeze %dma_wait3A_155 : memref<1x640x128xf32, #tpu.memory_space<hbm>> -> memref<640x128xf32, #tpu.memory_space<hbm>>
      %dma_wait3A_157 = arith.constant 0 : i32
      %dma_wait3A_158 = tpu.memref_slice %arg11[%mul3A_145, %dma_wait3A_157] : memref<10240x128xf32, #tpu.memory_space<vmem_shared>> -> memref<640x128xf32, #tpu.memory_space<vmem_shared>>
      tpu.wait_dma2 semaphore(%run_scoped3A_148 : memref<!tpu.dma_semaphore, #tpu.memory_space<semaphore_mem>>) src(%dma_wait3A_158 : memref<640x128xf32, #tpu.memory_space<vmem_shared>>) dst(%dma_wait3A_156 : memref<640x128xf32, #tpu.memory_space<hbm>>)
      tpu.yield
    }) : () -> ()
    return
  }
}

#map = affine_map<(d0, d1) -> (0, 0)>
#map1 = affine_map<(d0, d1) -> (0, 0, 0)>
module attributes {stable_mosaic.version = 14 : i64} {
  func.func @_sc_gather_scatter(%arg0: i32, %arg1: i32, %arg2: memref<10000x128xf32, #tpu.memory_space<hbm>>, %arg3: memref<2x32x10000xi32, #tpu.memory_space<hbm>>, %arg4: memref<2x10240x128xf32, #tpu.memory_space<hbm>>, %arg5: memref<2x128xi32, #tpu.memory_space<vmem>>, %arg6: memref<2x128xi32, #tpu.memory_space<vmem>>, %arg7: memref<16xi32, #tpu.memory_space<vmem>>, %arg8: memref<16xi32, #tpu.memory_space<vmem>>, %arg9: memref<128x128xf32, #tpu.memory_space<vmem>>, %arg10: memref<128x128xf32, #tpu.memory_space<vmem>>, %arg11: memref<10240x128xf32, #tpu.memory_space<vmem_shared>>, %arg12: memref<!tpu.dma_semaphore, #tpu.memory_space<semaphore_mem>>, %arg13: memref<!tpu.dma_semaphore, #tpu.memory_space<semaphore_mem>>, %arg14: memref<!tpu.dma_semaphore, #tpu.memory_space<semaphore_mem>>, %arg15: memref<!tpu.dma_semaphore, #tpu.memory_space<semaphore_mem>>, %arg16: memref<!tpu.dma_semaphore, #tpu.memory_space<semaphore_mem>>, %arg17: memref<!tpu.dma_semaphore, #tpu.memory_space<semaphore_mem>>) attributes {dimension_semantics = [#tpu.dimension_semantics<core_parallel>, #tpu.dimension_semantics<subcore_parallel>], iteration_bounds = array<i64: 2, 16>, scalar_prefetch = 0 : i64, scratch_operands = 13 : i64, tpu.core_type = #tpu.core_type<sc_vector_subcore>, window_params = [{transform_indices = #map}, {transform_indices = #map1}, {transform_indices = #map1}]} {
    %mul3A = arith.constant 16 : i32
    %mul3A_0 = arith.muli %arg0, %mul3A : i32
    %add3A = arith.addi %mul3A_0, %arg1 : i32
    %scan3A = arith.constant 0 : i32
    %scan3A_1 = arith.constant 0 : i32
    %scan3A_2 = arith.constant 128 : i32
    %scan3A_3 = arith.addi %scan3A_1, %scan3A_2 : i32
    %scan3A_4 = arith.constant 1 : i32
    %scan3A_5 = scf.for %scan3A_148 = %scan3A_1 to %scan3A_3 step %scan3A_4 iter_args(%scan3A_149 = %scan3A) -> (i32)  : i32 {
      %broadcast_in_dim3A = arith.constant 0.000000e+00 : f32
      %broadcast_in_dim3A_150 = vector.broadcast %broadcast_in_dim3A : f32 to vector<16xf32>
      %swap3A = arith.index_cast %scan3A_148 : i32 to index
      %swap3A_151 = arith.constant 0 : index
      %swap3A_152 = tpu.vector_load %arg9[%swap3A, %swap3A_151] {strides = array<i32>} : memref<128x128xf32, #tpu.memory_space<vmem>>, vector<1x16xf32>,
      %swap3A_153 = vector.shape_cast %swap3A_152 : vector<1x16xf32> to vector<16xf32>
      %swap3A_154 = vector.shape_cast %broadcast_in_dim3A_150 : vector<16xf32> to vector<1x16xf32>
      tpu.vector_store %arg9[%swap3A, %swap3A_151], %swap3A_154 {strides = array<i32>} : memref<128x128xf32, #tpu.memory_space<vmem>>, vector<1x16xf32>,
      %broadcast_in_dim3A_155 = arith.constant 0.000000e+00 : f32
      %broadcast_in_dim3A_156 = vector.broadcast %broadcast_in_dim3A_155 : f32 to vector<16xf32>
      %swap3A_157 = arith.index_cast %scan3A_148 : i32 to index
      %swap3A_158 = arith.constant 16 : index
      %swap3A_159 = tpu.vector_load %arg9[%swap3A_157, %swap3A_158] {strides = array<i32>} : memref<128x128xf32, #tpu.memory_space<vmem>>, vector<1x16xf32>,
      %swap3A_160 = vector.shape_cast %swap3A_159 : vector<1x16xf32> to vector<16xf32>
      %swap3A_161 = vector.shape_cast %broadcast_in_dim3A_156 : vector<16xf32> to vector<1x16xf32>
      tpu.vector_store %arg9[%swap3A_157, %swap3A_158], %swap3A_161 {strides = array<i32>} : memref<128x128xf32, #tpu.memory_space<vmem>>, vector<1x16xf32>,
      %broadcast_in_dim3A_162 = arith.constant 0.000000e+00 : f32
      %broadcast_in_dim3A_163 = vector.broadcast %broadcast_in_dim3A_162 : f32 to vector<16xf32>
      %swap3A_164 = arith.index_cast %scan3A_148 : i32 to index
      %swap3A_165 = arith.constant 32 : index
      %swap3A_166 = tpu.vector_load %arg9[%swap3A_164, %swap3A_165] {strides = array<i32>} : memref<128x128xf32, #tpu.memory_space<vmem>>, vector<1x16xf32>,
      %swap3A_167 = vector.shape_cast %swap3A_166 : vector<1x16xf32> to vector<16xf32>
      %swap3A_168 = vector.shape_cast %broadcast_in_dim3A_163 : vector<16xf32> to vector<1x16xf32>
      tpu.vector_store %arg9[%swap3A_164, %swap3A_165], %swap3A_168 {strides = array<i32>} : memref<128x128xf32, #tpu.memory_space<vmem>>, vector<1x16xf32>,
      %broadcast_in_dim3A_169 = arith.constant 0.000000e+00 : f32
      %broadcast_in_dim3A_170 = vector.broadcast %broadcast_in_dim3A_169 : f32 to vector<16xf32>
      %swap3A_171 = arith.index_cast %scan3A_148 : i32 to index
      %swap3A_172 = arith.constant 48 : index
      %swap3A_173 = tpu.vector_load %arg9[%swap3A_171, %swap3A_172] {strides = array<i32>} : memref<128x128xf32, #tpu.memory_space<vmem>>, vector<1x16xf32>,
      %swap3A_174 = vector.shape_cast %swap3A_173 : vector<1x16xf32> to vector<16xf32>
      %swap3A_175 = vector.shape_cast %broadcast_in_dim3A_170 : vector<16xf32> to vector<1x16xf32>
      tpu.vector_store %arg9[%swap3A_171, %swap3A_172], %swap3A_175 {strides = array<i32>} : memref<128x128xf32, #tpu.memory_space<vmem>>, vector<1x16xf32>,
      %broadcast_in_dim3A_176 = arith.constant 0.000000e+00 : f32
      %broadcast_in_dim3A_177 = vector.broadcast %broadcast_in_dim3A_176 : f32 to vector<16xf32>
      %swap3A_178 = arith.index_cast %scan3A_148 : i32 to index
      %swap3A_179 = arith.constant 64 : index
      %swap3A_180 = tpu.vector_load %arg9[%swap3A_178, %swap3A_179] {strides = array<i32>} : memref<128x128xf32, #tpu.memory_space<vmem>>, vector<1x16xf32>,
      %swap3A_181 = vector.shape_cast %swap3A_180 : vector<1x16xf32> to vector<16xf32>
      %swap3A_182 = vector.shape_cast %broadcast_in_dim3A_177 : vector<16xf32> to vector<1x16xf32>
      tpu.vector_store %arg9[%swap3A_178, %swap3A_179], %swap3A_182 {strides = array<i32>} : memref<128x128xf32, #tpu.memory_space<vmem>>, vector<1x16xf32>,
      %broadcast_in_dim3A_183 = arith.constant 0.000000e+00 : f32
      %broadcast_in_dim3A_184 = vector.broadcast %broadcast_in_dim3A_183 : f32 to vector<16xf32>
      %swap3A_185 = arith.index_cast %scan3A_148 : i32 to index
      %swap3A_186 = arith.constant 80 : index
      %swap3A_187 = tpu.vector_load %arg9[%swap3A_185, %swap3A_186] {strides = array<i32>} : memref<128x128xf32, #tpu.memory_space<vmem>>, vector<1x16xf32>,
      %swap3A_188 = vector.shape_cast %swap3A_187 : vector<1x16xf32> to vector<16xf32>
      %swap3A_189 = vector.shape_cast %broadcast_in_dim3A_184 : vector<16xf32> to vector<1x16xf32>
      tpu.vector_store %arg9[%swap3A_185, %swap3A_186], %swap3A_189 {strides = array<i32>} : memref<128x128xf32, #tpu.memory_space<vmem>>, vector<1x16xf32>,
      %broadcast_in_dim3A_190 = arith.constant 0.000000e+00 : f32
      %broadcast_in_dim3A_191 = vector.broadcast %broadcast_in_dim3A_190 : f32 to vector<16xf32>
      %swap3A_192 = arith.index_cast %scan3A_148 : i32 to index
      %swap3A_193 = arith.constant 96 : index
      %swap3A_194 = tpu.vector_load %arg9[%swap3A_192, %swap3A_193] {strides = array<i32>} : memref<128x128xf32, #tpu.memory_space<vmem>>, vector<1x16xf32>,
      %swap3A_195 = vector.shape_cast %swap3A_194 : vector<1x16xf32> to vector<16xf32>
      %swap3A_196 = vector.shape_cast %broadcast_in_dim3A_191 : vector<16xf32> to vector<1x16xf32>
      tpu.vector_store %arg9[%swap3A_192, %swap3A_193], %swap3A_196 {strides = array<i32>} : memref<128x128xf32, #tpu.memory_space<vmem>>, vector<1x16xf32>,
      %broadcast_in_dim3A_197 = arith.constant 0.000000e+00 : f32
      %broadcast_in_dim3A_198 = vector.broadcast %broadcast_in_dim3A_197 : f32 to vector<16xf32>
      %swap3A_199 = arith.index_cast %scan3A_148 : i32 to index
      %swap3A_200 = arith.constant 112 : index
      %swap3A_201 = tpu.vector_load %arg9[%swap3A_199, %swap3A_200] {strides = array<i32>} : memref<128x128xf32, #tpu.memory_space<vmem>>, vector<1x16xf32>,
      %swap3A_202 = vector.shape_cast %swap3A_201 : vector<1x16xf32> to vector<16xf32>
      %swap3A_203 = vector.shape_cast %broadcast_in_dim3A_198 : vector<16xf32> to vector<1x16xf32>
      tpu.vector_store %arg9[%swap3A_199, %swap3A_200], %swap3A_203 {strides = array<i32>} : memref<128x128xf32, #tpu.memory_space<vmem>>, vector<1x16xf32>,
      %scan3A_204 = arith.constant 0 : i32
      scf.yield %scan3A_204 : i32
    }
    %scan3A_6 = arith.constant 128 : i32
    %mul3A_7 = arith.constant 640 : i32
    %mul3A_8 = arith.muli %arg1, %mul3A_7 : i32
    %add3A_9 = arith.constant 0 : i32
    %add3A_10 = arith.addi %mul3A_8, %add3A_9 : i32
    "tpu.region"() ({
      %run_scoped3A_148 = tpu.sem_alloc : memref<!tpu.dma_semaphore, #tpu.memory_space<semaphore_mem>>
      %dma_start3A_149 = arith.constant 0 : i32
      %dma_start3A_150 = tpu.memref_slice %arg11[%add3A_10, %dma_start3A_149] : memref<10240x128xf32, #tpu.memory_space<vmem_shared>> -> memref<128x128xf32, #tpu.memory_space<vmem_shared>>
      %dma_start3A_151 = arith.constant 0 : i32
      %dma_start3A_152 = tpu.memref_slice %arg11[%add3A_10, %dma_start3A_151] : memref<10240x128xf32, #tpu.memory_space<vmem_shared>> -> memref<128x128xf32, #tpu.memory_space<vmem_shared>>
      tpu.enqueue_dma source(%arg9 : memref<128x128xf32, #tpu.memory_space<vmem>>) target(%dma_start3A_152 : memref<128x128xf32, #tpu.memory_space<vmem_shared>>) target_semaphore(%run_scoped3A_148 : memref<!tpu.dma_semaphore, #tpu.memory_space<semaphore_mem>>)
      %dma_wait3A_153 = arith.constant 0 : i32
      %dma_wait3A_154 = tpu.memref_slice %arg11[%add3A_10, %dma_wait3A_153] : memref<10240x128xf32, #tpu.memory_space<vmem_shared>> -> memref<128x128xf32, #tpu.memory_space<vmem_shared>>
      %dma_wait3A_155 = arith.constant 0 : i32
      %dma_wait3A_156 = tpu.memref_slice %arg11[%add3A_10, %dma_wait3A_155] : memref<10240x128xf32, #tpu.memory_space<vmem_shared>> -> memref<128x128xf32, #tpu.memory_space<vmem_shared>>
      tpu.wait_dma2 semaphore(%run_scoped3A_148 : memref<!tpu.dma_semaphore, #tpu.memory_space<semaphore_mem>>) src(%arg9 : memref<128x128xf32, #tpu.memory_space<vmem>>) dst(%dma_wait3A_156 : memref<128x128xf32, #tpu.memory_space<vmem_shared>>)
      tpu.yield
    }) : () -> ()
    %mul3A_11 = arith.constant 640 : i32
    %mul3A_12 = arith.muli %arg1, %mul3A_11 : i32
    %add3A_13 = arith.constant 128 : i32
    %add3A_14 = arith.addi %mul3A_12, %add3A_13 : i32
    "tpu.region"() ({
      %run_scoped3A_148 = tpu.sem_alloc : memref<!tpu.dma_semaphore, #tpu.memory_space<semaphore_mem>>
      %dma_start3A_149 = arith.constant 0 : i32
      %dma_start3A_150 = tpu.memref_slice %arg11[%add3A_14, %dma_start3A_149] : memref<10240x128xf32, #tpu.memory_space<vmem_shared>> -> memref<128x128xf32, #tpu.memory_space<vmem_shared>>
      %dma_start3A_151 = arith.constant 0 : i32
      %dma_start3A_152 = tpu.memref_slice %arg11[%add3A_14, %dma_start3A_151] : memref<10240x128xf32, #tpu.memory_space<vmem_shared>> -> memref<128x128xf32, #tpu.memory_space<vmem_shared>>
      tpu.enqueue_dma source(%arg9 : memref<128x128xf32, #tpu.memory_space<vmem>>) target(%dma_start3A_152 : memref<128x128xf32, #tpu.memory_space<vmem_shared>>) target_semaphore(%run_scoped3A_148 : memref<!tpu.dma_semaphore, #tpu.memory_space<semaphore_mem>>)
      %dma_wait3A_153 = arith.constant 0 : i32
      %dma_wait3A_154 = tpu.memref_slice %arg11[%add3A_14, %dma_wait3A_153] : memref<10240x128xf32, #tpu.memory_space<vmem_shared>> -> memref<128x128xf32, #tpu.memory_space<vmem_shared>>
      %dma_wait3A_155 = arith.constant 0 : i32
      %dma_wait3A_156 = tpu.memref_slice %arg11[%add3A_14, %dma_wait3A_155] : memref<10240x128xf32, #tpu.memory_space<vmem_shared>> -> memref<128x128xf32, #tpu.memory_space<vmem_shared>>
      tpu.wait_dma2 semaphore(%run_scoped3A_148 : memref<!tpu.dma_semaphore, #tpu.memory_space<semaphore_mem>>) src(%arg9 : memref<128x128xf32, #tpu.memory_space<vmem>>) dst(%dma_wait3A_156 : memref<128x128xf32, #tpu.memory_space<vmem_shared>>)
      tpu.yield
    }) : () -> ()
    %mul3A_15 = arith.constant 640 : i32
    %mul3A_16 = arith.muli %arg1, %mul3A_15 : i32
    %add3A_17 = arith.constant 256 : i32
    %add3A_18 = arith.addi %mul3A_16, %add3A_17 : i32
    "tpu.region"() ({
      %run_scoped3A_148 = tpu.sem_alloc : memref<!tpu.dma_semaphore, #tpu.memory_space<semaphore_mem>>
      %dma_start3A_149 = arith.constant 0 : i32
      %dma_start3A_150 = tpu.memref_slice %arg11[%add3A_18, %dma_start3A_149] : memref<10240x128xf32, #tpu.memory_space<vmem_shared>> -> memref<128x128xf32, #tpu.memory_space<vmem_shared>>
      %dma_start3A_151 = arith.constant 0 : i32
      %dma_start3A_152 = tpu.memref_slice %arg11[%add3A_18, %dma_start3A_151] : memref<10240x128xf32, #tpu.memory_space<vmem_shared>> -> memref<128x128xf32, #tpu.memory_space<vmem_shared>>
      tpu.enqueue_dma source(%arg9 : memref<128x128xf32, #tpu.memory_space<vmem>>) target(%dma_start3A_152 : memref<128x128xf32, #tpu.memory_space<vmem_shared>>) target_semaphore(%run_scoped3A_148 : memref<!tpu.dma_semaphore, #tpu.memory_space<semaphore_mem>>)
      %dma_wait3A_153 = arith.constant 0 : i32
      %dma_wait3A_154 = tpu.memref_slice %arg11[%add3A_18, %dma_wait3A_153] : memref<10240x128xf32, #tpu.memory_space<vmem_shared>> -> memref<128x128xf32, #tpu.memory_space<vmem_shared>>
      %dma_wait3A_155 = arith.constant 0 : i32
      %dma_wait3A_156 = tpu.memref_slice %arg11[%add3A_18, %dma_wait3A_155] : memref<10240x128xf32, #tpu.memory_space<vmem_shared>> -> memref<128x128xf32, #tpu.memory_space<vmem_shared>>
      tpu.wait_dma2 semaphore(%run_scoped3A_148 : memref<!tpu.dma_semaphore, #tpu.memory_space<semaphore_mem>>) src(%arg9 : memref<128x128xf32, #tpu.memory_space<vmem>>) dst(%dma_wait3A_156 : memref<128x128xf32, #tpu.memory_space<vmem_shared>>)
      tpu.yield
    }) : () -> ()
    %mul3A_19 = arith.constant 640 : i32
    %mul3A_20 = arith.muli %arg1, %mul3A_19 : i32
    %add3A_21 = arith.constant 384 : i32
    %add3A_22 = arith.addi %mul3A_20, %add3A_21 : i32
    "tpu.region"() ({
      %run_scoped3A_148 = tpu.sem_alloc : memref<!tpu.dma_semaphore, #tpu.memory_space<semaphore_mem>>
      %dma_start3A_149 = arith.constant 0 : i32
      %dma_start3A_150 = tpu.memref_slice %arg11[%add3A_22, %dma_start3A_149] : memref<10240x128xf32, #tpu.memory_space<vmem_shared>> -> memref<128x128xf32, #tpu.memory_space<vmem_shared>>
      %dma_start3A_151 = arith.constant 0 : i32
      %dma_start3A_152 = tpu.memref_slice %arg11[%add3A_22, %dma_start3A_151] : memref<10240x128xf32, #tpu.memory_space<vmem_shared>> -> memref<128x128xf32, #tpu.memory_space<vmem_shared>>
      tpu.enqueue_dma source(%arg9 : memref<128x128xf32, #tpu.memory_space<vmem>>) target(%dma_start3A_152 : memref<128x128xf32, #tpu.memory_space<vmem_shared>>) target_semaphore(%run_scoped3A_148 : memref<!tpu.dma_semaphore, #tpu.memory_space<semaphore_mem>>)
      %dma_wait3A_153 = arith.constant 0 : i32
      %dma_wait3A_154 = tpu.memref_slice %arg11[%add3A_22, %dma_wait3A_153] : memref<10240x128xf32, #tpu.memory_space<vmem_shared>> -> memref<128x128xf32, #tpu.memory_space<vmem_shared>>
      %dma_wait3A_155 = arith.constant 0 : i32
      %dma_wait3A_156 = tpu.memref_slice %arg11[%add3A_22, %dma_wait3A_155] : memref<10240x128xf32, #tpu.memory_space<vmem_shared>> -> memref<128x128xf32, #tpu.memory_space<vmem_shared>>
      tpu.wait_dma2 semaphore(%run_scoped3A_148 : memref<!tpu.dma_semaphore, #tpu.memory_space<semaphore_mem>>) src(%arg9 : memref<128x128xf32, #tpu.memory_space<vmem>>) dst(%dma_wait3A_156 : memref<128x128xf32, #tpu.memory_space<vmem_shared>>)
      tpu.yield
    }) : () -> ()
    %mul3A_23 = arith.constant 640 : i32
    %mul3A_24 = arith.muli %arg1, %mul3A_23 : i32
    %add3A_25 = arith.constant 512 : i32
    %add3A_26 = arith.addi %mul3A_24, %add3A_25 : i32
    "tpu.region"() ({
      %run_scoped3A_148 = tpu.sem_alloc : memref<!tpu.dma_semaphore, #tpu.memory_space<semaphore_mem>>
      %dma_start3A_149 = arith.constant 0 : i32
      %dma_start3A_150 = tpu.memref_slice %arg11[%add3A_26, %dma_start3A_149] : memref<10240x128xf32, #tpu.memory_space<vmem_shared>> -> memref<128x128xf32, #tpu.memory_space<vmem_shared>>
      %dma_start3A_151 = arith.constant 0 : i32
      %dma_start3A_152 = tpu.memref_slice %arg11[%add3A_26, %dma_start3A_151] : memref<10240x128xf32, #tpu.memory_space<vmem_shared>> -> memref<128x128xf32, #tpu.memory_space<vmem_shared>>
      tpu.enqueue_dma source(%arg9 : memref<128x128xf32, #tpu.memory_space<vmem>>) target(%dma_start3A_152 : memref<128x128xf32, #tpu.memory_space<vmem_shared>>) target_semaphore(%run_scoped3A_148 : memref<!tpu.dma_semaphore, #tpu.memory_space<semaphore_mem>>)
      %dma_wait3A_153 = arith.constant 0 : i32
      %dma_wait3A_154 = tpu.memref_slice %arg11[%add3A_26, %dma_wait3A_153] : memref<10240x128xf32, #tpu.memory_space<vmem_shared>> -> memref<128x128xf32, #tpu.memory_space<vmem_shared>>
      %dma_wait3A_155 = arith.constant 0 : i32
      %dma_wait3A_156 = tpu.memref_slice %arg11[%add3A_26, %dma_wait3A_155] : memref<10240x128xf32, #tpu.memory_space<vmem_shared>> -> memref<128x128xf32, #tpu.memory_space<vmem_shared>>
      tpu.wait_dma2 semaphore(%run_scoped3A_148 : memref<!tpu.dma_semaphore, #tpu.memory_space<semaphore_mem>>) src(%arg9 : memref<128x128xf32, #tpu.memory_space<vmem>>) dst(%dma_wait3A_156 : memref<128x128xf32, #tpu.memory_space<vmem_shared>>)
      tpu.yield
    }) : () -> ()
    %barrier3A = arith.constant 0 : index
    tpu.barrier barrier_id(%barrier3A)
    %dma_start3A = arith.constant 0 : i32
    %dma_start3A_27 = arith.constant 0 : i32
    %dma_start3A_28 = arith.constant 0 : i32
    %dma_start3A_29 = tpu.memref_slice %arg5[%dma_start3A_27, %dma_start3A_28] : memref<2x128xi32, #tpu.memory_space<vmem>> -> memref<1x128xi32, #tpu.memory_space<vmem>>
    %dma_start3A_30 = tpu.memref_squeeze %dma_start3A_29 : memref<1x128xi32, #tpu.memory_space<vmem>> -> memref<128xi32, #tpu.memory_space<vmem>>
    %dma_start3A_31 = arith.constant 0 : i32
    %dma_start3A_32 = tpu.memref_slice %arg3[%dma_start3A, %add3A, %dma_start3A_31] : memref<2x32x10000xi32, #tpu.memory_space<hbm>> -> memref<1x1x128xi32, #tpu.memory_space<hbm>>
    %dma_start3A_33 = tpu.memref_squeeze %dma_start3A_32 : memref<1x1x128xi32, #tpu.memory_space<hbm>> -> memref<128xi32, #tpu.memory_space<hbm>>
    %dma_start3A_34 = arith.constant 0 : i32
    %dma_start3A_35 = tpu.memref_slice %arg5[%dma_start3A_27, %dma_start3A_34] : memref<2x128xi32, #tpu.memory_space<vmem>> -> memref<1x128xi32, #tpu.memory_space<vmem>>
    %dma_start3A_36 = tpu.memref_squeeze %dma_start3A_35 : memref<1x128xi32, #tpu.memory_space<vmem>> -> memref<128xi32, #tpu.memory_space<vmem>>
    %dma_start3A_37 = arith.constant 0 : i32
    %dma_start3A_38 = tpu.memref_slice %arg3[%dma_start3A, %add3A, %dma_start3A_37] : memref<2x32x10000xi32, #tpu.memory_space<hbm>> -> memref<1x1x128xi32, #tpu.memory_space<hbm>>
    %dma_start3A_39 = tpu.memref_squeeze %dma_start3A_38 : memref<1x1x128xi32, #tpu.memory_space<hbm>> -> memref<128xi32, #tpu.memory_space<hbm>>
    tpu.enqueue_dma source(%dma_start3A_39 : memref<128xi32, #tpu.memory_space<hbm>>) target(%dma_start3A_36 : memref<128xi32, #tpu.memory_space<vmem>>) target_semaphore(%arg12 : memref<!tpu.dma_semaphore, #tpu.memory_space<semaphore_mem>>)
    %dma_start3A_40 = arith.constant 1 : i32
    %dma_start3A_41 = arith.constant 0 : i32
    %dma_start3A_42 = arith.constant 0 : i32
    %dma_start3A_43 = tpu.memref_slice %arg6[%dma_start3A_41, %dma_start3A_42] : memref<2x128xi32, #tpu.memory_space<vmem>> -> memref<1x128xi32, #tpu.memory_space<vmem>>
    %dma_start3A_44 = tpu.memref_squeeze %dma_start3A_43 : memref<1x128xi32, #tpu.memory_space<vmem>> -> memref<128xi32, #tpu.memory_space<vmem>>
    %dma_start3A_45 = arith.constant 0 : i32
    %dma_start3A_46 = tpu.memref_slice %arg3[%dma_start3A_40, %add3A, %dma_start3A_45] : memref<2x32x10000xi32, #tpu.memory_space<hbm>> -> memref<1x1x128xi32, #tpu.memory_space<hbm>>
    %dma_start3A_47 = tpu.memref_squeeze %dma_start3A_46 : memref<1x1x128xi32, #tpu.memory_space<hbm>> -> memref<128xi32, #tpu.memory_space<hbm>>
    %dma_start3A_48 = arith.constant 0 : i32
    %dma_start3A_49 = tpu.memref_slice %arg6[%dma_start3A_41, %dma_start3A_48] : memref<2x128xi32, #tpu.memory_space<vmem>> -> memref<1x128xi32, #tpu.memory_space<vmem>>
    %dma_start3A_50 = tpu.memref_squeeze %dma_start3A_49 : memref<1x128xi32, #tpu.memory_space<vmem>> -> memref<128xi32, #tpu.memory_space<vmem>>
    %dma_start3A_51 = arith.constant 0 : i32
    %dma_start3A_52 = tpu.memref_slice %arg3[%dma_start3A_40, %add3A, %dma_start3A_51] : memref<2x32x10000xi32, #tpu.memory_space<hbm>> -> memref<1x1x128xi32, #tpu.memory_space<hbm>>
    %dma_start3A_53 = tpu.memref_squeeze %dma_start3A_52 : memref<1x1x128xi32, #tpu.memory_space<hbm>> -> memref<128xi32, #tpu.memory_space<hbm>>
    tpu.enqueue_dma source(%dma_start3A_53 : memref<128xi32, #tpu.memory_space<hbm>>) target(%dma_start3A_50 : memref<128xi32, #tpu.memory_space<vmem>>) target_semaphore(%arg13 : memref<!tpu.dma_semaphore, #tpu.memory_space<semaphore_mem>>)
    %dma_start3A_54 = arith.constant 0 : i32
    %dma_start3A_55 = arith.constant 1 : i32
    %dma_start3A_56 = arith.constant 0 : i32
    %dma_start3A_57 = tpu.memref_slice %arg5[%dma_start3A_55, %dma_start3A_56] : memref<2x128xi32, #tpu.memory_space<vmem>> -> memref<1x128xi32, #tpu.memory_space<vmem>>
    %dma_start3A_58 = tpu.memref_squeeze %dma_start3A_57 : memref<1x128xi32, #tpu.memory_space<vmem>> -> memref<128xi32, #tpu.memory_space<vmem>>
    %dma_start3A_59 = arith.constant 128 : i32
    %dma_start3A_60 = tpu.memref_slice %arg3[%dma_start3A_54, %add3A, %dma_start3A_59] : memref<2x32x10000xi32, #tpu.memory_space<hbm>> -> memref<1x1x128xi32, #tpu.memory_space<hbm>>
    %dma_start3A_61 = tpu.memref_squeeze %dma_start3A_60 : memref<1x1x128xi32, #tpu.memory_space<hbm>> -> memref<128xi32, #tpu.memory_space<hbm>>
    %dma_start3A_62 = arith.constant 0 : i32
    %dma_start3A_63 = tpu.memref_slice %arg5[%dma_start3A_55, %dma_start3A_62] : memref<2x128xi32, #tpu.memory_space<vmem>> -> memref<1x128xi32, #tpu.memory_space<vmem>>
    %dma_start3A_64 = tpu.memref_squeeze %dma_start3A_63 : memref<1x128xi32, #tpu.memory_space<vmem>> -> memref<128xi32, #tpu.memory_space<vmem>>
    %dma_start3A_65 = arith.constant 128 : i32
    %dma_start3A_66 = tpu.memref_slice %arg3[%dma_start3A_54, %add3A, %dma_start3A_65] : memref<2x32x10000xi32, #tpu.memory_space<hbm>> -> memref<1x1x128xi32, #tpu.memory_space<hbm>>
    %dma_start3A_67 = tpu.memref_squeeze %dma_start3A_66 : memref<1x1x128xi32, #tpu.memory_space<hbm>> -> memref<128xi32, #tpu.memory_space<hbm>>
    tpu.enqueue_dma source(%dma_start3A_67 : memref<128xi32, #tpu.memory_space<hbm>>) target(%dma_start3A_64 : memref<128xi32, #tpu.memory_space<vmem>>) target_semaphore(%arg14 : memref<!tpu.dma_semaphore, #tpu.memory_space<semaphore_mem>>)
    %dma_start3A_68 = arith.constant 1 : i32
    %dma_start3A_69 = arith.constant 1 : i32
    %dma_start3A_70 = arith.constant 0 : i32
    %dma_start3A_71 = tpu.memref_slice %arg6[%dma_start3A_69, %dma_start3A_70] : memref<2x128xi32, #tpu.memory_space<vmem>> -> memref<1x128xi32, #tpu.memory_space<vmem>>
    %dma_start3A_72 = tpu.memref_squeeze %dma_start3A_71 : memref<1x128xi32, #tpu.memory_space<vmem>> -> memref<128xi32, #tpu.memory_space<vmem>>
    %dma_start3A_73 = arith.constant 128 : i32
    %dma_start3A_74 = tpu.memref_slice %arg3[%dma_start3A_68, %add3A, %dma_start3A_73] : memref<2x32x10000xi32, #tpu.memory_space<hbm>> -> memref<1x1x128xi32, #tpu.memory_space<hbm>>
    %dma_start3A_75 = tpu.memref_squeeze %dma_start3A_74 : memref<1x1x128xi32, #tpu.memory_space<hbm>> -> memref<128xi32, #tpu.memory_space<hbm>>
    %dma_start3A_76 = arith.constant 0 : i32
    %dma_start3A_77 = tpu.memref_slice %arg6[%dma_start3A_69, %dma_start3A_76] : memref<2x128xi32, #tpu.memory_space<vmem>> -> memref<1x128xi32, #tpu.memory_space<vmem>>
    %dma_start3A_78 = tpu.memref_squeeze %dma_start3A_77 : memref<1x128xi32, #tpu.memory_space<vmem>> -> memref<128xi32, #tpu.memory_space<vmem>>
    %dma_start3A_79 = arith.constant 128 : i32
    %dma_start3A_80 = tpu.memref_slice %arg3[%dma_start3A_68, %add3A, %dma_start3A_79] : memref<2x32x10000xi32, #tpu.memory_space<hbm>> -> memref<1x1x128xi32, #tpu.memory_space<hbm>>
    %dma_start3A_81 = tpu.memref_squeeze %dma_start3A_80 : memref<1x1x128xi32, #tpu.memory_space<hbm>> -> memref<128xi32, #tpu.memory_space<hbm>>
    tpu.enqueue_dma source(%dma_start3A_81 : memref<128xi32, #tpu.memory_space<hbm>>) target(%dma_start3A_78 : memref<128xi32, #tpu.memory_space<vmem>>) target_semaphore(%arg15 : memref<!tpu.dma_semaphore, #tpu.memory_space<semaphore_mem>>)
    %dma_wait3A = arith.constant 0 : i32
    %dma_wait3A_82 = arith.constant 0 : i32
    %dma_wait3A_83 = arith.constant 0 : i32
    %dma_wait3A_84 = tpu.memref_slice %arg5[%dma_wait3A_82, %dma_wait3A_83] : memref<2x128xi32, #tpu.memory_space<vmem>> -> memref<1x128xi32, #tpu.memory_space<vmem>>
    %dma_wait3A_85 = tpu.memref_squeeze %dma_wait3A_84 : memref<1x128xi32, #tpu.memory_space<vmem>> -> memref<128xi32, #tpu.memory_space<vmem>>
    %dma_wait3A_86 = arith.constant 0 : i32
    %dma_wait3A_87 = tpu.memref_slice %arg3[%dma_wait3A, %add3A, %dma_wait3A_86] : memref<2x32x10000xi32, #tpu.memory_space<hbm>> -> memref<1x1x128xi32, #tpu.memory_space<hbm>>
    %dma_wait3A_88 = tpu.memref_squeeze %dma_wait3A_87 : memref<1x1x128xi32, #tpu.memory_space<hbm>> -> memref<128xi32, #tpu.memory_space<hbm>>
    %dma_wait3A_89 = arith.constant 0 : i32
    %dma_wait3A_90 = tpu.memref_slice %arg5[%dma_wait3A_82, %dma_wait3A_89] : memref<2x128xi32, #tpu.memory_space<vmem>> -> memref<1x128xi32, #tpu.memory_space<vmem>>
    %dma_wait3A_91 = tpu.memref_squeeze %dma_wait3A_90 : memref<1x128xi32, #tpu.memory_space<vmem>> -> memref<128xi32, #tpu.memory_space<vmem>>
    %dma_wait3A_92 = arith.constant 0 : i32
    %dma_wait3A_93 = tpu.memref_slice %arg3[%dma_wait3A, %add3A, %dma_wait3A_92] : memref<2x32x10000xi32, #tpu.memory_space<hbm>> -> memref<1x1x128xi32, #tpu.memory_space<hbm>>
    %dma_wait3A_94 = tpu.memref_squeeze %dma_wait3A_93 : memref<1x1x128xi32, #tpu.memory_space<hbm>> -> memref<128xi32, #tpu.memory_space<hbm>>
    tpu.wait_dma2 semaphore(%arg12 : memref<!tpu.dma_semaphore, #tpu.memory_space<semaphore_mem>>) src(%dma_wait3A_94 : memref<128xi32, #tpu.memory_space<hbm>>) dst(%dma_wait3A_91 : memref<128xi32, #tpu.memory_space<vmem>>)
    %dma_start3A_95 = arith.constant 0 : i32
    %dma_start3A_96 = arith.constant 0 : i32
    %dma_start3A_97 = tpu.memref_slice %arg5[%dma_start3A_95, %dma_start3A_96] : memref<2x128xi32, #tpu.memory_space<vmem>> -> memref<1x128xi32, #tpu.memory_space<vmem>>
    %dma_start3A_98 = tpu.memref_squeeze %dma_start3A_97 : memref<1x128xi32, #tpu.memory_space<vmem>> -> memref<128xi32, #tpu.memory_space<vmem>>
    %dma_start3A_99 = arith.constant 0 : i32
    %dma_start3A_100 = arith.constant 0 : i32
    %dma_start3A_101 = tpu.memref_slice %arg2[%dma_start3A_99, %dma_start3A_100] : memref<10000x128xf32, #tpu.memory_space<hbm>> -> memref<10000x128xf32, #tpu.memory_space<hbm>>
    tpu.enqueue_indirect_dma source(%dma_start3A_101 : memref<10000x128xf32, #tpu.memory_space<hbm>>) target(%arg9 : memref<128x128xf32, #tpu.memory_space<vmem>>) offsets(%dma_start3A_98 : memref<128xi32, #tpu.memory_space<vmem>>) semaphore(%arg16 : memref<!tpu.dma_semaphore, #tpu.memory_space<semaphore_mem>>)
    %dma_wait3A_102 = arith.constant 0 : i32
    %dma_wait3A_103 = arith.constant 1 : i32
    %dma_wait3A_104 = arith.constant 0 : i32
    %dma_wait3A_105 = tpu.memref_slice %arg5[%dma_wait3A_103, %dma_wait3A_104] : memref<2x128xi32, #tpu.memory_space<vmem>> -> memref<1x128xi32, #tpu.memory_space<vmem>>
    %dma_wait3A_106 = tpu.memref_squeeze %dma_wait3A_105 : memref<1x128xi32, #tpu.memory_space<vmem>> -> memref<128xi32, #tpu.memory_space<vmem>>
    %dma_wait3A_107 = arith.constant 128 : i32
    %dma_wait3A_108 = tpu.memref_slice %arg3[%dma_wait3A_102, %add3A, %dma_wait3A_107] : memref<2x32x10000xi32, #tpu.memory_space<hbm>> -> memref<1x1x128xi32, #tpu.memory_space<hbm>>
    %dma_wait3A_109 = tpu.memref_squeeze %dma_wait3A_108 : memref<1x1x128xi32, #tpu.memory_space<hbm>> -> memref<128xi32, #tpu.memory_space<hbm>>
    %dma_wait3A_110 = arith.constant 0 : i32
    %dma_wait3A_111 = tpu.memref_slice %arg5[%dma_wait3A_103, %dma_wait3A_110] : memref<2x128xi32, #tpu.memory_space<vmem>> -> memref<1x128xi32, #tpu.memory_space<vmem>>
    %dma_wait3A_112 = tpu.memref_squeeze %dma_wait3A_111 : memref<1x128xi32, #tpu.memory_space<vmem>> -> memref<128xi32, #tpu.memory_space<vmem>>
    %dma_wait3A_113 = arith.constant 128 : i32
    %dma_wait3A_114 = tpu.memref_slice %arg3[%dma_wait3A_102, %add3A, %dma_wait3A_113] : memref<2x32x10000xi32, #tpu.memory_space<hbm>> -> memref<1x1x128xi32, #tpu.memory_space<hbm>>
    %dma_wait3A_115 = tpu.memref_squeeze %dma_wait3A_114 : memref<1x1x128xi32, #tpu.memory_space<hbm>> -> memref<128xi32, #tpu.memory_space<hbm>>
    tpu.wait_dma2 semaphore(%arg14 : memref<!tpu.dma_semaphore, #tpu.memory_space<semaphore_mem>>) src(%dma_wait3A_115 : memref<128xi32, #tpu.memory_space<hbm>>) dst(%dma_wait3A_112 : memref<128xi32, #tpu.memory_space<vmem>>)
    %dma_start3A_116 = arith.constant 1 : i32
    %dma_start3A_117 = arith.constant 0 : i32
    %dma_start3A_118 = tpu.memref_slice %arg5[%dma_start3A_116, %dma_start3A_117] : memref<2x128xi32, #tpu.memory_space<vmem>> -> memref<1x128xi32, #tpu.memory_space<vmem>>
    %dma_start3A_119 = tpu.memref_squeeze %dma_start3A_118 : memref<1x128xi32, #tpu.memory_space<vmem>> -> memref<128xi32, #tpu.memory_space<vmem>>
    %dma_start3A_120 = arith.constant 0 : i32
    %dma_start3A_121 = arith.constant 0 : i32
    %dma_start3A_122 = tpu.memref_slice %arg2[%dma_start3A_120, %dma_start3A_121] : memref<10000x128xf32, #tpu.memory_space<hbm>> -> memref<10000x128xf32, #tpu.memory_space<hbm>>
    tpu.enqueue_indirect_dma source(%dma_start3A_122 : memref<10000x128xf32, #tpu.memory_space<hbm>>) target(%arg10 : memref<128x128xf32, #tpu.memory_space<vmem>>) offsets(%dma_start3A_119 : memref<128xi32, #tpu.memory_space<vmem>>) semaphore(%arg17 : memref<!tpu.dma_semaphore, #tpu.memory_space<semaphore_mem>>)
    %scan3A_123 = arith.constant 0 : i32
    %scan3A_124 = arith.constant 0 : i32
    %scan3A_125 = arith.constant 39 : i32
    %scan3A_126 = arith.addi %scan3A_124, %scan3A_125 : i32
    %scan3A_127 = arith.constant 1 : i32
    %scan3A_128 = scf.for %scan3A_148 = %scan3A_124 to %scan3A_126 step %scan3A_127 iter_args(%scan3A_149 = %scan3A_123) -> (i32)  : i32 {
      %mul3A_150 = arith.constant 2 : i32
      %mul3A_151 = arith.muli %mul3A_150, %scan3A_148 : i32
      %dma_wait3A_152 = arith.constant 0 : i32
      %dma_wait3A_153 = arith.constant 0 : i32
      %dma_wait3A_154 = tpu.memref_slice %arg5[%dma_wait3A_152, %dma_wait3A_153] : memref<2x128xi32, #tpu.memory_space<vmem>> -> memref<1x128xi32, #tpu.memory_space<vmem>>
      %dma_wait3A_155 = tpu.memref_squeeze %dma_wait3A_154 : memref<1x128xi32, #tpu.memory_space<vmem>> -> memref<128xi32, #tpu.memory_space<vmem>>
      %dma_wait3A_156 = arith.constant 0 : i32
      %dma_wait3A_157 = arith.constant 0 : i32
      %dma_wait3A_158 = tpu.memref_slice %arg2[%dma_wait3A_156, %dma_wait3A_157] : memref<10000x128xf32, #tpu.memory_space<hbm>> -> memref<10000x128xf32, #tpu.memory_space<hbm>>
      tpu.wait_indirect_dma semaphore(%arg16 : memref<!tpu.dma_semaphore, #tpu.memory_space<semaphore_mem>>) src(%dma_wait3A_158 : memref<10000x128xf32, #tpu.memory_space<hbm>>) dst(%arg9 : memref<128x128xf32, #tpu.memory_space<vmem>>)
      %mul3A_159 = arith.constant 128 : i32
      %mul3A_160 = arith.muli %mul3A_151, %mul3A_159 : i32
      %dma_wait3A_161 = arith.constant 1 : i32
      %dma_wait3A_162 = arith.constant 0 : i32
      %dma_wait3A_163 = arith.constant 0 : i32
      %dma_wait3A_164 = tpu.memref_slice %arg6[%dma_wait3A_162, %dma_wait3A_163] : memref<2x128xi32, #tpu.memory_space<vmem>> -> memref<1x128xi32, #tpu.memory_space<vmem>>
      %dma_wait3A_165 = tpu.memref_squeeze %dma_wait3A_164 : memref<1x128xi32, #tpu.memory_space<vmem>> -> memref<128xi32, #tpu.memory_space<vmem>>
      %dma_wait3A_166 = tpu.memref_slice %arg3[%dma_wait3A_161, %add3A, %mul3A_160] : memref<2x32x10000xi32, #tpu.memory_space<hbm>> -> memref<1x1x128xi32, #tpu.memory_space<hbm>>
      %dma_wait3A_167 = tpu.memref_squeeze %dma_wait3A_166 : memref<1x1x128xi32, #tpu.memory_space<hbm>> -> memref<128xi32, #tpu.memory_space<hbm>>
      %dma_wait3A_168 = arith.constant 0 : i32
      %dma_wait3A_169 = tpu.memref_slice %arg6[%dma_wait3A_162, %dma_wait3A_168] : memref<2x128xi32, #tpu.memory_space<vmem>> -> memref<1x128xi32, #tpu.memory_space<vmem>>
      %dma_wait3A_170 = tpu.memref_squeeze %dma_wait3A_169 : memref<1x128xi32, #tpu.memory_space<vmem>> -> memref<128xi32, #tpu.memory_space<vmem>>
      %dma_wait3A_171 = tpu.memref_slice %arg3[%dma_wait3A_161, %add3A, %mul3A_160] : memref<2x32x10000xi32, #tpu.memory_space<hbm>> -> memref<1x1x128xi32, #tpu.memory_space<hbm>>
      %dma_wait3A_172 = tpu.memref_squeeze %dma_wait3A_171 : memref<1x1x128xi32, #tpu.memory_space<hbm>> -> memref<128xi32, #tpu.memory_space<hbm>>
      tpu.wait_dma2 semaphore(%arg13 : memref<!tpu.dma_semaphore, #tpu.memory_space<semaphore_mem>>) src(%dma_wait3A_172 : memref<128xi32, #tpu.memory_space<hbm>>) dst(%dma_wait3A_170 : memref<128xi32, #tpu.memory_space<vmem>>)
      %run_scoped3A_173 = arith.constant 0 : i32
      "tpu.region"() ({
        %run_scoped3A_212 = tpu.sem_alloc : memref<!tpu.dma_semaphore, #tpu.memory_space<semaphore_mem>>
        %dma_start3A_213 = arith.constant 0 : i32
        %dma_start3A_214 = tpu.memref_slice %arg6[%run_scoped3A_173, %dma_start3A_213] : memref<2x128xi32, #tpu.memory_space<vmem>> -> memref<1x128xi32, #tpu.memory_space<vmem>>
        %dma_start3A_215 = tpu.memref_squeeze %dma_start3A_214 : memref<1x128xi32, #tpu.memory_space<vmem>> -> memref<128xi32, #tpu.memory_space<vmem>>
        %dma_start3A_216 = arith.constant 0 : i32
        %dma_start3A_217 = arith.constant 0 : i32
        %dma_start3A_218 = tpu.memref_slice %arg11[%dma_start3A_216, %dma_start3A_217] : memref<10240x128xf32, #tpu.memory_space<vmem_shared>> -> memref<10240x128xf32, #tpu.memory_space<vmem_shared>>
        tpu.enqueue_indirect_dma source(%arg9 : memref<128x128xf32, #tpu.memory_space<vmem>>) target(%dma_start3A_218 : memref<10240x128xf32, #tpu.memory_space<vmem_shared>>) offsets(%dma_start3A_215 : memref<128xi32, #tpu.memory_space<vmem>>) semaphore(%run_scoped3A_212 : memref<!tpu.dma_semaphore, #tpu.memory_space<semaphore_mem>>) {add = true}
        %dma_wait3A_219 = arith.constant 0 : i32
        %dma_wait3A_220 = tpu.memref_slice %arg6[%run_scoped3A_173, %dma_wait3A_219] : memref<2x128xi32, #tpu.memory_space<vmem>> -> memref<1x128xi32, #tpu.memory_space<vmem>>
        %dma_wait3A_221 = tpu.memref_squeeze %dma_wait3A_220 : memref<1x128xi32, #tpu.memory_space<vmem>> -> memref<128xi32, #tpu.memory_space<vmem>>
        %dma_wait3A_222 = arith.constant 0 : i32
        %dma_wait3A_223 = arith.constant 0 : i32
        %dma_wait3A_224 = tpu.memref_slice %arg11[%dma_wait3A_222, %dma_wait3A_223] : memref<10240x128xf32, #tpu.memory_space<vmem_shared>> -> memref<10240x128xf32, #tpu.memory_space<vmem_shared>>
        tpu.wait_indirect_dma semaphore(%run_scoped3A_212 : memref<!tpu.dma_semaphore, #tpu.memory_space<semaphore_mem>>) src(%arg9 : memref<128x128xf32, #tpu.memory_space<vmem>>) dst(%dma_wait3A_224 : memref<10240x128xf32, #tpu.memory_space<vmem_shared>>)
        tpu.yield
      }) : () -> ()
      %add3A_174 = arith.constant 2 : i32
      %add3A_175 = arith.addi %mul3A_151, %add3A_174 : i32
      %lt3A = arith.constant 78 : i32
      %lt3A_176 = arith.cmpi slt, %add3A_175, %lt3A : i32
      %convert_element_type3A = arith.extui %lt3A_176 : i1 to i32
      %cond3A = arith.constant 0 : i32
      %cond3A_177 = arith.cmpi ne, %convert_element_type3A, %cond3A : i32
      scf.if %cond3A_177 {
        %add3A_212 = arith.constant 2 : i32
        %add3A_213 = arith.addi %mul3A_151, %add3A_212 : i32
        %mul3A_214 = arith.constant 128 : i32
        %mul3A_215 = arith.muli %add3A_213, %mul3A_214 : i32
        %dma_start3A_216 = arith.constant 0 : i32
        %dma_start3A_217 = arith.constant 0 : i32
        %dma_start3A_218 = arith.constant 0 : i32
        %dma_start3A_219 = tpu.memref_slice %arg5[%dma_start3A_217, %dma_start3A_218] : memref<2x128xi32, #tpu.memory_space<vmem>> -> memref<1x128xi32, #tpu.memory_space<vmem>>
        %dma_start3A_220 = tpu.memref_squeeze %dma_start3A_219 : memref<1x128xi32, #tpu.memory_space<vmem>> -> memref<128xi32, #tpu.memory_space<vmem>>
        %dma_start3A_221 = tpu.memref_slice %arg3[%dma_start3A_216, %add3A, %mul3A_215] : memref<2x32x10000xi32, #tpu.memory_space<hbm>> -> memref<1x1x128xi32, #tpu.memory_space<hbm>>
        %dma_start3A_222 = tpu.memref_squeeze %dma_start3A_221 : memref<1x1x128xi32, #tpu.memory_space<hbm>> -> memref<128xi32, #tpu.memory_space<hbm>>
        %dma_start3A_223 = arith.constant 0 : i32
        %dma_start3A_224 = tpu.memref_slice %arg5[%dma_start3A_217, %dma_start3A_223] : memref<2x128xi32, #tpu.memory_space<vmem>> -> memref<1x128xi32, #tpu.memory_space<vmem>>
        %dma_start3A_225 = tpu.memref_squeeze %dma_start3A_224 : memref<1x128xi32, #tpu.memory_space<vmem>> -> memref<128xi32, #tpu.memory_space<vmem>>
        %dma_start3A_226 = tpu.memref_slice %arg3[%dma_start3A_216, %add3A, %mul3A_215] : memref<2x32x10000xi32, #tpu.memory_space<hbm>> -> memref<1x1x128xi32, #tpu.memory_space<hbm>>
        %dma_start3A_227 = tpu.memref_squeeze %dma_start3A_226 : memref<1x1x128xi32, #tpu.memory_space<hbm>> -> memref<128xi32, #tpu.memory_space<hbm>>
        tpu.enqueue_dma source(%dma_start3A_227 : memref<128xi32, #tpu.memory_space<hbm>>) target(%dma_start3A_225 : memref<128xi32, #tpu.memory_space<vmem>>) target_semaphore(%arg12 : memref<!tpu.dma_semaphore, #tpu.memory_space<semaphore_mem>>)
        %add3A_228 = arith.constant 2 : i32
        %add3A_229 = arith.addi %mul3A_151, %add3A_228 : i32
        %mul3A_230 = arith.constant 128 : i32
        %mul3A_231 = arith.muli %add3A_229, %mul3A_230 : i32
        %dma_start3A_232 = arith.constant 1 : i32
        %dma_start3A_233 = arith.constant 0 : i32
        %dma_start3A_234 = arith.constant 0 : i32
        %dma_start3A_235 = tpu.memref_slice %arg6[%dma_start3A_233, %dma_start3A_234] : memref<2x128xi32, #tpu.memory_space<vmem>> -> memref<1x128xi32, #tpu.memory_space<vmem>>
        %dma_start3A_236 = tpu.memref_squeeze %dma_start3A_235 : memref<1x128xi32, #tpu.memory_space<vmem>> -> memref<128xi32, #tpu.memory_space<vmem>>
        %dma_start3A_237 = tpu.memref_slice %arg3[%dma_start3A_232, %add3A, %mul3A_231] : memref<2x32x10000xi32, #tpu.memory_space<hbm>> -> memref<1x1x128xi32, #tpu.memory_space<hbm>>
        %dma_start3A_238 = tpu.memref_squeeze %dma_start3A_237 : memref<1x1x128xi32, #tpu.memory_space<hbm>> -> memref<128xi32, #tpu.memory_space<hbm>>
        %dma_start3A_239 = arith.constant 0 : i32
        %dma_start3A_240 = tpu.memref_slice %arg6[%dma_start3A_233, %dma_start3A_239] : memref<2x128xi32, #tpu.memory_space<vmem>> -> memref<1x128xi32, #tpu.memory_space<vmem>>
        %dma_start3A_241 = tpu.memref_squeeze %dma_start3A_240 : memref<1x128xi32, #tpu.memory_space<vmem>> -> memref<128xi32, #tpu.memory_space<vmem>>
        %dma_start3A_242 = tpu.memref_slice %arg3[%dma_start3A_232, %add3A, %mul3A_231] : memref<2x32x10000xi32, #tpu.memory_space<hbm>> -> memref<1x1x128xi32, #tpu.memory_space<hbm>>
        %dma_start3A_243 = tpu.memref_squeeze %dma_start3A_242 : memref<1x1x128xi32, #tpu.memory_space<hbm>> -> memref<128xi32, #tpu.memory_space<hbm>>
        tpu.enqueue_dma source(%dma_start3A_243 : memref<128xi32, #tpu.memory_space<hbm>>) target(%dma_start3A_241 : memref<128xi32, #tpu.memory_space<vmem>>) target_semaphore(%arg13 : memref<!tpu.dma_semaphore, #tpu.memory_space<semaphore_mem>>)
        %add3A_244 = arith.constant 2 : i32
        %add3A_245 = arith.addi %mul3A_151, %add3A_244 : i32
        %mul3A_246 = arith.constant 128 : i32
        %mul3A_247 = arith.muli %add3A_245, %mul3A_246 : i32
        %dma_wait3A_248 = arith.constant 0 : i32
        %dma_wait3A_249 = arith.constant 0 : i32
        %dma_wait3A_250 = arith.constant 0 : i32
        %dma_wait3A_251 = tpu.memref_slice %arg5[%dma_wait3A_249, %dma_wait3A_250] : memref<2x128xi32, #tpu.memory_space<vmem>> -> memref<1x128xi32, #tpu.memory_space<vmem>>
        %dma_wait3A_252 = tpu.memref_squeeze %dma_wait3A_251 : memref<1x128xi32, #tpu.memory_space<vmem>> -> memref<128xi32, #tpu.memory_space<vmem>>
        %dma_wait3A_253 = tpu.memref_slice %arg3[%dma_wait3A_248, %add3A, %mul3A_247] : memref<2x32x10000xi32, #tpu.memory_space<hbm>> -> memref<1x1x128xi32, #tpu.memory_space<hbm>>
        %dma_wait3A_254 = tpu.memref_squeeze %dma_wait3A_253 : memref<1x1x128xi32, #tpu.memory_space<hbm>> -> memref<128xi32, #tpu.memory_space<hbm>>
        %dma_wait3A_255 = arith.constant 0 : i32
        %dma_wait3A_256 = tpu.memref_slice %arg5[%dma_wait3A_249, %dma_wait3A_255] : memref<2x128xi32, #tpu.memory_space<vmem>> -> memref<1x128xi32, #tpu.memory_space<vmem>>
        %dma_wait3A_257 = tpu.memref_squeeze %dma_wait3A_256 : memref<1x128xi32, #tpu.memory_space<vmem>> -> memref<128xi32, #tpu.memory_space<vmem>>
        %dma_wait3A_258 = tpu.memref_slice %arg3[%dma_wait3A_248, %add3A, %mul3A_247] : memref<2x32x10000xi32, #tpu.memory_space<hbm>> -> memref<1x1x128xi32, #tpu.memory_space<hbm>>
        %dma_wait3A_259 = tpu.memref_squeeze %dma_wait3A_258 : memref<1x1x128xi32, #tpu.memory_space<hbm>> -> memref<128xi32, #tpu.memory_space<hbm>>
        tpu.wait_dma2 semaphore(%arg12 : memref<!tpu.dma_semaphore, #tpu.memory_space<semaphore_mem>>) src(%dma_wait3A_259 : memref<128xi32, #tpu.memory_space<hbm>>) dst(%dma_wait3A_257 : memref<128xi32, #tpu.memory_space<vmem>>)
        %dma_start3A_260 = arith.constant 0 : i32
        %dma_start3A_261 = arith.constant 0 : i32
        %dma_start3A_262 = tpu.memref_slice %arg5[%dma_start3A_260, %dma_start3A_261] : memref<2x128xi32, #tpu.memory_space<vmem>> -> memref<1x128xi32, #tpu.memory_space<vmem>>
        %dma_start3A_263 = tpu.memref_squeeze %dma_start3A_262 : memref<1x128xi32, #tpu.memory_space<vmem>> -> memref<128xi32, #tpu.memory_space<vmem>>
        %dma_start3A_264 = arith.constant 0 : i32
        %dma_start3A_265 = arith.constant 0 : i32
        %dma_start3A_266 = tpu.memref_slice %arg2[%dma_start3A_264, %dma_start3A_265] : memref<10000x128xf32, #tpu.memory_space<hbm>> -> memref<10000x128xf32, #tpu.memory_space<hbm>>
        tpu.enqueue_indirect_dma source(%dma_start3A_266 : memref<10000x128xf32, #tpu.memory_space<hbm>>) target(%arg9 : memref<128x128xf32, #tpu.memory_space<vmem>>) offsets(%dma_start3A_263 : memref<128xi32, #tpu.memory_space<vmem>>) semaphore(%arg16 : memref<!tpu.dma_semaphore, #tpu.memory_space<semaphore_mem>>)
      } else {
      }
      %mul3A_178 = arith.constant 2 : i32
      %mul3A_179 = arith.muli %mul3A_178, %scan3A_148 : i32
      %add3A_180 = arith.constant 1 : i32
      %add3A_181 = arith.addi %mul3A_179, %add3A_180 : i32
      %dma_wait3A_182 = arith.constant 1 : i32
      %dma_wait3A_183 = arith.constant 0 : i32
      %dma_wait3A_184 = tpu.memref_slice %arg5[%dma_wait3A_182, %dma_wait3A_183] : memref<2x128xi32, #tpu.memory_space<vmem>> -> memref<1x128xi32, #tpu.memory_space<vmem>>
      %dma_wait3A_185 = tpu.memref_squeeze %dma_wait3A_184 : memref<1x128xi32, #tpu.memory_space<vmem>> -> memref<128xi32, #tpu.memory_space<vmem>>
      %dma_wait3A_186 = arith.constant 0 : i32
      %dma_wait3A_187 = arith.constant 0 : i32
      %dma_wait3A_188 = tpu.memref_slice %arg2[%dma_wait3A_186, %dma_wait3A_187] : memref<10000x128xf32, #tpu.memory_space<hbm>> -> memref<10000x128xf32, #tpu.memory_space<hbm>>
      tpu.wait_indirect_dma semaphore(%arg17 : memref<!tpu.dma_semaphore, #tpu.memory_space<semaphore_mem>>) src(%dma_wait3A_188 : memref<10000x128xf32, #tpu.memory_space<hbm>>) dst(%arg10 : memref<128x128xf32, #tpu.memory_space<vmem>>)
      %mul3A_189 = arith.constant 128 : i32
      %mul3A_190 = arith.muli %add3A_181, %mul3A_189 : i32
      %dma_wait3A_191 = arith.constant 1 : i32
      %dma_wait3A_192 = arith.constant 1 : i32
      %dma_wait3A_193 = arith.constant 0 : i32
      %dma_wait3A_194 = tpu.memref_slice %arg6[%dma_wait3A_192, %dma_wait3A_193] : memref<2x128xi32, #tpu.memory_space<vmem>> -> memref<1x128xi32, #tpu.memory_space<vmem>>
      %dma_wait3A_195 = tpu.memref_squeeze %dma_wait3A_194 : memref<1x128xi32, #tpu.memory_space<vmem>> -> memref<128xi32, #tpu.memory_space<vmem>>
      %dma_wait3A_196 = tpu.memref_slice %arg3[%dma_wait3A_191, %add3A, %mul3A_190] : memref<2x32x10000xi32, #tpu.memory_space<hbm>> -> memref<1x1x128xi32, #tpu.memory_space<hbm>>
      %dma_wait3A_197 = tpu.memref_squeeze %dma_wait3A_196 : memref<1x1x128xi32, #tpu.memory_space<hbm>> -> memref<128xi32, #tpu.memory_space<hbm>>
      %dma_wait3A_198 = arith.constant 0 : i32
      %dma_wait3A_199 = tpu.memref_slice %arg6[%dma_wait3A_192, %dma_wait3A_198] : memref<2x128xi32, #tpu.memory_space<vmem>> -> memref<1x128xi32, #tpu.memory_space<vmem>>
      %dma_wait3A_200 = tpu.memref_squeeze %dma_wait3A_199 : memref<1x128xi32, #tpu.memory_space<vmem>> -> memref<128xi32, #tpu.memory_space<vmem>>
      %dma_wait3A_201 = tpu.memref_slice %arg3[%dma_wait3A_191, %add3A, %mul3A_190] : memref<2x32x10000xi32, #tpu.memory_space<hbm>> -> memref<1x1x128xi32, #tpu.memory_space<hbm>>
      %dma_wait3A_202 = tpu.memref_squeeze %dma_wait3A_201 : memref<1x1x128xi32, #tpu.memory_space<hbm>> -> memref<128xi32, #tpu.memory_space<hbm>>
      tpu.wait_dma2 semaphore(%arg15 : memref<!tpu.dma_semaphore, #tpu.memory_space<semaphore_mem>>) src(%dma_wait3A_202 : memref<128xi32, #tpu.memory_space<hbm>>) dst(%dma_wait3A_200 : memref<128xi32, #tpu.memory_space<vmem>>)
      %run_scoped3A_203 = arith.constant 1 : i32
      "tpu.region"() ({
        %run_scoped3A_212 = tpu.sem_alloc : memref<!tpu.dma_semaphore, #tpu.memory_space<semaphore_mem>>
        %dma_start3A_213 = arith.constant 0 : i32
        %dma_start3A_214 = tpu.memref_slice %arg6[%run_scoped3A_203, %dma_start3A_213] : memref<2x128xi32, #tpu.memory_space<vmem>> -> memref<1x128xi32, #tpu.memory_space<vmem>>
        %dma_start3A_215 = tpu.memref_squeeze %dma_start3A_214 : memref<1x128xi32, #tpu.memory_space<vmem>> -> memref<128xi32, #tpu.memory_space<vmem>>
        %dma_start3A_216 = arith.constant 0 : i32
        %dma_start3A_217 = arith.constant 0 : i32
        %dma_start3A_218 = tpu.memref_slice %arg11[%dma_start3A_216, %dma_start3A_217] : memref<10240x128xf32, #tpu.memory_space<vmem_shared>> -> memref<10240x128xf32, #tpu.memory_space<vmem_shared>>
        tpu.enqueue_indirect_dma source(%arg10 : memref<128x128xf32, #tpu.memory_space<vmem>>) target(%dma_start3A_218 : memref<10240x128xf32, #tpu.memory_space<vmem_shared>>) offsets(%dma_start3A_215 : memref<128xi32, #tpu.memory_space<vmem>>) semaphore(%run_scoped3A_212 : memref<!tpu.dma_semaphore, #tpu.memory_space<semaphore_mem>>) {add = true}
        %dma_wait3A_219 = arith.constant 0 : i32
        %dma_wait3A_220 = tpu.memref_slice %arg6[%run_scoped3A_203, %dma_wait3A_219] : memref<2x128xi32, #tpu.memory_space<vmem>> -> memref<1x128xi32, #tpu.memory_space<vmem>>
        %dma_wait3A_221 = tpu.memref_squeeze %dma_wait3A_220 : memref<1x128xi32, #tpu.memory_space<vmem>> -> memref<128xi32, #tpu.memory_space<vmem>>
        %dma_wait3A_222 = arith.constant 0 : i32
        %dma_wait3A_223 = arith.constant 0 : i32
        %dma_wait3A_224 = tpu.memref_slice %arg11[%dma_wait3A_222, %dma_wait3A_223] : memref<10240x128xf32, #tpu.memory_space<vmem_shared>> -> memref<10240x128xf32, #tpu.memory_space<vmem_shared>>
        tpu.wait_indirect_dma semaphore(%run_scoped3A_212 : memref<!tpu.dma_semaphore, #tpu.memory_space<semaphore_mem>>) src(%arg10 : memref<128x128xf32, #tpu.memory_space<vmem>>) dst(%dma_wait3A_224 : memref<10240x128xf32, #tpu.memory_space<vmem_shared>>)
        tpu.yield
      }) : () -> ()
      %add3A_204 = arith.constant 2 : i32
      %add3A_205 = arith.addi %add3A_181, %add3A_204 : i32
      %lt3A_206 = arith.constant 78 : i32
      %lt3A_207 = arith.cmpi slt, %add3A_205, %lt3A_206 : i32
      %convert_element_type3A_208 = arith.extui %lt3A_207 : i1 to i32
      %cond3A_209 = arith.constant 0 : i32
      %cond3A_210 = arith.cmpi ne, %convert_element_type3A_208, %cond3A_209 : i32
      scf.if %cond3A_210 {
        %add3A_212 = arith.constant 2 : i32
        %add3A_213 = arith.addi %add3A_181, %add3A_212 : i32
        %mul3A_214 = arith.constant 128 : i32
        %mul3A_215 = arith.muli %add3A_213, %mul3A_214 : i32
        %dma_start3A_216 = arith.constant 0 : i32
        %dma_start3A_217 = arith.constant 1 : i32
        %dma_start3A_218 = arith.constant 0 : i32
        %dma_start3A_219 = tpu.memref_slice %arg5[%dma_start3A_217, %dma_start3A_218] : memref<2x128xi32, #tpu.memory_space<vmem>> -> memref<1x128xi32, #tpu.memory_space<vmem>>
        %dma_start3A_220 = tpu.memref_squeeze %dma_start3A_219 : memref<1x128xi32, #tpu.memory_space<vmem>> -> memref<128xi32, #tpu.memory_space<vmem>>
        %dma_start3A_221 = tpu.memref_slice %arg3[%dma_start3A_216, %add3A, %mul3A_215] : memref<2x32x10000xi32, #tpu.memory_space<hbm>> -> memref<1x1x128xi32, #tpu.memory_space<hbm>>
        %dma_start3A_222 = tpu.memref_squeeze %dma_start3A_221 : memref<1x1x128xi32, #tpu.memory_space<hbm>> -> memref<128xi32, #tpu.memory_space<hbm>>
        %dma_start3A_223 = arith.constant 0 : i32
        %dma_start3A_224 = tpu.memref_slice %arg5[%dma_start3A_217, %dma_start3A_223] : memref<2x128xi32, #tpu.memory_space<vmem>> -> memref<1x128xi32, #tpu.memory_space<vmem>>
        %dma_start3A_225 = tpu.memref_squeeze %dma_start3A_224 : memref<1x128xi32, #tpu.memory_space<vmem>> -> memref<128xi32, #tpu.memory_space<vmem>>
        %dma_start3A_226 = tpu.memref_slice %arg3[%dma_start3A_216, %add3A, %mul3A_215] : memref<2x32x10000xi32, #tpu.memory_space<hbm>> -> memref<1x1x128xi32, #tpu.memory_space<hbm>>
        %dma_start3A_227 = tpu.memref_squeeze %dma_start3A_226 : memref<1x1x128xi32, #tpu.memory_space<hbm>> -> memref<128xi32, #tpu.memory_space<hbm>>
        tpu.enqueue_dma source(%dma_start3A_227 : memref<128xi32, #tpu.memory_space<hbm>>) target(%dma_start3A_225 : memref<128xi32, #tpu.memory_space<vmem>>) target_semaphore(%arg14 : memref<!tpu.dma_semaphore, #tpu.memory_space<semaphore_mem>>)
        %add3A_228 = arith.constant 2 : i32
        %add3A_229 = arith.addi %add3A_181, %add3A_228 : i32
        %mul3A_230 = arith.constant 128 : i32
        %mul3A_231 = arith.muli %add3A_229, %mul3A_230 : i32
        %dma_start3A_232 = arith.constant 1 : i32
        %dma_start3A_233 = arith.constant 1 : i32
        %dma_start3A_234 = arith.constant 0 : i32
        %dma_start3A_235 = tpu.memref_slice %arg6[%dma_start3A_233, %dma_start3A_234] : memref<2x128xi32, #tpu.memory_space<vmem>> -> memref<1x128xi32, #tpu.memory_space<vmem>>
        %dma_start3A_236 = tpu.memref_squeeze %dma_start3A_235 : memref<1x128xi32, #tpu.memory_space<vmem>> -> memref<128xi32, #tpu.memory_space<vmem>>
        %dma_start3A_237 = tpu.memref_slice %arg3[%dma_start3A_232, %add3A, %mul3A_231] : memref<2x32x10000xi32, #tpu.memory_space<hbm>> -> memref<1x1x128xi32, #tpu.memory_space<hbm>>
        %dma_start3A_238 = tpu.memref_squeeze %dma_start3A_237 : memref<1x1x128xi32, #tpu.memory_space<hbm>> -> memref<128xi32, #tpu.memory_space<hbm>>
        %dma_start3A_239 = arith.constant 0 : i32
        %dma_start3A_240 = tpu.memref_slice %arg6[%dma_start3A_233, %dma_start3A_239] : memref<2x128xi32, #tpu.memory_space<vmem>> -> memref<1x128xi32, #tpu.memory_space<vmem>>
        %dma_start3A_241 = tpu.memref_squeeze %dma_start3A_240 : memref<1x128xi32, #tpu.memory_space<vmem>> -> memref<128xi32, #tpu.memory_space<vmem>>
        %dma_start3A_242 = tpu.memref_slice %arg3[%dma_start3A_232, %add3A, %mul3A_231] : memref<2x32x10000xi32, #tpu.memory_space<hbm>> -> memref<1x1x128xi32, #tpu.memory_space<hbm>>
        %dma_start3A_243 = tpu.memref_squeeze %dma_start3A_242 : memref<1x1x128xi32, #tpu.memory_space<hbm>> -> memref<128xi32, #tpu.memory_space<hbm>>
        tpu.enqueue_dma source(%dma_start3A_243 : memref<128xi32, #tpu.memory_space<hbm>>) target(%dma_start3A_241 : memref<128xi32, #tpu.memory_space<vmem>>) target_semaphore(%arg15 : memref<!tpu.dma_semaphore, #tpu.memory_space<semaphore_mem>>)
        %add3A_244 = arith.constant 2 : i32
        %add3A_245 = arith.addi %add3A_181, %add3A_244 : i32
        %mul3A_246 = arith.constant 128 : i32
        %mul3A_247 = arith.muli %add3A_245, %mul3A_246 : i32
        %dma_wait3A_248 = arith.constant 0 : i32
        %dma_wait3A_249 = arith.constant 1 : i32
        %dma_wait3A_250 = arith.constant 0 : i32
        %dma_wait3A_251 = tpu.memref_slice %arg5[%dma_wait3A_249, %dma_wait3A_250] : memref<2x128xi32, #tpu.memory_space<vmem>> -> memref<1x128xi32, #tpu.memory_space<vmem>>
        %dma_wait3A_252 = tpu.memref_squeeze %dma_wait3A_251 : memref<1x128xi32, #tpu.memory_space<vmem>> -> memref<128xi32, #tpu.memory_space<vmem>>
        %dma_wait3A_253 = tpu.memref_slice %arg3[%dma_wait3A_248, %add3A, %mul3A_247] : memref<2x32x10000xi32, #tpu.memory_space<hbm>> -> memref<1x1x128xi32, #tpu.memory_space<hbm>>
        %dma_wait3A_254 = tpu.memref_squeeze %dma_wait3A_253 : memref<1x1x128xi32, #tpu.memory_space<hbm>> -> memref<128xi32, #tpu.memory_space<hbm>>
        %dma_wait3A_255 = arith.constant 0 : i32
        %dma_wait3A_256 = tpu.memref_slice %arg5[%dma_wait3A_249, %dma_wait3A_255] : memref<2x128xi32, #tpu.memory_space<vmem>> -> memref<1x128xi32, #tpu.memory_space<vmem>>
        %dma_wait3A_257 = tpu.memref_squeeze %dma_wait3A_256 : memref<1x128xi32, #tpu.memory_space<vmem>> -> memref<128xi32, #tpu.memory_space<vmem>>
        %dma_wait3A_258 = tpu.memref_slice %arg3[%dma_wait3A_248, %add3A, %mul3A_247] : memref<2x32x10000xi32, #tpu.memory_space<hbm>> -> memref<1x1x128xi32, #tpu.memory_space<hbm>>
        %dma_wait3A_259 = tpu.memref_squeeze %dma_wait3A_258 : memref<1x1x128xi32, #tpu.memory_space<hbm>> -> memref<128xi32, #tpu.memory_space<hbm>>
        tpu.wait_dma2 semaphore(%arg14 : memref<!tpu.dma_semaphore, #tpu.memory_space<semaphore_mem>>) src(%dma_wait3A_259 : memref<128xi32, #tpu.memory_space<hbm>>) dst(%dma_wait3A_257 : memref<128xi32, #tpu.memory_space<vmem>>)
        %dma_start3A_260 = arith.constant 1 : i32
        %dma_start3A_261 = arith.constant 0 : i32
        %dma_start3A_262 = tpu.memref_slice %arg5[%dma_start3A_260, %dma_start3A_261] : memref<2x128xi32, #tpu.memory_space<vmem>> -> memref<1x128xi32, #tpu.memory_space<vmem>>
        %dma_start3A_263 = tpu.memref_squeeze %dma_start3A_262 : memref<1x128xi32, #tpu.memory_space<vmem>> -> memref<128xi32, #tpu.memory_space<vmem>>
        %dma_start3A_264 = arith.constant 0 : i32
        %dma_start3A_265 = arith.constant 0 : i32
        %dma_start3A_266 = tpu.memref_slice %arg2[%dma_start3A_264, %dma_start3A_265] : memref<10000x128xf32, #tpu.memory_space<hbm>> -> memref<10000x128xf32, #tpu.memory_space<hbm>>
        tpu.enqueue_indirect_dma source(%dma_start3A_266 : memref<10000x128xf32, #tpu.memory_space<hbm>>) target(%arg10 : memref<128x128xf32, #tpu.memory_space<vmem>>) offsets(%dma_start3A_263 : memref<128xi32, #tpu.memory_space<vmem>>) semaphore(%arg17 : memref<!tpu.dma_semaphore, #tpu.memory_space<semaphore_mem>>)
      } else {
      }
      %scan3A_211 = arith.constant 0 : i32
      scf.yield %scan3A_211 : i32
    }
    %scan3A_129 = arith.constant 39 : i32
    %run_scoped3A = arith.constant 0 : i32
    "tpu.region"() ({
      %run_scoped3A_148 = tpu.sem_alloc : memref<!tpu.dma_semaphore, #tpu.memory_space<semaphore_mem>>
      %dma_start3A_149 = arith.constant 9984 : i32
      %dma_start3A_150 = tpu.memref_slice %arg3[%run_scoped3A, %add3A, %dma_start3A_149] : memref<2x32x10000xi32, #tpu.memory_space<hbm>> -> memref<1x1x16xi32, #tpu.memory_space<hbm>>
      %dma_start3A_151 = tpu.memref_squeeze %dma_start3A_150 : memref<1x1x16xi32, #tpu.memory_space<hbm>> -> memref<16xi32, #tpu.memory_space<hbm>>
      %dma_start3A_152 = arith.constant 9984 : i32
      %dma_start3A_153 = tpu.memref_slice %arg3[%run_scoped3A, %add3A, %dma_start3A_152] : memref<2x32x10000xi32, #tpu.memory_space<hbm>> -> memref<1x1x16xi32, #tpu.memory_space<hbm>>
      %dma_start3A_154 = tpu.memref_squeeze %dma_start3A_153 : memref<1x1x16xi32, #tpu.memory_space<hbm>> -> memref<16xi32, #tpu.memory_space<hbm>>
      tpu.enqueue_dma source(%dma_start3A_154 : memref<16xi32, #tpu.memory_space<hbm>>) target(%arg7 : memref<16xi32, #tpu.memory_space<vmem>>) target_semaphore(%run_scoped3A_148 : memref<!tpu.dma_semaphore, #tpu.memory_space<semaphore_mem>>)
      %dma_wait3A_155 = arith.constant 9984 : i32
      %dma_wait3A_156 = tpu.memref_slice %arg3[%run_scoped3A, %add3A, %dma_wait3A_155] : memref<2x32x10000xi32, #tpu.memory_space<hbm>> -> memref<1x1x16xi32, #tpu.memory_space<hbm>>
      %dma_wait3A_157 = tpu.memref_squeeze %dma_wait3A_156 : memref<1x1x16xi32, #tpu.memory_space<hbm>> -> memref<16xi32, #tpu.memory_space<hbm>>
      %dma_wait3A_158 = arith.constant 9984 : i32
      %dma_wait3A_159 = tpu.memref_slice %arg3[%run_scoped3A, %add3A, %dma_wait3A_158] : memref<2x32x10000xi32, #tpu.memory_space<hbm>> -> memref<1x1x16xi32, #tpu.memory_space<hbm>>
      %dma_wait3A_160 = tpu.memref_squeeze %dma_wait3A_159 : memref<1x1x16xi32, #tpu.memory_space<hbm>> -> memref<16xi32, #tpu.memory_space<hbm>>
      tpu.wait_dma2 semaphore(%run_scoped3A_148 : memref<!tpu.dma_semaphore, #tpu.memory_space<semaphore_mem>>) src(%dma_wait3A_160 : memref<16xi32, #tpu.memory_space<hbm>>) dst(%arg7 : memref<16xi32, #tpu.memory_space<vmem>>)
      tpu.yield
    }) : () -> ()
    %run_scoped3A_130 = arith.constant 1 : i32
    "tpu.region"() ({
      %run_scoped3A_148 = tpu.sem_alloc : memref<!tpu.dma_semaphore, #tpu.memory_space<semaphore_mem>>
      %dma_start3A_149 = arith.constant 9984 : i32
      %dma_start3A_150 = tpu.memref_slice %arg3[%run_scoped3A_130, %add3A, %dma_start3A_149] : memref<2x32x10000xi32, #tpu.memory_space<hbm>> -> memref<1x1x16xi32, #tpu.memory_space<hbm>>
      %dma_start3A_151 = tpu.memref_squeeze %dma_start3A_150 : memref<1x1x16xi32, #tpu.memory_space<hbm>> -> memref<16xi32, #tpu.memory_space<hbm>>
      %dma_start3A_152 = arith.constant 9984 : i32
      %dma_start3A_153 = tpu.memref_slice %arg3[%run_scoped3A_130, %add3A, %dma_start3A_152] : memref<2x32x10000xi32, #tpu.memory_space<hbm>> -> memref<1x1x16xi32, #tpu.memory_space<hbm>>
      %dma_start3A_154 = tpu.memref_squeeze %dma_start3A_153 : memref<1x1x16xi32, #tpu.memory_space<hbm>> -> memref<16xi32, #tpu.memory_space<hbm>>
      tpu.enqueue_dma source(%dma_start3A_154 : memref<16xi32, #tpu.memory_space<hbm>>) target(%arg8 : memref<16xi32, #tpu.memory_space<vmem>>) target_semaphore(%run_scoped3A_148 : memref<!tpu.dma_semaphore, #tpu.memory_space<semaphore_mem>>)
      %dma_wait3A_155 = arith.constant 9984 : i32
      %dma_wait3A_156 = tpu.memref_slice %arg3[%run_scoped3A_130, %add3A, %dma_wait3A_155] : memref<2x32x10000xi32, #tpu.memory_space<hbm>> -> memref<1x1x16xi32, #tpu.memory_space<hbm>>
      %dma_wait3A_157 = tpu.memref_squeeze %dma_wait3A_156 : memref<1x1x16xi32, #tpu.memory_space<hbm>> -> memref<16xi32, #tpu.memory_space<hbm>>
      %dma_wait3A_158 = arith.constant 9984 : i32
      %dma_wait3A_159 = tpu.memref_slice %arg3[%run_scoped3A_130, %add3A, %dma_wait3A_158] : memref<2x32x10000xi32, #tpu.memory_space<hbm>> -> memref<1x1x16xi32, #tpu.memory_space<hbm>>
      %dma_wait3A_160 = tpu.memref_squeeze %dma_wait3A_159 : memref<1x1x16xi32, #tpu.memory_space<hbm>> -> memref<16xi32, #tpu.memory_space<hbm>>
      tpu.wait_dma2 semaphore(%run_scoped3A_148 : memref<!tpu.dma_semaphore, #tpu.memory_space<semaphore_mem>>) src(%dma_wait3A_160 : memref<16xi32, #tpu.memory_space<hbm>>) dst(%arg8 : memref<16xi32, #tpu.memory_space<vmem>>)
      tpu.yield
    }) : () -> ()
    %dma_start3A_131 = arith.constant 0 : i32
    %dma_start3A_132 = arith.constant 0 : i32
    %dma_start3A_133 = tpu.memref_slice %arg9[%dma_start3A_131, %dma_start3A_132] : memref<128x128xf32, #tpu.memory_space<vmem>> -> memref<16x128xf32, #tpu.memory_space<vmem>>
    %dma_start3A_134 = arith.constant 0 : i32
    %dma_start3A_135 = arith.constant 0 : i32
    %dma_start3A_136 = tpu.memref_slice %arg2[%dma_start3A_134, %dma_start3A_135] : memref<10000x128xf32, #tpu.memory_space<hbm>> -> memref<10000x128xf32, #tpu.memory_space<hbm>>
    tpu.enqueue_indirect_dma source(%dma_start3A_136 : memref<10000x128xf32, #tpu.memory_space<hbm>>) target(%dma_start3A_133 : memref<16x128xf32, #tpu.memory_space<vmem>>) offsets(%arg7 : memref<16xi32, #tpu.memory_space<vmem>>) semaphore(%arg16 : memref<!tpu.dma_semaphore, #tpu.memory_space<semaphore_mem>>)
    %dma_wait3A_137 = arith.constant 0 : i32
    %dma_wait3A_138 = arith.constant 0 : i32
    %dma_wait3A_139 = tpu.memref_slice %arg9[%dma_wait3A_137, %dma_wait3A_138] : memref<128x128xf32, #tpu.memory_space<vmem>> -> memref<16x128xf32, #tpu.memory_space<vmem>>
    %dma_wait3A_140 = arith.constant 0 : i32
    %dma_wait3A_141 = arith.constant 0 : i32
    %dma_wait3A_142 = tpu.memref_slice %arg2[%dma_wait3A_140, %dma_wait3A_141] : memref<10000x128xf32, #tpu.memory_space<hbm>> -> memref<10000x128xf32, #tpu.memory_space<hbm>>
    tpu.wait_indirect_dma semaphore(%arg16 : memref<!tpu.dma_semaphore, #tpu.memory_space<semaphore_mem>>) src(%dma_wait3A_142 : memref<10000x128xf32, #tpu.memory_space<hbm>>) dst(%dma_wait3A_139 : memref<16x128xf32, #tpu.memory_space<vmem>>)
    "tpu.region"() ({
      %run_scoped3A_148 = tpu.sem_alloc : memref<!tpu.dma_semaphore, #tpu.memory_space<semaphore_mem>>
      %dma_start3A_149 = arith.constant 0 : i32
      %dma_start3A_150 = arith.constant 0 : i32
      %dma_start3A_151 = tpu.memref_slice %arg9[%dma_start3A_149, %dma_start3A_150] : memref<128x128xf32, #tpu.memory_space<vmem>> -> memref<16x128xf32, #tpu.memory_space<vmem>>
      %dma_start3A_152 = arith.constant 0 : i32
      %dma_start3A_153 = arith.constant 0 : i32
      %dma_start3A_154 = tpu.memref_slice %arg11[%dma_start3A_152, %dma_start3A_153] : memref<10240x128xf32, #tpu.memory_space<vmem_shared>> -> memref<10240x128xf32, #tpu.memory_space<vmem_shared>>
      tpu.enqueue_indirect_dma source(%dma_start3A_151 : memref<16x128xf32, #tpu.memory_space<vmem>>) target(%dma_start3A_154 : memref<10240x128xf32, #tpu.memory_space<vmem_shared>>) offsets(%arg8 : memref<16xi32, #tpu.memory_space<vmem>>) semaphore(%run_scoped3A_148 : memref<!tpu.dma_semaphore, #tpu.memory_space<semaphore_mem>>) {add = true}
      %dma_wait3A_155 = arith.constant 0 : i32
      %dma_wait3A_156 = arith.constant 0 : i32
      %dma_wait3A_157 = tpu.memref_slice %arg9[%dma_wait3A_155, %dma_wait3A_156] : memref<128x128xf32, #tpu.memory_space<vmem>> -> memref<16x128xf32, #tpu.memory_space<vmem>>
      %dma_wait3A_158 = arith.constant 0 : i32
      %dma_wait3A_159 = arith.constant 0 : i32
      %dma_wait3A_160 = tpu.memref_slice %arg11[%dma_wait3A_158, %dma_wait3A_159] : memref<10240x128xf32, #tpu.memory_space<vmem_shared>> -> memref<10240x128xf32, #tpu.memory_space<vmem_shared>>
      tpu.wait_indirect_dma semaphore(%run_scoped3A_148 : memref<!tpu.dma_semaphore, #tpu.memory_space<semaphore_mem>>) src(%dma_wait3A_157 : memref<16x128xf32, #tpu.memory_space<vmem>>) dst(%dma_wait3A_160 : memref<10240x128xf32, #tpu.memory_space<vmem_shared>>)
      tpu.yield
    }) : () -> ()
    %barrier3A_143 = arith.constant 0 : index
    tpu.barrier barrier_id(%barrier3A_143)
    %mul3A_144 = arith.constant 640 : i32
    %mul3A_145 = arith.muli %arg1, %mul3A_144 : i32
    %mul3A_146 = arith.constant 640 : i32
    %mul3A_147 = arith.muli %arg1, %mul3A_146 : i32
    "tpu.region"() ({
      %run_scoped3A_148 = tpu.sem_alloc : memref<!tpu.dma_semaphore, #tpu.memory_space<semaphore_mem>>
      %dma_start3A_149 = arith.constant 0 : i32
      %dma_start3A_150 = tpu.memref_slice %arg4[%arg0, %mul3A_147, %dma_start3A_149] : memref<2x10240x128xf32, #tpu.memory_space<hbm>> -> memref<1x640x128xf32, #tpu.memory_space<hbm>>
      %dma_start3A_151 = tpu.memref_squeeze %dma_start3A_150 : memref<1x640x128xf32, #tpu.memory_space<hbm>> -> memref<640x128xf32, #tpu.memory_space<hbm>>
      %dma_start3A_152 = arith.constant 0 : i32
      %dma_start3A_153 = tpu.memref_slice %arg11[%mul3A_145, %dma_start3A_152] : memref<10240x128xf32, #tpu.memory_space<vmem_shared>> -> memref<640x128xf32, #tpu.memory_space<vmem_shared>>
      tpu.enqueue_dma source(%dma_start3A_153 : memref<640x128xf32, #tpu.memory_space<vmem_shared>>) target(%dma_start3A_151 : memref<640x128xf32, #tpu.memory_space<hbm>>) target_semaphore(%run_scoped3A_148 : memref<!tpu.dma_semaphore, #tpu.memory_space<semaphore_mem>>)
      %dma_wait3A_154 = arith.constant 0 : i32
      %dma_wait3A_155 = tpu.memref_slice %arg4[%arg0, %mul3A_147, %dma_wait3A_154] : memref<2x10240x128xf32, #tpu.memory_space<hbm>> -> memref<1x640x128xf32, #tpu.memory_space<hbm>>
      %dma_wait3A_156 = tpu.memref_squeeze %dma_wait3A_155 : memref<1x640x128xf32, #tpu.memory_space<hbm>> -> memref<640x128xf32, #tpu.memory_space<hbm>>
      %dma_wait3A_157 = arith.constant 0 : i32
      %dma_wait3A_158 = tpu.memref_slice %arg11[%mul3A_145, %dma_wait3A_157] : memref<10240x128xf32, #tpu.memory_space<vmem_shared>> -> memref<640x128xf32, #tpu.memory_space<vmem_shared>>
      tpu.wait_dma2 semaphore(%run_scoped3A_148 : memref<!tpu.dma_semaphore, #tpu.memory_space<semaphore_mem>>) src(%dma_wait3A_158 : memref<640x128xf32, #tpu.memory_space<vmem_shared>>) dst(%dma_wait3A_156 : memref<640x128xf32, #tpu.memory_space<hbm>>)
      tpu.yield
    }) : () -> ()
    return
  }
}

module attributes {stable_mosaic.version = 14 : i64} {
  func.func @_tc_mm_body(%arg0: i32, %arg1: memref<2000x128xf32, #tpu.memory_space<vmem>>, %arg2: memref<128x128xf32, #tpu.memory_space<vmem>>, %arg3: memref<2000x128xf32, #tpu.memory_space<vmem>>) attributes {dimension_semantics = [#tpu.dimension_semantics<arbitrary>], iteration_bounds = array<i64: 5>, scalar_prefetch = 0 : i64, scratch_operands = 0 : i64, tpu.core_type = #tpu.core_type<tc>, window_params = [{transform_indices = @transform_0, window_bounds = array<i64: 2000, 128>}, {pipeline_mode = #tpu.pipeline_mode<synchronous>, transform_indices = @transform_1, window_bounds = array<i64: 128, 128>}, {transform_indices = @transform_2, window_bounds = array<i64: 2000, 128>}]} {
    %get3A = arith.constant 0 : index
    %get3A_0 = arith.constant 0 : index
    %get3A_1 = vector.load %arg1[%get3A, %get3A_0] : memref<2000x128xf32, #tpu.memory_space<vmem>>, vector<2000x128xf32>
    %get3A_2 = arith.constant 0 : index
    %get3A_3 = arith.constant 0 : index
    %get3A_4 = vector.load %arg2[%get3A_2, %get3A_3] : memref<128x128xf32, #tpu.memory_space<vmem>>, vector<128x128xf32>
    %dot_general3A = arith.constant dense<0.000000e+00> : vector<2000x128xf32>
    %dot_general3A_5 = tpu.matmul %get3A_1, %get3A_4, %dot_general3A {dimension_numbers = #tpu.dot_dimension_numbers<[1], [0], [0], [1], [0, 0, 1, 1], [], []>, transpose_lhs_hint = false} : vector<2000x128xf32>, vector<128x128xf32>, vector<2000x128xf32> -> vector<2000x128xf32>
    %swap3A = arith.constant 0 : index
    %swap3A_6 = arith.constant 0 : index
    %swap3A_7 = vector.load %arg3[%swap3A, %swap3A_6] : memref<2000x128xf32, #tpu.memory_space<vmem>>, vector<2000x128xf32>
    tpu.vector_store %arg3[%swap3A, %swap3A_6], %dot_general3A_5 {strides = array<i32>} : memref<2000x128xf32, #tpu.memory_space<vmem>>, vector<2000x128xf32>,
    return
  }
  func.func @transform_0(%arg0: i32) -> (i32, i32) {
    %c0_i32 = arith.constant 0 : i32
    %c0_i32_0 = arith.constant 0 : i32
    return %arg0, %c0_i32 : i32, i32
  }
  func.func @transform_1(%arg0: i32) -> (i32, i32) {
    %c0_i32 = arith.constant 0 : i32
    %c0_i32_0 = arith.constant 0 : i32
    %c0_i32_1 = arith.constant 0 : i32
    return %c0_i32, %c0_i32_0 : i32, i32
  }
  func.func @transform_2(%arg0: i32) -> (i32, i32) {
    %c0_i32 = arith.constant 0 : i32
    %c0_i32_0 = arith.constant 0 : i32
    return %arg0, %c0_i32 : i32, i32
  }
}

module attributes {stable_mosaic.version = 14 : i64} {
  func.func @_tc2_body(%arg0: i32, %arg1: memref<2x2000x128xf32, #tpu.memory_space<vmem>>, %arg2: memref<2000x128xf32, #tpu.memory_space<vmem>>, %arg3: memref<2000x1xf32, #tpu.memory_space<vmem>>, %arg4: memref<1x128xf32, #tpu.memory_space<vmem>>, %arg5: memref<128x128xf32, #tpu.memory_space<vmem>>, %arg6: memref<2000x128xf32, #tpu.memory_space<vmem>>) attributes {dimension_semantics = [#tpu.dimension_semantics<arbitrary>], iteration_bounds = array<i64: 5>, scalar_prefetch = 0 : i64, scratch_operands = 0 : i64, tpu.core_type = #tpu.core_type<tc>, window_params = [{transform_indices = @transform_0, window_bounds = array<i64: 2, 2000, 128>}, {transform_indices = @transform_1, window_bounds = array<i64: 2000, 128>}, {transform_indices = @transform_2, window_bounds = array<i64: 2000, 1>}, {pipeline_mode = #tpu.pipeline_mode<synchronous>, transform_indices = @transform_3, window_bounds = array<i64: 1, 128>}, {pipeline_mode = #tpu.pipeline_mode<synchronous>, transform_indices = @transform_4, window_bounds = array<i64: 128, 128>}, {transform_indices = @transform_5, window_bounds = array<i64: 2000, 128>}]} {
    %get3A = arith.constant 0 : index
    %get3A_0 = arith.constant 0 : index
    %get3A_1 = arith.constant 0 : index
    %get3A_2 = vector.load %arg1[%get3A, %get3A_0, %get3A_1] : memref<2x2000x128xf32, #tpu.memory_space<vmem>>, vector<1x2000x128xf32>
    %get3A_3 = vector.shape_cast %get3A_2 : vector<1x2000x128xf32> to vector<2000x128xf32>
    %get3A_4 = arith.constant 1 : index
    %get3A_5 = arith.constant 0 : index
    %get3A_6 = arith.constant 0 : index
    %get3A_7 = vector.load %arg1[%get3A_4, %get3A_5, %get3A_6] : memref<2x2000x128xf32, #tpu.memory_space<vmem>>, vector<1x2000x128xf32>
    %get3A_8 = vector.shape_cast %get3A_7 : vector<1x2000x128xf32> to vector<2000x128xf32>
    %add3A = arith.addf %get3A_3, %get3A_8 : vector<2000x128xf32>
    %get3A_9 = arith.constant 0 : index
    %get3A_10 = arith.constant 0 : index
    %get3A_11 = vector.load %arg3[%get3A_9, %get3A_10] : memref<2000x1xf32, #tpu.memory_space<vmem>>, vector<2000x1xf32>
    %get3A_12 = arith.constant 0 : index
    %get3A_13 = arith.constant 0 : index
    %get3A_14 = vector.load %arg2[%get3A_12, %get3A_13] : memref<2000x128xf32, #tpu.memory_space<vmem>>, vector<2000x128xf32>
    %add3A_15 = arith.addf %add3A, %get3A_14 : vector<2000x128xf32>
    %mul3A = vector.broadcast %get3A_11 : vector<2000x1xf32> to vector<2000x128xf32>
    %mul3A_16 = arith.mulf %mul3A, %add3A_15 : vector<2000x128xf32>
    %get3A_17 = arith.constant 0 : index
    %get3A_18 = arith.constant 0 : index
    %get3A_19 = vector.load %arg4[%get3A_17, %get3A_18] : memref<1x128xf32, #tpu.memory_space<vmem>>, vector<1x128xf32>
    %add3A_20 = vector.broadcast %get3A_19 : vector<1x128xf32> to vector<2000x128xf32>
    %add3A_21 = arith.addf %mul3A_16, %add3A_20 : vector<2000x128xf32>
    %max3A = arith.constant 0.000000e+00 : f32
    %max3A_22 = vector.broadcast %max3A : f32 to vector<2000x128xf32>
    %max3A_23 = arith.maximumf %add3A_21, %max3A_22 : vector<2000x128xf32>
    %get3A_24 = arith.constant 0 : index
    %get3A_25 = arith.constant 0 : index
    %get3A_26 = vector.load %arg5[%get3A_24, %get3A_25] : memref<128x128xf32, #tpu.memory_space<vmem>>, vector<128x128xf32>
    %dot_general3A = arith.constant dense<0.000000e+00> : vector<2000x128xf32>
    %dot_general3A_27 = tpu.matmul %max3A_23, %get3A_26, %dot_general3A {dimension_numbers = #tpu.dot_dimension_numbers<[1], [0], [0], [1], [0, 0, 1, 1], [], []>, transpose_lhs_hint = false} : vector<2000x128xf32>, vector<128x128xf32>, vector<2000x128xf32> -> vector<2000x128xf32>
    %mul3A_28 = vector.broadcast %get3A_11 : vector<2000x1xf32> to vector<2000x128xf32>
    %mul3A_29 = arith.mulf %dot_general3A_27, %mul3A_28 : vector<2000x128xf32>
    %swap3A = arith.constant 0 : index
    %swap3A_30 = arith.constant 0 : index
    %swap3A_31 = vector.load %arg6[%swap3A, %swap3A_30] : memref<2000x128xf32, #tpu.memory_space<vmem>>, vector<2000x128xf32>
    tpu.vector_store %arg6[%swap3A, %swap3A_30], %mul3A_29 {strides = array<i32>} : memref<2000x128xf32, #tpu.memory_space<vmem>>, vector<2000x128xf32>,
    return
  }
  func.func @transform_0(%arg0: i32) -> (i32, i32, i32) {
    %c0_i32 = arith.constant 0 : i32
    %c0_i32_0 = arith.constant 0 : i32
    %c0_i32_1 = arith.constant 0 : i32
    return %c0_i32, %arg0, %c0_i32_0 : i32, i32, i32
  }
  func.func @transform_1(%arg0: i32) -> (i32, i32) {
    %c0_i32 = arith.constant 0 : i32
    %c0_i32_0 = arith.constant 0 : i32
    return %arg0, %c0_i32 : i32, i32
  }
  func.func @transform_2(%arg0: i32) -> (i32, i32) {
    %c0_i32 = arith.constant 0 : i32
    %c0_i32_0 = arith.constant 0 : i32
    return %arg0, %c0_i32 : i32, i32
  }
  func.func @transform_3(%arg0: i32) -> (i32, i32) {
    %c0_i32 = arith.constant 0 : i32
    %c0_i32_0 = arith.constant 0 : i32
    %c0_i32_1 = arith.constant 0 : i32
    return %c0_i32, %c0_i32_0 : i32, i32
  }
  func.func @transform_4(%arg0: i32) -> (i32, i32) {
    %c0_i32 = arith.constant 0 : i32
    %c0_i32_0 = arith.constant 0 : i32
    %c0_i32_1 = arith.constant 0 : i32
    return %c0_i32, %c0_i32_0 : i32, i32
  }
  func.func @transform_5(%arg0: i32) -> (i32, i32) {
    %c0_i32 = arith.constant 0 : i32
    %c0_i32_0 = arith.constant 0 : i32
    return %arg0, %c0_i32 : i32, i32
  }
}

module attributes {stable_mosaic.version = 14 : i64} {
  func.func @_tc_scale_body(%arg0: i32, %arg1: memref<2000x128xf32, #tpu.memory_space<vmem>>, %arg2: memref<2000x2xf32, #tpu.memory_space<vmem>>, %arg3: memref<2000x1xf32, #tpu.memory_space<vmem>>, %arg4: memref<2000x128xf32, #tpu.memory_space<vmem>>) attributes {dimension_semantics = [#tpu.dimension_semantics<arbitrary>], iteration_bounds = array<i64: 5>, scalar_prefetch = 0 : i64, scratch_operands = 0 : i64, tpu.core_type = #tpu.core_type<tc>, window_params = [{transform_indices = @transform_0, window_bounds = array<i64: 2000, 128>}, {transform_indices = @transform_1, window_bounds = array<i64: 2000, 2>}, {transform_indices = @transform_2, window_bounds = array<i64: 2000, 1>}, {transform_indices = @transform_3, window_bounds = array<i64: 2000, 128>}]} {
    %get3A = arith.constant 0 : index
    %get3A_0 = arith.constant 0 : index
    %get3A_1 = vector.load %arg2[%get3A, %get3A_0] : memref<2000x2xf32, #tpu.memory_space<vmem>>, vector<2000x1xf32>
    %add3A = arith.constant 1.000000e+00 : f32
    %add3A_2 = vector.broadcast %add3A : f32 to vector<2000x1xf32>
    %add3A_3 = arith.addf %add3A_2, %get3A_1 : vector<2000x1xf32>
    %get3A_4 = arith.constant 0 : index
    %get3A_5 = arith.constant 1 : index
    %get3A_6 = vector.load %arg2[%get3A_4, %get3A_5] : memref<2000x2xf32, #tpu.memory_space<vmem>>, vector<2000x1xf32>
    %add3A_7 = arith.addf %add3A_3, %get3A_6 : vector<2000x1xf32>
    %rsqrt3A = math.rsqrt %add3A_7 : vector<2000x1xf32>
    %swap3A = arith.constant 0 : index
    %swap3A_8 = arith.constant 0 : index
    %swap3A_9 = vector.load %arg3[%swap3A, %swap3A_8] : memref<2000x1xf32, #tpu.memory_space<vmem>>, vector<2000x1xf32>
    tpu.vector_store %arg3[%swap3A, %swap3A_8], %rsqrt3A {strides = array<i32>} : memref<2000x1xf32, #tpu.memory_space<vmem>>, vector<2000x1xf32>,
    %get3A_10 = arith.constant 0 : index
    %get3A_11 = arith.constant 0 : index
    %get3A_12 = vector.load %arg1[%get3A_10, %get3A_11] : memref<2000x128xf32, #tpu.memory_space<vmem>>, vector<2000x128xf32>
    %mul3A = vector.broadcast %rsqrt3A : vector<2000x1xf32> to vector<2000x128xf32>
    %mul3A_13 = arith.mulf %get3A_12, %mul3A : vector<2000x128xf32>
    %swap3A_14 = arith.constant 0 : index
    %swap3A_15 = arith.constant 0 : index
    %swap3A_16 = vector.load %arg4[%swap3A_14, %swap3A_15] : memref<2000x128xf32, #tpu.memory_space<vmem>>, vector<2000x128xf32>
    tpu.vector_store %arg4[%swap3A_14, %swap3A_15], %mul3A_13 {strides = array<i32>} : memref<2000x128xf32, #tpu.memory_space<vmem>>, vector<2000x128xf32>,
    return
  }
  func.func @transform_0(%arg0: i32) -> (i32, i32) {
    %c0_i32 = arith.constant 0 : i32
    %c0_i32_0 = arith.constant 0 : i32
    return %arg0, %c0_i32 : i32, i32
  }
  func.func @transform_1(%arg0: i32) -> (i32, i32) {
    %c0_i32 = arith.constant 0 : i32
    %c0_i32_0 = arith.constant 0 : i32
    return %arg0, %c0_i32 : i32, i32
  }
  func.func @transform_2(%arg0: i32) -> (i32, i32) {
    %c0_i32 = arith.constant 0 : i32
    %c0_i32_0 = arith.constant 0 : i32
    return %arg0, %c0_i32 : i32, i32
  }
  func.func @transform_3(%arg0: i32) -> (i32, i32) {
    %c0_i32 = arith.constant 0 : i32
    %c0_i32_0 = arith.constant 0 : i32
    return %arg0, %c0_i32 : i32, i32
  }
}

module attributes {stable_mosaic.version = 14 : i64} {
  func.func @_tc3_body(%arg0: i32, %arg1: memref<2x2000x128xf32, #tpu.memory_space<vmem>>, %arg2: memref<2000x128xf32, #tpu.memory_space<vmem>>, %arg3: memref<2000x1xf32, #tpu.memory_space<vmem>>, %arg4: memref<1x128xf32, #tpu.memory_space<vmem>>, %arg5: memref<1x128xf32, #tpu.memory_space<vmem>>) attributes {dimension_semantics = [#tpu.dimension_semantics<arbitrary>], iteration_bounds = array<i64: 5>, scalar_prefetch = 0 : i64, scratch_operands = 0 : i64, tpu.core_type = #tpu.core_type<tc>, window_params = [{transform_indices = @transform_0, window_bounds = array<i64: 2, 2000, 128>}, {transform_indices = @transform_1, window_bounds = array<i64: 2000, 128>}, {transform_indices = @transform_2, window_bounds = array<i64: 2000, 1>}, {pipeline_mode = #tpu.pipeline_mode<synchronous>, transform_indices = @transform_3, window_bounds = array<i64: 1, 128>}, {pipeline_mode = #tpu.pipeline_mode<synchronous>, transform_indices = @transform_4, window_bounds = array<i64: 1, 128>}]} {
    %get3A = arith.constant 0 : index
    %get3A_0 = arith.constant 0 : index
    %get3A_1 = arith.constant 0 : index
    %get3A_2 = vector.load %arg1[%get3A, %get3A_0, %get3A_1] : memref<2x2000x128xf32, #tpu.memory_space<vmem>>, vector<1x2000x128xf32>
    %get3A_3 = vector.shape_cast %get3A_2 : vector<1x2000x128xf32> to vector<2000x128xf32>
    %get3A_4 = arith.constant 1 : index
    %get3A_5 = arith.constant 0 : index
    %get3A_6 = arith.constant 0 : index
    %get3A_7 = vector.load %arg1[%get3A_4, %get3A_5, %get3A_6] : memref<2x2000x128xf32, #tpu.memory_space<vmem>>, vector<1x2000x128xf32>
    %get3A_8 = vector.shape_cast %get3A_7 : vector<1x2000x128xf32> to vector<2000x128xf32>
    %add3A = arith.addf %get3A_3, %get3A_8 : vector<2000x128xf32>
    %get3A_9 = arith.constant 0 : index
    %get3A_10 = arith.constant 0 : index
    %get3A_11 = vector.load %arg3[%get3A_9, %get3A_10] : memref<2000x1xf32, #tpu.memory_space<vmem>>, vector<2000x1xf32>
    %get3A_12 = arith.constant 0 : index
    %get3A_13 = arith.constant 0 : index
    %get3A_14 = vector.load %arg2[%get3A_12, %get3A_13] : memref<2000x128xf32, #tpu.memory_space<vmem>>, vector<2000x128xf32>
    %add3A_15 = arith.addf %add3A, %get3A_14 : vector<2000x128xf32>
    %mul3A = vector.broadcast %get3A_11 : vector<2000x1xf32> to vector<2000x128xf32>
    %mul3A_16 = arith.mulf %mul3A, %add3A_15 : vector<2000x128xf32>
    %get3A_17 = arith.constant 0 : index
    %get3A_18 = arith.constant 0 : index
    %get3A_19 = vector.load %arg4[%get3A_17, %get3A_18] : memref<1x128xf32, #tpu.memory_space<vmem>>, vector<1x128xf32>
    %add3A_20 = vector.broadcast %get3A_19 : vector<1x128xf32> to vector<2000x128xf32>
    %add3A_21 = arith.addf %mul3A_16, %add3A_20 : vector<2000x128xf32>
    %max3A = arith.constant 0.000000e+00 : f32
    %max3A_22 = vector.broadcast %max3A : f32 to vector<2000x128xf32>
    %max3A_23 = arith.maximumf %add3A_21, %max3A_22 : vector<2000x128xf32>
    %eq3A = arith.constant 0 : i32
    %eq3A_24 = arith.cmpi eq, %arg0, %eq3A : i32
    %convert_element_type3A = arith.extui %eq3A_24 : i1 to i32
    %cond3A = arith.constant 0 : i32
    %cond3A_25 = arith.cmpi ne, %convert_element_type3A, %cond3A : i32
    scf.if %cond3A_25 {
      %broadcast_in_dim3A_36 = arith.constant 0.000000e+00 : f32
      %broadcast_in_dim3A_37 = vector.broadcast %broadcast_in_dim3A_36 : f32 to vector<1x128xf32>
      %swap3A_38 = arith.constant 0 : index
      %swap3A_39 = arith.constant 0 : index
      %swap3A_40 = vector.load %arg5[%swap3A_38, %swap3A_39] : memref<1x128xf32, #tpu.memory_space<vmem>>, vector<1x128xf32>
      tpu.vector_store %arg5[%swap3A_38, %swap3A_39], %broadcast_in_dim3A_37 {strides = array<i32>} : memref<1x128xf32, #tpu.memory_space<vmem>>, vector<1x128xf32>,
    } else {
    }
    %get3A_26 = arith.constant 0 : index
    %get3A_27 = arith.constant 0 : index
    %get3A_28 = vector.load %arg5[%get3A_26, %get3A_27] : memref<1x128xf32, #tpu.memory_space<vmem>>, vector<1x128xf32>
    %reduce_sum3A = arith.constant dense<0.000000e+00> : vector<128xf32>
    %reduce_sum3A_29 = vector.multi_reduction <add>, %max3A_23, %reduce_sum3A [0] : vector<2000x128xf32> to vector<128xf32>
    %broadcast_in_dim3A = vector.shape_cast %reduce_sum3A_29 : vector<128xf32> to vector<1x128xf32>
    %mul3A_30 = arith.constant 9.99999974E-5 : f32
    %mul3A_31 = vector.broadcast %mul3A_30 : f32 to vector<1x128xf32>
    %mul3A_32 = arith.mulf %broadcast_in_dim3A, %mul3A_31 : vector<1x128xf32>
    %add3A_33 = arith.addf %get3A_28, %mul3A_32 : vector<1x128xf32>
    %swap3A = arith.constant 0 : index
    %swap3A_34 = arith.constant 0 : index
    %swap3A_35 = vector.load %arg5[%swap3A, %swap3A_34] : memref<1x128xf32, #tpu.memory_space<vmem>>, vector<1x128xf32>
    tpu.vector_store %arg5[%swap3A, %swap3A_34], %add3A_33 {strides = array<i32>} : memref<1x128xf32, #tpu.memory_space<vmem>>, vector<1x128xf32>,
    return
  }
  func.func @transform_0(%arg0: i32) -> (i32, i32, i32) {
    %c0_i32 = arith.constant 0 : i32
    %c0_i32_0 = arith.constant 0 : i32
    %c0_i32_1 = arith.constant 0 : i32
    return %c0_i32, %arg0, %c0_i32_0 : i32, i32, i32
  }
  func.func @transform_1(%arg0: i32) -> (i32, i32) {
    %c0_i32 = arith.constant 0 : i32
    %c0_i32_0 = arith.constant 0 : i32
    return %arg0, %c0_i32 : i32, i32
  }
  func.func @transform_2(%arg0: i32) -> (i32, i32) {
    %c0_i32 = arith.constant 0 : i32
    %c0_i32_0 = arith.constant 0 : i32
    return %arg0, %c0_i32 : i32, i32
  }
  func.func @transform_3(%arg0: i32) -> (i32, i32) {
    %c0_i32 = arith.constant 0 : i32
    %c0_i32_0 = arith.constant 0 : i32
    %c0_i32_1 = arith.constant 0 : i32
    return %c0_i32, %c0_i32_0 : i32, i32
  }
  func.func @transform_4(%arg0: i32) -> (i32, i32) {
    %c0_i32 = arith.constant 0 : i32
    %c0_i32_0 = arith.constant 0 : i32
    %c0_i32_1 = arith.constant 0 : i32
    return %c0_i32, %c0_i32_0 : i32, i32
  }
}

</mosaic_0001>

<sc_bundles>
// kernel: kernel.12.cloned.1.call-start
scs
__scs_entry_jumppad:
0x0: {  	(pc) =	sbr.rel $0x88, $3  }
0x1: {  	(tag) =	ssettag $0x0;
	lr =	simm.s32 $0x1  }
0x2: {  	[smem:$0x3F9B] =	sst lr;
	_ =	strace $0xD0000000  }
0x3: {  	_ = 	snop  }
0x4: {  	_ = 	snop  }
0x5: {  	_ = 	snop  }
0x6: {  	_ = 	snop  }
0x7: {  	_ = 	snop  }
__scs_overlays_trampoline_lowered:
0x8: {  	[smem:$0x3FAA] =	sst s0  }
0x9: {  	[smem:$0x3FAB] =	sst s1  }
0xa: {  	[smem:$0x3FAC] =	sst s2  }
0xb: {  	[smem:$0x3FAD] =	sst s3  }
0xc: {  	[smem:$0x3FAE] =	sst s4  }
0xd: {  	[smem:$0x3FAF] =	sst s5  }
0xe: {  	[smem:$0x3FB0] =	sst s6  }
0xf: {  	[smem:$0x3FB1] =	sst s7  }
0x10: {  	[smem:$0x3FB2] =	sst s8  }
0x11: {  	[smem:$0x3FB3] =	sst s9;
	s0 =	simm.s32 @!p0 $0x0  }
0x12: {  	s1 =	sld [smem:$0x3F99];
	s0 =	simm.s32 @p0 $0x1  }
0x13: {  	[smem:$0x3FB4] =	sst s0;
	s0 =	simm.s32 @!p1 $0x0  }
0x14: {  	s2 =	sld [smem:$0x3F98];
	s0 =	simm.s32 @p1 $0x1  }
0x15: {  	[smem:$0x3FB5] =	sst s0;
	s0 =	simm.s32 @!p2 $0x0  }
0x16: {  	s3 =	sld [smem:$0x3FDB];
	s0 =	simm.s32 @p2 $0x1  }
0x17: {  	s4 =	simm.s32 $0x1BF5;
	[smem:$0x3FB7] =	sst s0  }
0x18: {  	s0 =	sld [smem:$0x3F9A];
	_ =	swait.ge [sflag:s4], $0x0  }
0x19: {  	s7 =	sld [smem:$0x3F9B]  }
0x1a: {  	s8 =	sadd.s32 $0xFFFFE003, lr  }
0x1b: {  	s9 =	sadd.s32 $0xFFFFFEF7, lr;
	s5 =	simm.s32 $0xFFFFFFFF;
	p2 =	slt.u32 s8, $0xFFFFF086  }
0x1c: {  	p1 =	slt.u32 s9, $0xF7A;
	s5 =	simm.s32 @!p2 $0x0  }
0x1d: {  	s5 =	simm.s32 @p1 $0x1;
	p0 =	seq.s32 s7, s2  }
0x1e: {  	s7 =	smul.u32 @!p0 $0xF7A, s2;
	p2 =	seq.s32 @!p0 s5, $0x0  }
0x1f: {  	s9 =	smul.u32 $0xF7A, s1;
	s8 =	simm.s32 @!p0 $0x1BF5;
	p2 =	por !p2, p0  }
0x20: {  	[sflag:s8] =	ssyncset.s32 @!p0 $0xFFFFF086;
	s6 =	sadd.s32 @!p0 s3, s7;
	s7 =	simm.s32 @!p0 $0x108  }
0x21: {  	s3 =	sadd.s32 s3, s9;
	s6 =	sadd.s32 @!p0 $0x88, s6;
	s7 =	simm.s32 @p2 $0x1082  }
0x22: {  	[simem:s7], [sflag:s8] =	dma.local @!p0 [hbm:s6], $0xF7A  }
0x23: {  	s9 =	sor.u32 $0xD0000000, s2;
	s6 =	simm.s32 $0x108;
	_ =	swait.ge @!p0 [sflag:s8], $0x0  }
0x24: {  	s3 =	sadd.s32 $0x88, s3;
	s6 =	simm.s32 @!p1 $0x1082;
	[sflag:s4] =	ssyncset.s32 $0xFFFFF086  }
0x25: {  	[simem:s6], [sflag:s4] =	dma.local [hbm:s3], $0xF7A  }
0x26: {  	[smem:$0x3F9B] =	sst s1;
	(tag) =	ssettag s2;
	_ =	strace s9  }
0x27: {  	s1 =	sld [smem:$0x3FAB]  }
0x28: {  	s2 =	sld [smem:$0x3FAC]  }
0x29: {  	s4 =	sld [smem:$0x3FAE]  }
0x2a: {  	p0 =	seq.s32 s5, $0x0;
	s5 =	sld [smem:$0x3FAF]  }
0x2b: {  	s6 =	sld [smem:$0x3FB0]  }
0x2c: {  	s7 =	sld [smem:$0x3FB1]  }
0x2d: {  	s3 =	simm.s32 $0x108;
	s8 =	sld [smem:$0x3FB2]  }
0x2e: {  	s3 =	simm.s32 @!p0 $0x1082;
	s9 =	sld [smem:$0x3FB3]  }
0x2f: {  	lr =	sadd.s32 s0, s3;
	s0 =	sld [smem:$0x3FAA]  }
0x30: {  	s3 =	sld [smem:$0x3FAD]  }
0x31: {  	[smem:$0x3FB6] =	sst s10  }
0x32: {  	s10 =	sld [smem:$0x3FB4];
	_ =	sdelay $0x3  }
0x33: {  	p0 =	seq.s32 s10, $0x1;
	s10 =	sld [smem:$0x3FB6];
	_ =	sdelay $0x3  }
0x34: {  	[smem:$0x3FB6] =	sst s10  }
0x35: {  	s10 =	sld [smem:$0x3FB5];
	_ =	sdelay $0x3  }
0x36: {  	p1 =	seq.s32 s10, $0x1;
	s10 =	sld [smem:$0x3FB6];
	_ =	sdelay $0x3  }
0x37: {  	[smem:$0x3FB6] =	sst s10  }
0x38: {  	s10 =	sld [smem:$0x3FB7]  }
0x39: {  	_ = 	snop;
	(pc) =	sbr.ind lr, $3  }
0x3a: {  	_ = 	snop  }
0x3b: {  	_ = 	snop  }
0x3c: {  	p2 =	seq.s32 s10, $0x1;
	s10 =	sld [smem:$0x3FB6]  }
0x3d: {  	_ =	shalt  }
0x3e: {  	_ =	shalt  }
0x3f: {  	_ =	shalt  }
0x40: {  	_ =	shalt  }
0x41: {  	_ =	shalt  }
0x42: {  	_ =	shalt  }
0x43: {  	_ =	shalt  }
0x44: {  	_ =	shalt  }
0x45: {  	_ =	shalt  }
0x46: {  	_ =	shalt  }
0x47: {  	_ =	shalt  }
0x48: {  	_ =	shalt  }
0x49: {  	_ =	shalt  }
0x4a: {  	_ =	shalt  }
0x4b: {  	_ =	shalt  }
0x4c: {  	_ =	shalt  }
0x4d: {  	_ =	shalt  }
0x4e: {  	_ =	shalt  }
0x4f: {  	_ =	shalt  }
0x50: {  	_ =	shalt  }
0x51: {  	_ =	shalt  }
0x52: {  	_ =	shalt  }
0x53: {  	_ =	shalt  }
0x54: {  	_ =	shalt  }
0x55: {  	_ =	shalt  }
0x56: {  	_ =	shalt  }
0x57: {  	_ =	shalt  }
0x58: {  	_ =	shalt  }
0x59: {  	_ =	shalt  }
0x5a: {  	_ =	shalt  }
0x5b: {  	_ =	shalt  }
0x5c: {  	_ =	shalt  }
0x5d: {  	_ =	shalt  }
0x5e: {  	_ =	shalt  }
0x5f: {  	_ =	shalt  }
0x60: {  	_ =	shalt  }
0x61: {  	_ =	shalt  }
0x62: {  	_ =	shalt  }
0x63: {  	_ =	shalt  }
0x64: {  	_ =	shalt  }
0x65: {  	_ =	shalt  }
0x66: {  	_ =	shalt  }
0x67: {  	_ =	shalt  }
0x68: {  	_ =	shalt  }
0x69: {  	_ =	shalt  }
0x6a: {  	_ =	shalt  }
0x6b: {  	_ =	shalt  }
0x6c: {  	_ =	shalt  }
0x6d: {  	_ =	shalt  }
0x6e: {  	_ =	shalt  }
0x6f: {  	_ =	shalt  }
0x70: {  	_ =	shalt  }
0x71: {  	_ =	shalt  }
0x72: {  	_ =	shalt  }
0x73: {  	_ =	shalt  }
0x74: {  	_ =	shalt  }
0x75: {  	_ =	shalt  }
0x76: {  	_ =	shalt  }
0x77: {  	_ =	shalt  }
0x78: {  	_ =	shalt  }
0x79: {  	_ =	shalt  }
0x7a: {  	_ =	shalt  }
0x7b: {  	_ =	shalt  }
0x7c: {  	_ =	shalt  }
0x7d: {  	_ =	shalt  }
0x7e: {  	_ =	shalt  }
0x7f: {  	_ =	shalt  }
0x80: {  	_ =	shalt  }
0x81: {  	_ =	shalt  }
0x82: {  	_ =	shalt  }
0x83: {  	_ =	shalt  }
0x84: {  	_ =	shalt  }
0x85: {  	_ =	shalt  }
0x86: {  	_ =	shalt  }
0x87: {  	_ =	shalt  }
.Lfunc_end0:
.L_simem_size_0:
called_computation.1_lowered:
.L_overlay_start_0:
0x88: {  	s2 =	sld [smem:$0x3FD9]  }
0x89: {  	s3 =	sld [smem:$0x3FFE];
	_ =	sdelay $0x1  }
0x8a: {  	s1 =	srdreg.scid  }
0x8b: {  	s0 =	sand.u32 $0x1, s1  }
0x8c: {  	s16 =	sshll.u32 s0, $0xA;
	s2 =	sadd.s32 s3, s2  }
0x8d: {  	s2 =	sadd.s32 s2, s16  }
0x8e: {  	[smem:$0x3FC2] =	sst s2  }
0x8f: {  	_ = 	snop  }
0x90: {  	(tm) =	ssettm $0x1  }
0x91: {  	s17 =	sld [smem:$0x3FFB];
	_ =	sdelay $0x3  }
0x92: {  	_ =	strace s17  }
0x93: {  	s2 =	sld [smem:$0x3FFC];
	_ =	sdelay $0x3  }
0x94: {  	_ =	strace s2  }
0x95: {  	s2 =	sld [smem:$0x3FFD];
	_ =	sdelay $0x3  }
0x96: {  	_ =	strace s2  }
0x97: {  	_ =	strace $0x8FFFFFFF  }
0x98: {  	s18 =	sld [smem:$0x3FDB];
	_ =	sdelay $0x1  }
0x99: {  	s19 =	simm.s32 $_scs_section_size  }
0x9a: {  	s4 =	simm.s32 $_size__tile_overlayer_lowered;
	s5 =	simm.s32 $_tile_overlayer_lowered  }
0x9b: {  	s22 =	simm.s32 $0x1BFF;
	s21 =	sshll.u32 s5, $0x1;
	s2 =	sadd.s32 s19, s18  }
0x9c: {  	s6 =	simm.s32 $0x0;
	s20 =	sshll.u32 s4, $0x1;
	s4 =	sadd.s32 s21, s2  }
0x9d: {  	[timem:s6], [sflag:s22] =	dma.local [hbm:s4], s20  }
0x9e: {  	_ =	swait.ge [sflag:s22], s20  }
0x9f: {  	s3 =	ssub.s32 $0x0, s20;
	[sflag:s22] =	ssyncset.done $0x0  }
0xa0: {  	[sflag:s22] =	ssyncadd.s32 s3;
	_ =	sdelay $0x1  }
0xa1: {  	s23 =	simm.s32 $0x1B8B  }
0xa2: {  	_ =	swait.ge [sflag:s23], $0x1  }
0xa3: {  	[sflag:s23] =	ssyncset.done $0x0  }
0xa4: {  	s25 =	simm.s32 $0x1B8E;
	s24 =	sld [smem:$0x3FFE];
	[sflag:s23] =	ssyncadd.s32 $0xFFFFFFFF  }
0xa5: {  	s26 =	simm.s32 $execute0_lowered;
	[smem:$0x3FD2] =	sst s25  }
0xa6: {  	s4 =	sshll.u32 s26, $0x1;
	_ =	strace $0x80000049;
	[dreg:$0x1] =	wrdreg $0xFFFFFFFF  }
0xa7: {  	s28 =	simm.s32 $_size_execute0_lowered;
	s2 =	sadd.s32 s2, s4;
	[dreg:$0x0] =	wrdreg $0x0  }
0xa8: {  	s4 =	sshll.u32 s28, $0x1;
	[dreg:$0x2] =	wrdreg s2  }
0xa9: {  	[dreg:$0x3] =	wrdreg s4  }
0xaa: {  	[dreg:$0x4] =	wrdreg $0xC0  }
0xab: {  	_ =	task [dreg:s6], $0x5FFFF  }
0xac: {  	[dreg:$0x1] =	wrdreg $0xFFFFFFFF  }
0xad: {  	[dreg:$0x0] =	wrdreg $0x60  }
0xae: {  	[dreg:$0x2] =	wrdreg s24  }
0xaf: {  	[dreg:$0x3] =	wrdreg $0x83000  }
0xb0: {  	[dreg:$0x4] =	wrdreg $0x9  }
0xb1: {  	_ =	task.clear_ibuf [dreg:s6], $0x5FFFF;
	_ =	strace $0x90000049  }
0xb2: {  	s29 =	simm.s32 $0x9;
	_ =	strace $0x8000004B  }
0xb3: {  	_ =	swait.ge [sflag:s29], $0x1  }
0xb4: {  	[sflag:s29] =	ssyncadd.s32 $0xFFFFFFFF  }
0xb5: {  	_ =	strace $0x9000004B  }
0xb6: {  	_ =	sfence  }
0xb7: {  	s30 =	sld [smem:$0x0];
	_ =	sdelay $0x2  }
0xb8: {  	s31 =	sshll.u32 s1, $0xD;
	s1 =	sshrl.u32 s1, $0x2  }
0xb9: {  	s3 =	sand.u32 $0x4000, s31;
	s1 =	sadd.s32 s1, s30  }
0xba: {  	s0 =	sor.u32 s3, s0;
	s1 =	sshll.u32 s1, $0x11  }
0xbb: {  	s0 =	sor.u32 s1, s0  }
0xbc: {  	s0 =	sadd.s32 $0x8F2B, s0  }
0xbd: {  	[sflag:s0] =	ssyncadd.remote.s32 $0x1  }
0xbe: {  	_ =	sfence.sel $0xFFFF  }
0xbf: {  	[dreg:$0x0] =	wrdreg $0xFFFFFFFF;
	(pc) =	sbr.abs _section_cstart, $3  }
0xc0: {  	[dreg:$0x1] =	wrdreg $0xFFFFFFFF  }
0xc1: {  	_ =	task.clear_ibuf [dreg:s6], $0x2FFFF;
	_ =	strace $0x9FFFFFFF  }
0xc2: {  	(tm) =	ssettm $0x7FFFFFFF  }
0xc3: {  	_ =	shalt  }
tec
execute0_lowered:
.L_overlay_start_1:
0x0: {  	(tag) =	ssettag $0x1  }
0x1: {  	s0 =	rddreg [dreg:$0x0];
	s1 =	srdreg.scid  }
0x2: {  	s2 =	rddreg [dreg:$0x1];
	s9 =	stileid.u32  }
0x3: {  	s3 =	simm.s32 $0x0;
	s28 =	simm.s32 $0x180;
	s29 =	simm.s32 $0x1  }
0x4: {  	s30 =	simm.s32 $0x3;
	s31 =	simm.s32 $0x4300;
	s5 =	smul.u32 $0x14000, s9  }
0x5: {  	s1 =	sand.u32 $0x1, s1;
	[smem:$0x7FF] =	sst s3;
	s8 =	smul.u32 $0x50000, s9  }
0x6: {  	s24 =	sshll.u32 s9, $0x7;
	s4 =	smul.u32 $0x140000, s1;
	s7 =	ssub.s32 $0x2, s1  }
0x7: {  	_ =	strace $0x8000004A;
	s1 =	sshll.u32 s1, $0x4;
	s22 =	sshrl.u32 s7, $0x1  }
0x8: {  	s1 =	sor.u32 s9, s1;
	s23 =	sshrl.u32 s8, $0x2;
	s6 =	sadd.s32 s5, s4  }
0x9: {  	s8 =	sand.u32 $0x380, s24;
	s4 =	sadd.s32 $0x16400, s0;
	s6 =	sshrl.u32 s6, $0x3  }
0xa: {  	s5 =	sadd.s32 $0x2800, s0;
	s0 =	sadd.s32 s6, s0;
	s6 =	sadd.s32 s23, s2  }
0xb: {  	s9 =	simm.s32 $0x200;
	s1 =	sshrl.u32 s1, $0x3;
	s25 =	sadd.s32 $0x4000, s6  }
0xc: {  	s1 =	smul.u32 $0x13C00, s1;
	s26 =	sadd.s32 $0x8000, s6;
	[dreg:$0x3] =	wrdreg s25  }
0xd: {  	s7 =	ssub.s32 s7, s22;
	s10 =	sadd.s32 $0xC000, s6;
	[dreg:$0x4] =	wrdreg s26  }
0xe: {  	s11 =	sadd.s32 $0x10000, s6;
	s1 =	sor.u32 s8, s1;
	[dreg:$0x5] =	wrdreg s10  }
0xf: {  	s0 =	sadd.s32 $0x3D600, s0;
	[dreg:$0x6] =	wrdreg s11;
	s8 =	sshrl.u32 s1, $0x3  }
0x10: {  	s12 =	sadd.s32 $0x4F000, s1;
	s10 =	sadd.s32 $0x400, s1;
	s16 =	sadd.s32 $0x4F400, s1  }
0x11: {  	s17 =	sadd.s32 $0x13800, s1;
	s18 =	sadd.s32 $0x62800, s1;
	s22 =	sadd.s32 $0x4F800, s1  }
0x12: {  	[dreg:$0xd] =	wrdreg s0;
	s24 =	sadd.s32 $0x4FC00, s1;
	s25 =	sadd.s32 $0xC00, s1  }
0x13: {  	s11 =	simm.s32 $0x10;
	s8 =	sadd.s32 s5, s8;
	s13 =	sshrl.u32 s12, $0x3  }
0x14: {  	s14 =	sshrl.u32 s10, $0x3;
	s19 =	sshrl.u32 s17, $0x3;
	s20 =	sshrl.u32 s18, $0x3  }
0x15: {  	s18 =	smax.u32 s7, $0x1;
	s23 =	sshrl.u32 s22, $0x3;
	s0 =	sshrl.u32 s24, $0x3  }
0x16: {  	s26 =	sshrl.u32 s25, $0x3;
	s24 =	simm.s32 $0x7;
	s25 =	simm.s32 $0x100  }
0x17: {  	s7 =	simm.s32 $0x6;
	s10 =	simm.s32 $0x280;
	s12 =	simm.s32 $0x0  }
0x18: {  	[dreg:$0x7] =	wrdreg s8;
	s8 =	sadd.s32 s5, s13;
	s15 =	sadd.s32 s5, s14  }
0x19: {  	s21 =	sadd.s32 s5, s20;
	s20 =	sadd.s32 $0x800, s1;
	[dreg:$0x8] =	wrdreg s8  }
0x1a: {  	s22 =	sadd.s32 s26, s5;
	s26 =	simm.s32 $0x80;
	[dreg:$0x9] =	wrdreg s15  }
0x1b: {  	s1 =	simm.s32 $0x2;
	s8 =	sshrl.u32 s16, $0x3;
	[dreg:$0xc] =	wrdreg s21  }
0x1c: {  	s21 =	sadd.s32 s0, s5;
	s0 =	simm.s32 $0x5;
	s8 =	sadd.s32 s5, s8  }
0x1d: {  	[dreg:$0xa] =	wrdreg s8;
	s8 =	sadd.s32 s5, s19;
	s19 =	sadd.s32 s23, s5  }
0x1e: {  	v0 =	vimm.f32 $0.0e+00;
	s23 =	simm.s32 $0x300;
	[dreg:$0xb] =	wrdreg s8;
	s8 =	simm.s32 $0x4  }
.LBB2_1:
0x1f: {  	s13 =	simm.s32 $0x0;
	s14 =	simm.s32 $0x200  }
.LBB2_2:
0x20: {  	p0 =	sne.s32 s14, $0xFE00;
	[tilespmem:s13+$0x370] =	vst v0  }
0x21: {  	[tilespmem:s13+$0x300] =	vst v0  }
0x22: {  	[tilespmem:s13+$0x310] =	vst v0  }
.Ltmp0:
0x23: {  	[tilespmem:s13+$0x320] =	vst v0;
	(pc) =	sbr.rel @p0 .LBB2_2-.Ltmp0, $4  }
0x24: {  	[tilespmem:s13+$0x330] =	vst v0  }
0x25: {  	[tilespmem:s13+$0x340] =	vst v0  }
0x26: {  	[tilespmem:s13+$0x350] =	vst v0  }
0x27: {  	[tilespmem:s13+$0x360] =	vst v0;
	s13 =	sshra.s32 s14, $0x2;
	s14 =	sadd.s32 $0x200, s14  }
0x28: {  	[tilespmem:s13+$0x370] =	vst v0  }
0x29: {  	[tilespmem:s13+$0x300] =	vst v0  }
0x2a: {  	[tilespmem:s13+$0x310] =	vst v0  }
0x2b: {  	[tilespmem:s13+$0x320] =	vst v0  }
0x2c: {  	[tilespmem:s13+$0x330] =	vst v0  }
0x2d: {  	[tilespmem:s13+$0x340] =	vst v0  }
0x2e: {  	[tilespmem:s13+$0x350] =	vst v0  }
0x2f: {  	[tilespmem:s13+$0x360] =	vst v0  }
0x30: {  	[spmem:s6] =	stream.linear.scatter [tilespmem:s23], [sflag:$0x7], $0x4000, $0x38;
	[tilespmem:$0x1C300] =	vst v63  }
0x31: {  	_ =	swait.ge [sflag:s24], $0x4000  }
0x32: {  	[sflag:s24] =	ssyncset.done $0x0  }
0x33: {  	s15 =	rddreg [dreg:$0x3];
	[sflag:s24] =	ssyncadd.s32 $0xFFFFC000  }
0x34: {  	[spmem:s15] =	stream.linear.scatter [tilespmem:s23], [sflag:$0x7], $0x4000, $0x38;
	[tilespmem:$0x1C300] =	vst v63  }
0x35: {  	_ =	swait.ge [sflag:s24], $0x4000  }
0x36: {  	[sflag:s24] =	ssyncset.done $0x0  }
0x37: {  	s16 =	rddreg [dreg:$0x4];
	[sflag:s24] =	ssyncadd.s32 $0xFFFFC000  }
0x38: {  	[spmem:s16] =	stream.linear.scatter [tilespmem:s23], [sflag:$0x7], $0x4000, $0x38;
	[tilespmem:$0x1C300] =	vst v63  }
0x39: {  	_ =	swait.ge [sflag:s24], $0x4000  }
0x3a: {  	[sflag:s24] =	ssyncset.done $0x0  }
0x3b: {  	s17 =	rddreg [dreg:$0x5];
	[sflag:s24] =	ssyncadd.s32 $0xFFFFC000  }
0x3c: {  	[spmem:s17] =	stream.linear.scatter [tilespmem:s23], [sflag:$0x7], $0x4000, $0x38;
	[tilespmem:$0x1C300] =	vst v63  }
0x3d: {  	_ =	swait.ge [sflag:s24], $0x4000  }
0x3e: {  	[sflag:s24] =	ssyncset.done $0x0  }
0x3f: {  	s14 =	rddreg [dreg:$0x6];
	[sflag:s24] =	ssyncadd.s32 $0xFFFFC000  }
0x40: {  	[spmem:s14] =	stream.linear.scatter [tilespmem:s23], [sflag:$0x7], $0x4000, $0x38;
	[tilespmem:$0x1C300] =	vst v63  }
0x41: {  	_ =	swait.ge [sflag:s24], $0x4000  }
0x42: {  	[sflag:s24] =	ssyncset.done $0x0  }
0x43: {  	[sflag:s24] =	ssyncadd.s32 $0xFFFFC000  }
0x44: {  	[bflag:$0x0] =	sbarrier.arrive $0xFFFF  }
0x45: {  	s13 =	simm.s32 $0x0;
	s14 =	rddreg [dreg:$0x7]  }
0x46: {  	[tilespmem:s13], [sflag:$0x1] =	stream.linear.gather [hbm4b:s14+s13], $0x80, $0x38;
	[tilespmem:$0x1C300] =	vst v63  }
0x47: {  	s15 =	rddreg [dreg:$0x8]  }
0x48: {  	[tilespmem:s25], [sflag:$0x2] =	stream.linear.gather [hbm4b:s15+s13], $0x80, $0x38;
	[tilespmem:$0x1C300] =	vst v63  }
0x49: {  	s16 =	rddreg [dreg:$0x9]  }
0x4a: {  	[tilespmem:s26], [sflag:$0x3] =	stream.linear.gather [hbm4b:s16+s13], $0x80, $0x38;
	[tilespmem:$0x1C300] =	vst v63  }
0x4b: {  	s17 =	rddreg [dreg:$0xa]  }
0x4c: {  	[tilespmem:s28], [sflag:$0x4] =	stream.linear.gather [hbm4b:s17+s13], $0x80, $0x38;
	[tilespmem:$0x1C300] =	vst v63  }
0x4d: {  	_ =	swait.ge [sflag:s29], $0x80  }
0x4e: {  	[sflag:s29] =	ssyncset.done $0x0  }
0x4f: {  	[sflag:s29] =	ssyncadd.s32 $0xFFFFFF80  }
0x50: {  	[tilespmem:s23], [sflag:$0x5] =	stream.indirect.gather [hbm4b:s4+s26], $0x80, s13, s26, $0xb8;
	[tilespmem:$0x1C300] =	vst v63  }
0x51: {  	_ =	swait.ge [sflag:s30], $0x80  }
0x52: {  	[sflag:s30] =	ssyncset.done $0x0  }
0x53: {  	[sflag:s30] =	ssyncadd.s32 $0xFFFFFF80  }
0x54: {  	[tilespmem:s31], [sflag:$0x6] =	stream.indirect.gather [hbm4b:s4+s26], $0x80, s26, s26, $0xb8;
	[tilespmem:$0x1C300] =	vst v63  }
0x55: {  	_ =	swait.ge [sflag:s0], $0x4000  }
0x56: {  	[sflag:s0] =	ssyncset.done $0x0  }
0x57: {  	[sflag:s0] =	ssyncadd.s32 $0xFFFFC000  }
0x58: {  	_ =	swait.ge [sflag:s1], $0x80  }
0x59: {  	[sflag:s1] =	ssyncset.done $0x0  }
0x5a: {  	[sflag:s1] =	ssyncadd.s32 $0xFFFFFF80  }
0x5b: {  	[spmem:s2] =	stream.indirect.scatter.add.f32 [tilespmem:s23], [sflag:$0x7], $0x80, s25, s26, $0xb8;
	[tilespmem:$0x1C300] =	vst v63  }
0x5c: {  	_ =	swait.ge [sflag:s24], $0x4000  }
0x5d: {  	s14 =	sshrl.u32 s20, $0x3;
	[sflag:s24] =	ssyncset.done $0x0  }
0x5e: {  	s13 =	sadd.s32 s5, s14;
	[sflag:s24] =	ssyncadd.s32 $0xFFFFC000  }
0x5f: {  	[tilespmem:s3], [sflag:$0x1] =	stream.linear.gather [hbm4b:s13+s3], $0x80, $0x38;
	[tilespmem:$0x1C300] =	vst v63  }
0x60: {  	s15 =	sadd.s32 $0x0, s19  }
0x61: {  	[tilespmem:s25], [sflag:$0x2] =	stream.linear.gather [hbm4b:s15+s3], $0x80, $0x38;
	[tilespmem:$0x1C300] =	vst v63  }
0x62: {  	_ =	swait.ge [sflag:s29], $0x80  }
0x63: {  	[sflag:s29] =	ssyncset.done $0x0  }
0x64: {  	[sflag:s29] =	ssyncadd.s32 $0xFFFFFF80  }
0x65: {  	[tilespmem:s23], [sflag:$0x5] =	stream.indirect.gather [hbm4b:s4+s26], $0x80, s3, s26, $0xb8;
	[tilespmem:$0x1C300] =	vst v63  }
0x66: {  	_ =	swait.ge [sflag:s7], $0x4000  }
0x67: {  	[sflag:s7] =	ssyncset.done $0x0  }
0x68: {  	[sflag:s7] =	ssyncadd.s32 $0xFFFFC000  }
0x69: {  	_ =	swait.ge [sflag:s8], $0x80  }
0x6a: {  	[sflag:s8] =	ssyncset.done $0x0  }
0x6b: {  	[sflag:s8] =	ssyncadd.s32 $0xFFFFFF80  }
0x6c: {  	[spmem:s2] =	stream.indirect.scatter.add.f32 [tilespmem:s31], [sflag:$0x7], $0x80, s28, s26, $0xb8;
	[tilespmem:$0x1C300] =	vst v63  }
0x6d: {  	_ =	swait.ge [sflag:s24], $0x4000  }
0x6e: {  	[sflag:s24] =	ssyncset.done $0x0  }
0x6f: {  	s16 =	sadd.s32 $0x0, s22;
	[sflag:s24] =	ssyncadd.s32 $0xFFFFC000  }
0x70: {  	[tilespmem:s26], [sflag:$0x3] =	stream.linear.gather [hbm4b:s16+s3], $0x80, $0x38;
	[tilespmem:$0x1C300] =	vst v63  }
0x71: {  	s17 =	sadd.s32 $0x0, s21  }
0x72: {  	[tilespmem:s28], [sflag:$0x4] =	stream.linear.gather [hbm4b:s17+s3], $0x80, $0x38;
	[tilespmem:$0x1C300] =	vst v63  }
0x73: {  	_ =	swait.ge [sflag:s30], $0x80  }
0x74: {  	[sflag:s30] =	ssyncset.done $0x0  }
0x75: {  	[sflag:s30] =	ssyncadd.s32 $0xFFFFFF80  }
0x76: {  	[tilespmem:s31], [sflag:$0x6] =	stream.indirect.gather [hbm4b:s4+s26], $0x80, s26, s26, $0xb8;
	[tilespmem:$0x1C300] =	vst v63  }
0x77: {  	_ =	swait.ge [sflag:s0], $0x4000  }
0x78: {  	[sflag:s0] =	ssyncset.done $0x0  }
0x79: {  	[sflag:s0] =	ssyncadd.s32 $0xFFFFC000  }
0x7a: {  	_ =	swait.ge [sflag:s1], $0x80  }
0x7b: {  	[sflag:s1] =	ssyncset.done $0x0  }
0x7c: {  	[sflag:s1] =	ssyncadd.s32 $0xFFFFFF80  }
0x7d: {  	[spmem:s2] =	stream.indirect.scatter.add.f32 [tilespmem:s23], [sflag:$0x7], $0x80, s25, s26, $0xb8;
	[tilespmem:$0x1C300] =	vst v63  }
0x7e: {  	s14 =	sadd.s32 $0x800, s20;
	s13 =	simm.s32 $0x100;
	_ =	swait.ge [sflag:s24], $0x4000  }
0x7f: {  	s15 =	simm.s32 $0x200;
	s16 =	sshrl.u32 s14, $0x3;
	[sflag:s24] =	ssyncset.done $0x0  }
.LBB2_4:
0x80: {  	p0 =	sne.s32 s15, $0x2500;
	s16 =	sadd.s32 s5, s16;
	[sflag:s24] =	ssyncadd.s32 $0xFFFFC000  }
0x81: {  	[tilespmem:s3], [sflag:$0x1] =	stream.linear.gather [hbm4b:s16+s3], $0x80, $0x38;
	[tilespmem:$0x1C300] =	vst v63  }
0x82: {  	s17 =	smov.u32 s15;
	s15 =	sadd.s32 $0x100, s15;
	s16 =	sadd.s32 s13, s19  }
0x83: {  	[tilespmem:s25], [sflag:$0x2] =	stream.linear.gather [hbm4b:s16+s3], $0x80, $0x38;
	[tilespmem:$0x1C300] =	vst v63  }
0x84: {  	_ =	swait.ge [sflag:s29], $0x80  }
0x85: {  	[sflag:s29] =	ssyncset.done $0x0  }
0x86: {  	[sflag:s29] =	ssyncadd.s32 $0xFFFFFF80  }
0x87: {  	[tilespmem:s23], [sflag:$0x5] =	stream.indirect.gather [hbm4b:s4+s26], $0x80, s3, s26, $0xb8;
	[tilespmem:$0x1C300] =	vst v63  }
0x88: {  	_ =	swait.ge [sflag:s7], $0x4000  }
0x89: {  	[sflag:s7] =	ssyncset.done $0x0  }
0x8a: {  	[sflag:s7] =	ssyncadd.s32 $0xFFFFC000  }
0x8b: {  	_ =	swait.ge [sflag:s8], $0x80  }
0x8c: {  	[sflag:s8] =	ssyncset.done $0x0  }
0x8d: {  	[sflag:s8] =	ssyncadd.s32 $0xFFFFFF80  }
0x8e: {  	[spmem:s2] =	stream.indirect.scatter.add.f32 [tilespmem:s31], [sflag:$0x7], $0x80, s28, s26, $0xb8;
	[tilespmem:$0x1C300] =	vst v63  }
0x8f: {  	_ =	swait.ge [sflag:s24], $0x4000  }
0x90: {  	[sflag:s24] =	ssyncset.done $0x0  }
0x91: {  	s16 =	sadd.s32 s13, s22;
	[sflag:s24] =	ssyncadd.s32 $0xFFFFC000  }
0x92: {  	[tilespmem:s26], [sflag:$0x3] =	stream.linear.gather [hbm4b:s16+s3], $0x80, $0x38;
	[tilespmem:$0x1C300] =	vst v63  }
0x93: {  	s16 =	sadd.s32 s13, s21;
	s13 =	smov.u32 s17  }
0x94: {  	[tilespmem:s28], [sflag:$0x4] =	stream.linear.gather [hbm4b:s16+s3], $0x80, $0x38;
	[tilespmem:$0x1C300] =	vst v63  }
0x95: {  	_ =	swait.ge [sflag:s30], $0x80  }
0x96: {  	[sflag:s30] =	ssyncset.done $0x0  }
0x97: {  	[sflag:s30] =	ssyncadd.s32 $0xFFFFFF80  }
0x98: {  	[tilespmem:s31], [sflag:$0x6] =	stream.indirect.gather [hbm4b:s4+s26], $0x80, s26, s26, $0xb8;
	[tilespmem:$0x1C300] =	vst v63  }
0x99: {  	_ =	swait.ge [sflag:s0], $0x4000  }
0x9a: {  	[sflag:s0] =	ssyncset.done $0x0  }
0x9b: {  	[sflag:s0] =	ssyncadd.s32 $0xFFFFC000  }
0x9c: {  	_ =	swait.ge [sflag:s1], $0x80  }
.Ltmp1:
0x9d: {  	[sflag:s1] =	ssyncset.done $0x0;
	(pc) =	sbr.rel @p0 .LBB2_4-.Ltmp1, $4  }
0x9e: {  	[sflag:s1] =	ssyncadd.s32 $0xFFFFFF80  }
0x9f: {  	[spmem:s2] =	stream.indirect.scatter.add.f32 [tilespmem:s23], [sflag:$0x7], $0x80, s25, s26, $0xb8;
	[tilespmem:$0x1C300] =	vst v63  }
0xa0: {  	s14 =	sadd.s32 $0x800, s14;
	_ =	swait.ge [sflag:s24], $0x4000  }
0xa1: {  	s16 =	sshrl.u32 s14, $0x3;
	[sflag:s24] =	ssyncset.done $0x0  }
0xa2: {  	s14 =	sadd.s32 s5, s16;
	[sflag:s24] =	ssyncadd.s32 $0xFFFFC000  }
0xa3: {  	[tilespmem:s3], [sflag:$0x1] =	stream.linear.gather [hbm4b:s14+s3], $0x80, $0x38;
	[tilespmem:$0x1C300] =	vst v63  }
0xa4: {  	s15 =	sadd.s32 s13, s19  }
0xa5: {  	[tilespmem:s25], [sflag:$0x2] =	stream.linear.gather [hbm4b:s15+s3], $0x80, $0x38;
	[tilespmem:$0x1C300] =	vst v63  }
0xa6: {  	_ =	swait.ge [sflag:s29], $0x80  }
0xa7: {  	[sflag:s29] =	ssyncset.done $0x0  }
0xa8: {  	[sflag:s29] =	ssyncadd.s32 $0xFFFFFF80  }
0xa9: {  	[tilespmem:s23], [sflag:$0x5] =	stream.indirect.gather [hbm4b:s4+s26], $0x80, s3, s26, $0xb8;
	[tilespmem:$0x1C300] =	vst v63  }
0xaa: {  	_ =	swait.ge [sflag:s7], $0x4000  }
0xab: {  	[sflag:s7] =	ssyncset.done $0x0  }
0xac: {  	[sflag:s7] =	ssyncadd.s32 $0xFFFFC000  }
0xad: {  	_ =	swait.ge [sflag:s8], $0x80  }
0xae: {  	[sflag:s8] =	ssyncset.done $0x0  }
0xaf: {  	[sflag:s8] =	ssyncadd.s32 $0xFFFFFF80  }
0xb0: {  	[spmem:s2] =	stream.indirect.scatter.add.f32 [tilespmem:s31], [sflag:$0x7], $0x80, s28, s26, $0xb8;
	[tilespmem:$0x1C300] =	vst v63  }
0xb1: {  	_ =	swait.ge [sflag:s24], $0x4000  }
0xb2: {  	[sflag:s24] =	ssyncset.done $0x0  }
0xb3: {  	s16 =	sadd.s32 s13, s22;
	[sflag:s24] =	ssyncadd.s32 $0xFFFFC000  }
0xb4: {  	[tilespmem:s26], [sflag:$0x3] =	stream.linear.gather [hbm4b:s16+s3], $0x80, $0x38;
	[tilespmem:$0x1C300] =	vst v63  }
0xb5: {  	s17 =	sadd.s32 s13, s21  }
0xb6: {  	[tilespmem:s28], [sflag:$0x4] =	stream.linear.gather [hbm4b:s17+s3], $0x80, $0x38;
	[tilespmem:$0x1C300] =	vst v63  }
0xb7: {  	_ =	swait.ge [sflag:s30], $0x80  }
0xb8: {  	[sflag:s30] =	ssyncset.done $0x0  }
0xb9: {  	[sflag:s30] =	ssyncadd.s32 $0xFFFFFF80  }
0xba: {  	[tilespmem:s31], [sflag:$0x6] =	stream.indirect.gather [hbm4b:s4+s26], $0x80, s26, s26, $0xb8;
	[tilespmem:$0x1C300] =	vst v63  }
0xbb: {  	_ =	swait.ge [sflag:s0], $0x4000  }
0xbc: {  	[sflag:s0] =	ssyncset.done $0x0  }
0xbd: {  	[sflag:s0] =	ssyncadd.s32 $0xFFFFC000  }
0xbe: {  	_ =	swait.ge [sflag:s1], $0x80  }
0xbf: {  	[sflag:s1] =	ssyncset.done $0x0  }
0xc0: {  	[sflag:s1] =	ssyncadd.s32 $0xFFFFFF80  }
0xc1: {  	[spmem:s2] =	stream.indirect.scatter.add.f32 [tilespmem:s23], [sflag:$0x7], $0x80, s25, s26, $0xb8;
	[tilespmem:$0x1C300] =	vst v63  }
0xc2: {  	_ =	swait.ge [sflag:s24], $0x4000  }
0xc3: {  	[sflag:s24] =	ssyncset.done $0x0  }
0xc4: {  	[sflag:s24] =	ssyncadd.s32 $0xFFFFC000  }
0xc5: {  	_ =	swait.ge [sflag:s7], $0x4000  }
0xc6: {  	[sflag:s7] =	ssyncset.done $0x0  }
0xc7: {  	[sflag:s7] =	ssyncadd.s32 $0xFFFFC000  }
0xc8: {  	_ =	swait.ge [sflag:s8], $0x80  }
0xc9: {  	[sflag:s8] =	ssyncset.done $0x0  }
0xca: {  	[sflag:s8] =	ssyncadd.s32 $0xFFFFFF80  }
0xcb: {  	[spmem:s2] =	stream.indirect.scatter.add.f32 [tilespmem:s31], [sflag:$0x7], $0x80, s28, s26, $0xb8;
	[tilespmem:$0x1C300] =	vst v63  }
0xcc: {  	_ =	swait.ge [sflag:s24], $0x4000  }
0xcd: {  	[sflag:s24] =	ssyncset.done $0x0  }
0xce: {  	s14 =	rddreg [dreg:$0xb];
	[sflag:s24] =	ssyncadd.s32 $0xFFFFC000  }
0xcf: {  	[tilespmem:s9], [sflag:$0x7] =	stream.linear.gather [hbm4b:s14+s3], $0x80, $0x38;
	[tilespmem:$0x1C300] =	vst v63  }
0xd0: {  	_ =	swait.ge [sflag:s24], $0x80  }
0xd1: {  	[sflag:s24] =	ssyncset.done $0x0  }
0xd2: {  	s15 =	rddreg [dreg:$0xc];
	[sflag:s24] =	ssyncadd.s32 $0xFFFFFF80  }
0xd3: {  	[tilespmem:s10], [sflag:$0x7] =	stream.linear.gather [hbm4b:s15+s3], $0x80, $0x38;
	[tilespmem:$0x1C300] =	vst v63  }
0xd4: {  	_ =	swait.ge [sflag:s24], $0x80  }
0xd5: {  	[sflag:s24] =	ssyncset.done $0x0  }
0xd6: {  	[sflag:s24] =	ssyncadd.s32 $0xFFFFFF80  }
0xd7: {  	[tilespmem:s23], [sflag:$0x5] =	stream.indirect.gather [hbm4b:s4+s11], $0x80, s9, s11, $0xb8;
	[tilespmem:$0x1C300] =	vst v63  }
0xd8: {  	_ =	swait.ge [sflag:s0], $0x800  }
0xd9: {  	[sflag:s0] =	ssyncset.done $0x0  }
0xda: {  	[sflag:s0] =	ssyncadd.s32 $0xFFFFF800  }
0xdb: {  	[spmem:s2] =	stream.indirect.scatter.add.f32 [tilespmem:s23], [sflag:$0x7], $0x80, s10, s11, $0xb8;
	[tilespmem:$0x1C300] =	vst v63  }
0xdc: {  	_ =	swait.ge [sflag:s24], $0x800  }
0xdd: {  	s16 =	stileid.u32;
	[sflag:s24] =	ssyncset.done $0x0  }
0xde: {  	s12 =	sadd.s32 $0x1, s12;
	s13 =	sshll.u32 s16, $0x6;
	[sflag:s24] =	ssyncadd.s32 $0xFFFFF800  }
0xdf: {  	p0 =	sne.s32 s12, s18;
	s13 =	sor.u32 $0x1C07, s13;
	[bflag:$0x0] =	sbarrier.arrive $0xFFFF  }
.Ltmp2:
0xe0: {  	s17 =	sshrl.u32 s6, $0x3;
	s15 =	rddreg [dreg:$0xd];
	(pc) =	sbr.rel @p0 .LBB2_1-.Ltmp2, $4  }
0xe1: {  	[hbm:s15], [sflag:s13] =	dma.local [spmem:s17], $0x2800  }
0xe2: {  	_ =	swait.ge [sflag:s24], $0x2800  }
0xe3: {  	[sflag:s24] =	ssyncset.done $0x0  }
0xe4: {  	[sflag:s24] =	ssyncadd.s32 $0xFFFFD800  }
0xe5: {  	_ =	sfence.sel $0x180000  }
0xe6: {  	[bflag:$0x0] =	sbarrier.arrive $0xFFFF  }
0xe7: {  	_ =	strace $0x9000004A  }
0xe8: {  	s0 =	stileid.u32;
	[bflag:$0x2] =	sbarrier.arrive $0xFFFF  }
0xe9: {  	p0 =	sne.s32 s0, $0x0;
	s0 =	rddreg [dreg:$0x2]  }
0xea: {  	s0 =	sadd.s32 @!p0 $0x100000, s0  }
0xeb: {  	[sflag:s0] =	ssyncadd.tile.s32 @!p0 $0x1;
	_ =	shalt  }
.Lfunc_end2:
_tile_overlayer_lowered:
.L_overlay_start_2:
0xec: {  	(tag) =	ssettag $0x2  }
0xed: {  	s0 =	rddreg [dreg:$0x0];
	s2 =	stileid.u32  }
0xee: {  	s1 =	rddreg [dreg:$0x1];
	p0 =	sne.s32 s2, $0x0  }
0xef: {  	s3 =	rddreg [dreg:$0x2];
	[bflag:$0x3] =	sbarrier.arrive $0xFFFF;
	s2 =	simm.s32 @!p0 $0x1C07  }
0xf0: {  	[timem:s3], [sflag:s2] =	dma.local @!p0 [hbm:s0], s1  }
0xf1: {  	s0 =	simm.s32 @!p0 $0x7  }
0xf2: {  	_ =	swait.ge @!p0 [sflag:s0], s1  }
0xf3: {  	s1 =	ssub.s32 @!p0 $0x0, s1;
	[sflag:s0] =	ssyncset.done @!p0 $0x0  }
0xf4: {  	[sflag:s0] =	ssyncadd.s32 @!p0 s1  }
0xf5: {  	[bflag:$0x3] =	sbarrier.arrive $0xFFFF  }
0xf6: {  	_ =	shalt  }

// kernel: kernel.15.cloned.1.call-start
scs
__scs_entry_jumppad:
0x0: {  	(pc) =	sbr.rel $0x88, $3  }
0x1: {  	(tag) =	ssettag $0x0;
	lr =	simm.s32 $0x1  }
0x2: {  	[smem:$0x3F9B] =	sst lr;
	_ =	strace $0xD0000000  }
0x3: {  	_ = 	snop  }
0x4: {  	_ = 	snop  }
0x5: {  	_ = 	snop  }
0x6: {  	_ = 	snop  }
0x7: {  	_ = 	snop  }
__scs_overlays_trampoline_lowered:
0x8: {  	[smem:$0x3FAA] =	sst s0  }
0x9: {  	[smem:$0x3FAB] =	sst s1  }
0xa: {  	[smem:$0x3FAC] =	sst s2  }
0xb: {  	[smem:$0x3FAD] =	sst s3  }
0xc: {  	[smem:$0x3FAE] =	sst s4  }
0xd: {  	[smem:$0x3FAF] =	sst s5  }
0xe: {  	[smem:$0x3FB0] =	sst s6  }
0xf: {  	[smem:$0x3FB1] =	sst s7  }
0x10: {  	[smem:$0x3FB2] =	sst s8  }
0x11: {  	[smem:$0x3FB3] =	sst s9;
	s0 =	simm.s32 @!p0 $0x0  }
0x12: {  	s1 =	sld [smem:$0x3F99];
	s0 =	simm.s32 @p0 $0x1  }
0x13: {  	[smem:$0x3FB4] =	sst s0;
	s0 =	simm.s32 @!p1 $0x0  }
0x14: {  	s2 =	sld [smem:$0x3F98];
	s0 =	simm.s32 @p1 $0x1  }
0x15: {  	[smem:$0x3FB5] =	sst s0;
	s0 =	simm.s32 @!p2 $0x0  }
0x16: {  	s3 =	sld [smem:$0x3FDB];
	s0 =	simm.s32 @p2 $0x1  }
0x17: {  	s4 =	simm.s32 $0x1BF5;
	[smem:$0x3FB7] =	sst s0  }
0x18: {  	s0 =	sld [smem:$0x3F9A];
	_ =	swait.ge [sflag:s4], $0x0  }
0x19: {  	s7 =	sld [smem:$0x3F9B]  }
0x1a: {  	s8 =	sadd.s32 $0xFFFFE003, lr  }
0x1b: {  	s9 =	sadd.s32 $0xFFFFFEF7, lr;
	s5 =	simm.s32 $0xFFFFFFFF;
	p2 =	slt.u32 s8, $0xFFFFF086  }
0x1c: {  	p1 =	slt.u32 s9, $0xF7A;
	s5 =	simm.s32 @!p2 $0x0  }
0x1d: {  	s5 =	simm.s32 @p1 $0x1;
	p0 =	seq.s32 s7, s2  }
0x1e: {  	s7 =	smul.u32 @!p0 $0xF7A, s2;
	p2 =	seq.s32 @!p0 s5, $0x0  }
0x1f: {  	s9 =	smul.u32 $0xF7A, s1;
	s8 =	simm.s32 @!p0 $0x1BF5;
	p2 =	por !p2, p0  }
0x20: {  	[sflag:s8] =	ssyncset.s32 @!p0 $0xFFFFF086;
	s6 =	sadd.s32 @!p0 s3, s7;
	s7 =	simm.s32 @!p0 $0x108  }
0x21: {  	s3 =	sadd.s32 s3, s9;
	s6 =	sadd.s32 @!p0 $0x88, s6;
	s7 =	simm.s32 @p2 $0x1082  }
0x22: {  	[simem:s7], [sflag:s8] =	dma.local @!p0 [hbm:s6], $0xF7A  }
0x23: {  	s9 =	sor.u32 $0xD0000000, s2;
	s6 =	simm.s32 $0x108;
	_ =	swait.ge @!p0 [sflag:s8], $0x0  }
0x24: {  	s3 =	sadd.s32 $0x88, s3;
	s6 =	simm.s32 @!p1 $0x1082;
	[sflag:s4] =	ssyncset.s32 $0xFFFFF086  }
0x25: {  	[simem:s6], [sflag:s4] =	dma.local [hbm:s3], $0xF7A  }
0x26: {  	[smem:$0x3F9B] =	sst s1;
	(tag) =	ssettag s2;
	_ =	strace s9  }
0x27: {  	s1 =	sld [smem:$0x3FAB]  }
0x28: {  	s2 =	sld [smem:$0x3FAC]  }
0x29: {  	s4 =	sld [smem:$0x3FAE]  }
0x2a: {  	p0 =	seq.s32 s5, $0x0;
	s5 =	sld [smem:$0x3FAF]  }
0x2b: {  	s6 =	sld [smem:$0x3FB0]  }
0x2c: {  	s7 =	sld [smem:$0x3FB1]  }
0x2d: {  	s3 =	simm.s32 $0x108;
	s8 =	sld [smem:$0x3FB2]  }
0x2e: {  	s3 =	simm.s32 @!p0 $0x1082;
	s9 =	sld [smem:$0x3FB3]  }
0x2f: {  	lr =	sadd.s32 s0, s3;
	s0 =	sld [smem:$0x3FAA]  }
0x30: {  	s3 =	sld [smem:$0x3FAD]  }
0x31: {  	[smem:$0x3FB6] =	sst s10  }
0x32: {  	s10 =	sld [smem:$0x3FB4];
	_ =	sdelay $0x3  }
0x33: {  	p0 =	seq.s32 s10, $0x1;
	s10 =	sld [smem:$0x3FB6];
	_ =	sdelay $0x3  }
0x34: {  	[smem:$0x3FB6] =	sst s10  }
0x35: {  	s10 =	sld [smem:$0x3FB5];
	_ =	sdelay $0x3  }
0x36: {  	p1 =	seq.s32 s10, $0x1;
	s10 =	sld [smem:$0x3FB6];
	_ =	sdelay $0x3  }
0x37: {  	[smem:$0x3FB6] =	sst s10  }
0x38: {  	s10 =	sld [smem:$0x3FB7]  }
0x39: {  	_ = 	snop;
	(pc) =	sbr.ind lr, $3  }
0x3a: {  	_ = 	snop  }
0x3b: {  	_ = 	snop  }
0x3c: {  	p2 =	seq.s32 s10, $0x1;
	s10 =	sld [smem:$0x3FB6]  }
0x3d: {  	_ =	shalt  }
0x3e: {  	_ =	shalt  }
0x3f: {  	_ =	shalt  }
0x40: {  	_ =	shalt  }
0x41: {  	_ =	shalt  }
0x42: {  	_ =	shalt  }
0x43: {  	_ =	shalt  }
0x44: {  	_ =	shalt  }
0x45: {  	_ =	shalt  }
0x46: {  	_ =	shalt  }
0x47: {  	_ =	shalt  }
0x48: {  	_ =	shalt  }
0x49: {  	_ =	shalt  }
0x4a: {  	_ =	shalt  }
0x4b: {  	_ =	shalt  }
0x4c: {  	_ =	shalt  }
0x4d: {  	_ =	shalt  }
0x4e: {  	_ =	shalt  }
0x4f: {  	_ =	shalt  }
0x50: {  	_ =	shalt  }
0x51: {  	_ =	shalt  }
0x52: {  	_ =	shalt  }
0x53: {  	_ =	shalt  }
0x54: {  	_ =	shalt  }
0x55: {  	_ =	shalt  }
0x56: {  	_ =	shalt  }
0x57: {  	_ =	shalt  }
0x58: {  	_ =	shalt  }
0x59: {  	_ =	shalt  }
0x5a: {  	_ =	shalt  }
0x5b: {  	_ =	shalt  }
0x5c: {  	_ =	shalt  }
0x5d: {  	_ =	shalt  }
0x5e: {  	_ =	shalt  }
0x5f: {  	_ =	shalt  }
0x60: {  	_ =	shalt  }
0x61: {  	_ =	shalt  }
0x62: {  	_ =	shalt  }
0x63: {  	_ =	shalt  }
0x64: {  	_ =	shalt  }
0x65: {  	_ =	shalt  }
0x66: {  	_ =	shalt  }
0x67: {  	_ =	shalt  }
0x68: {  	_ =	shalt  }
0x69: {  	_ =	shalt  }
0x6a: {  	_ =	shalt  }
0x6b: {  	_ =	shalt  }
0x6c: {  	_ =	shalt  }
0x6d: {  	_ =	shalt  }
0x6e: {  	_ =	shalt  }
0x6f: {  	_ =	shalt  }
0x70: {  	_ =	shalt  }
0x71: {  	_ =	shalt  }
0x72: {  	_ =	shalt  }
0x73: {  	_ =	shalt  }
0x74: {  	_ =	shalt  }
0x75: {  	_ =	shalt  }
0x76: {  	_ =	shalt  }
0x77: {  	_ =	shalt  }
0x78: {  	_ =	shalt  }
0x79: {  	_ =	shalt  }
0x7a: {  	_ =	shalt  }
0x7b: {  	_ =	shalt  }
0x7c: {  	_ =	shalt  }
0x7d: {  	_ =	shalt  }
0x7e: {  	_ =	shalt  }
0x7f: {  	_ =	shalt  }
0x80: {  	_ =	shalt  }
0x81: {  	_ =	shalt  }
0x82: {  	_ =	shalt  }
0x83: {  	_ =	shalt  }
0x84: {  	_ =	shalt  }
0x85: {  	_ =	shalt  }
0x86: {  	_ =	shalt  }
0x87: {  	_ =	shalt  }
.Lfunc_end0:
.L_simem_size_0:
called_computation.2_lowered:
.L_overlay_start_0:
0x88: {  	s2 =	sld [smem:$0x3FD9]  }
0x89: {  	s3 =	sld [smem:$0x3FFE];
	_ =	sdelay $0x1  }
0x8a: {  	s1 =	srdreg.scid  }
0x8b: {  	s0 =	sand.u32 $0x1, s1  }
0x8c: {  	s16 =	sshll.u32 s0, $0xA;
	s2 =	sadd.s32 s3, s2  }
0x8d: {  	s2 =	sadd.s32 s2, s16  }
0x8e: {  	[smem:$0x3FC2] =	sst s2  }
0x8f: {  	_ = 	snop  }
0x90: {  	(tm) =	ssettm $0x1  }
0x91: {  	s17 =	sld [smem:$0x3FFB];
	_ =	sdelay $0x3  }
0x92: {  	_ =	strace s17  }
0x93: {  	s2 =	sld [smem:$0x3FFC];
	_ =	sdelay $0x3  }
0x94: {  	_ =	strace s2  }
0x95: {  	s2 =	sld [smem:$0x3FFD];
	_ =	sdelay $0x3  }
0x96: {  	_ =	strace s2  }
0x97: {  	_ =	strace $0x8FFFFFFF  }
0x98: {  	s18 =	sld [smem:$0x3FDB];
	_ =	sdelay $0x1  }
0x99: {  	s19 =	simm.s32 $_scs_section_size  }
0x9a: {  	s4 =	simm.s32 $_size__tile_overlayer_lowered;
	s5 =	simm.s32 $_tile_overlayer_lowered  }
0x9b: {  	s22 =	simm.s32 $0x1BFF;
	s21 =	sshll.u32 s5, $0x1;
	s2 =	sadd.s32 s19, s18  }
0x9c: {  	s6 =	simm.s32 $0x0;
	s20 =	sshll.u32 s4, $0x1;
	s4 =	sadd.s32 s21, s2  }
0x9d: {  	[timem:s6], [sflag:s22] =	dma.local [hbm:s4], s20  }
0x9e: {  	_ =	swait.ge [sflag:s22], s20  }
0x9f: {  	s3 =	ssub.s32 $0x0, s20;
	[sflag:s22] =	ssyncset.done $0x0  }
0xa0: {  	[sflag:s22] =	ssyncadd.s32 s3;
	_ =	sdelay $0x1  }
0xa1: {  	s23 =	simm.s32 $0x1B8B  }
0xa2: {  	_ =	swait.ge [sflag:s23], $0x1  }
0xa3: {  	[sflag:s23] =	ssyncset.done $0x0  }
0xa4: {  	s25 =	simm.s32 $0x1B8E;
	s24 =	sld [smem:$0x3FFE];
	[sflag:s23] =	ssyncadd.s32 $0xFFFFFFFF  }
0xa5: {  	s26 =	simm.s32 $execute0_lowered;
	[smem:$0x3FD2] =	sst s25  }
0xa6: {  	s4 =	sshll.u32 s26, $0x1;
	_ =	strace $0x8000004C;
	[dreg:$0x1] =	wrdreg $0xFFFFFFFF  }
0xa7: {  	s28 =	simm.s32 $_size_execute0_lowered;
	s2 =	sadd.s32 s2, s4;
	[dreg:$0x0] =	wrdreg $0x0  }
0xa8: {  	s4 =	sshll.u32 s28, $0x1;
	[dreg:$0x2] =	wrdreg s2  }
0xa9: {  	[dreg:$0x3] =	wrdreg s4  }
0xaa: {  	[dreg:$0x4] =	wrdreg $0xC0  }
0xab: {  	_ =	task [dreg:s6], $0x5FFFF  }
0xac: {  	[dreg:$0x1] =	wrdreg $0xFFFFFFFF  }
0xad: {  	[dreg:$0x0] =	wrdreg $0x60  }
0xae: {  	[dreg:$0x2] =	wrdreg s24  }
0xaf: {  	[dreg:$0x3] =	wrdreg $0x83000  }
0xb0: {  	[dreg:$0x4] =	wrdreg $0x9  }
0xb1: {  	_ =	task.clear_ibuf [dreg:s6], $0x5FFFF;
	_ =	strace $0x9000004C  }
0xb2: {  	s29 =	simm.s32 $0x9;
	_ =	strace $0x8000004E  }
0xb3: {  	_ =	swait.ge [sflag:s29], $0x1  }
0xb4: {  	[sflag:s29] =	ssyncadd.s32 $0xFFFFFFFF  }
0xb5: {  	_ =	strace $0x9000004E  }
0xb6: {  	_ =	sfence  }
0xb7: {  	s30 =	sld [smem:$0x0];
	_ =	sdelay $0x2  }
0xb8: {  	s31 =	sshll.u32 s1, $0xD;
	s1 =	sshrl.u32 s1, $0x2  }
0xb9: {  	s3 =	sand.u32 $0x4000, s31;
	s1 =	sadd.s32 s1, s30  }
0xba: {  	s0 =	sor.u32 s3, s0;
	s1 =	sshll.u32 s1, $0x11  }
0xbb: {  	s0 =	sor.u32 s1, s0  }
0xbc: {  	s0 =	sadd.s32 $0x8F2B, s0  }
0xbd: {  	[sflag:s0] =	ssyncadd.remote.s32 $0x1  }
0xbe: {  	_ =	sfence.sel $0xFFFF  }
0xbf: {  	[dreg:$0x0] =	wrdreg $0xFFFFFFFF;
	(pc) =	sbr.abs _section_cstart, $3  }
0xc0: {  	[dreg:$0x1] =	wrdreg $0xFFFFFFFF  }
0xc1: {  	_ =	task.clear_ibuf [dreg:s6], $0x2FFFF;
	_ =	strace $0x9FFFFFFF  }
0xc2: {  	(tm) =	ssettm $0x7FFFFFFF  }
0xc3: {  	_ =	shalt  }
tec
execute0_lowered:
.L_overlay_start_1:
0x0: {  	(tag) =	ssettag $0x1  }
0x1: {  	s0 =	rddreg [dreg:$0x0];
	s1 =	srdreg.scid  }
0x2: {  	s2 =	rddreg [dreg:$0x1];
	s9 =	stileid.u32  }
0x3: {  	s3 =	simm.s32 $0x0;
	s28 =	simm.s32 $0x180;
	s29 =	simm.s32 $0x1  }
0x4: {  	s30 =	simm.s32 $0x3;
	s31 =	simm.s32 $0x4300;
	s5 =	smul.u32 $0x14000, s9  }
0x5: {  	s1 =	sand.u32 $0x1, s1;
	[smem:$0x7FF] =	sst s3;
	s8 =	smul.u32 $0x50000, s9  }
0x6: {  	s24 =	sshll.u32 s9, $0x7;
	s4 =	smul.u32 $0x140000, s1;
	s7 =	ssub.s32 $0x2, s1  }
0x7: {  	_ =	strace $0x8000004D;
	s1 =	sshll.u32 s1, $0x4;
	s22 =	sshrl.u32 s7, $0x1  }
0x8: {  	s1 =	sor.u32 s9, s1;
	s23 =	sshrl.u32 s8, $0x2;
	s6 =	sadd.s32 s5, s4  }
0x9: {  	s8 =	sand.u32 $0x380, s24;
	s4 =	sadd.s32 $0x16400, s0;
	s6 =	sshrl.u32 s6, $0x3  }
0xa: {  	s5 =	sadd.s32 $0x2800, s0;
	s0 =	sadd.s32 s6, s0;
	s6 =	sadd.s32 s23, s2  }
0xb: {  	s9 =	simm.s32 $0x200;
	s1 =	sshrl.u32 s1, $0x3;
	s25 =	sadd.s32 $0x4000, s6  }
0xc: {  	s1 =	smul.u32 $0x13C00, s1;
	s26 =	sadd.s32 $0x8000, s6;
	[dreg:$0x3] =	wrdreg s25  }
0xd: {  	s7 =	ssub.s32 s7, s22;
	s10 =	sadd.s32 $0xC000, s6;
	[dreg:$0x4] =	wrdreg s26  }
0xe: {  	s11 =	sadd.s32 $0x10000, s6;
	s1 =	sor.u32 s8, s1;
	[dreg:$0x5] =	wrdreg s10  }
0xf: {  	s0 =	sadd.s32 $0x3D600, s0;
	[dreg:$0x6] =	wrdreg s11;
	s8 =	sshrl.u32 s1, $0x3  }
0x10: {  	s12 =	sadd.s32 $0x4F000, s1;
	s10 =	sadd.s32 $0x400, s1;
	s16 =	sadd.s32 $0x4F400, s1  }
0x11: {  	s17 =	sadd.s32 $0x13800, s1;
	s18 =	sadd.s32 $0x62800, s1;
	s22 =	sadd.s32 $0x4F800, s1  }
0x12: {  	[dreg:$0xd] =	wrdreg s0;
	s24 =	sadd.s32 $0x4FC00, s1;
	s25 =	sadd.s32 $0xC00, s1  }
0x13: {  	s11 =	simm.s32 $0x10;
	s8 =	sadd.s32 s5, s8;
	s13 =	sshrl.u32 s12, $0x3  }
0x14: {  	s14 =	sshrl.u32 s10, $0x3;
	s19 =	sshrl.u32 s17, $0x3;
	s20 =	sshrl.u32 s18, $0x3  }
0x15: {  	s18 =	smax.u32 s7, $0x1;
	s23 =	sshrl.u32 s22, $0x3;
	s0 =	sshrl.u32 s24, $0x3  }
0x16: {  	s26 =	sshrl.u32 s25, $0x3;
	s24 =	simm.s32 $0x7;
	s25 =	simm.s32 $0x100  }
0x17: {  	s7 =	simm.s32 $0x6;
	s10 =	simm.s32 $0x280;
	s12 =	simm.s32 $0x0  }
0x18: {  	[dreg:$0x7] =	wrdreg s8;
	s8 =	sadd.s32 s5, s13;
	s15 =	sadd.s32 s5, s14  }
0x19: {  	s21 =	sadd.s32 s5, s20;
	s20 =	sadd.s32 $0x800, s1;
	[dreg:$0x8] =	wrdreg s8  }
0x1a: {  	s22 =	sadd.s32 s26, s5;
	s26 =	simm.s32 $0x80;
	[dreg:$0x9] =	wrdreg s15  }
0x1b: {  	s1 =	simm.s32 $0x2;
	s8 =	sshrl.u32 s16, $0x3;
	[dreg:$0xc] =	wrdreg s21  }
0x1c: {  	s21 =	sadd.s32 s0, s5;
	s0 =	simm.s32 $0x5;
	s8 =	sadd.s32 s5, s8  }
0x1d: {  	[dreg:$0xa] =	wrdreg s8;
	s8 =	sadd.s32 s5, s19;
	s19 =	sadd.s32 s23, s5  }
0x1e: {  	v0 =	vimm.f32 $0.0e+00;
	s23 =	simm.s32 $0x300;
	[dreg:$0xb] =	wrdreg s8;
	s8 =	simm.s32 $0x4  }
.LBB2_1:
0x1f: {  	s13 =	simm.s32 $0x0;
	s14 =	simm.s32 $0x200  }
.LBB2_2:
0x20: {  	p0 =	sne.s32 s14, $0xFE00;
	[tilespmem:s13+$0x370] =	vst v0  }
0x21: {  	[tilespmem:s13+$0x300] =	vst v0  }
0x22: {  	[tilespmem:s13+$0x310] =	vst v0  }
.Ltmp0:
0x23: {  	[tilespmem:s13+$0x320] =	vst v0;
	(pc) =	sbr.rel @p0 .LBB2_2-.Ltmp0, $4  }
0x24: {  	[tilespmem:s13+$0x330] =	vst v0  }
0x25: {  	[tilespmem:s13+$0x340] =	vst v0  }
0x26: {  	[tilespmem:s13+$0x350] =	vst v0  }
0x27: {  	[tilespmem:s13+$0x360] =	vst v0;
	s13 =	sshra.s32 s14, $0x2;
	s14 =	sadd.s32 $0x200, s14  }
0x28: {  	[tilespmem:s13+$0x370] =	vst v0  }
0x29: {  	[tilespmem:s13+$0x300] =	vst v0  }
0x2a: {  	[tilespmem:s13+$0x310] =	vst v0  }
0x2b: {  	[tilespmem:s13+$0x320] =	vst v0  }
0x2c: {  	[tilespmem:s13+$0x330] =	vst v0  }
0x2d: {  	[tilespmem:s13+$0x340] =	vst v0  }
0x2e: {  	[tilespmem:s13+$0x350] =	vst v0  }
0x2f: {  	[tilespmem:s13+$0x360] =	vst v0  }
0x30: {  	[spmem:s6] =	stream.linear.scatter [tilespmem:s23], [sflag:$0x7], $0x4000, $0x38;
	[tilespmem:$0x1C300] =	vst v63  }
0x31: {  	_ =	swait.ge [sflag:s24], $0x4000  }
0x32: {  	[sflag:s24] =	ssyncset.done $0x0  }
0x33: {  	s15 =	rddreg [dreg:$0x3];
	[sflag:s24] =	ssyncadd.s32 $0xFFFFC000  }
0x34: {  	[spmem:s15] =	stream.linear.scatter [tilespmem:s23], [sflag:$0x7], $0x4000, $0x38;
	[tilespmem:$0x1C300] =	vst v63  }
0x35: {  	_ =	swait.ge [sflag:s24], $0x4000  }
0x36: {  	[sflag:s24] =	ssyncset.done $0x0  }
0x37: {  	s16 =	rddreg [dreg:$0x4];
	[sflag:s24] =	ssyncadd.s32 $0xFFFFC000  }
0x38: {  	[spmem:s16] =	stream.linear.scatter [tilespmem:s23], [sflag:$0x7], $0x4000, $0x38;
	[tilespmem:$0x1C300] =	vst v63  }
0x39: {  	_ =	swait.ge [sflag:s24], $0x4000  }
0x3a: {  	[sflag:s24] =	ssyncset.done $0x0  }
0x3b: {  	s17 =	rddreg [dreg:$0x5];
	[sflag:s24] =	ssyncadd.s32 $0xFFFFC000  }
0x3c: {  	[spmem:s17] =	stream.linear.scatter [tilespmem:s23], [sflag:$0x7], $0x4000, $0x38;
	[tilespmem:$0x1C300] =	vst v63  }
0x3d: {  	_ =	swait.ge [sflag:s24], $0x4000  }
0x3e: {  	[sflag:s24] =	ssyncset.done $0x0  }
0x3f: {  	s14 =	rddreg [dreg:$0x6];
	[sflag:s24] =	ssyncadd.s32 $0xFFFFC000  }
0x40: {  	[spmem:s14] =	stream.linear.scatter [tilespmem:s23], [sflag:$0x7], $0x4000, $0x38;
	[tilespmem:$0x1C300] =	vst v63  }
0x41: {  	_ =	swait.ge [sflag:s24], $0x4000  }
0x42: {  	[sflag:s24] =	ssyncset.done $0x0  }
0x43: {  	[sflag:s24] =	ssyncadd.s32 $0xFFFFC000  }
0x44: {  	[bflag:$0x0] =	sbarrier.arrive $0xFFFF  }
0x45: {  	s13 =	simm.s32 $0x0;
	s14 =	rddreg [dreg:$0x7]  }
0x46: {  	[tilespmem:s13], [sflag:$0x1] =	stream.linear.gather [hbm4b:s14+s13], $0x80, $0x38;
	[tilespmem:$0x1C300] =	vst v63  }
0x47: {  	s15 =	rddreg [dreg:$0x8]  }
0x48: {  	[tilespmem:s25], [sflag:$0x2] =	stream.linear.gather [hbm4b:s15+s13], $0x80, $0x38;
	[tilespmem:$0x1C300] =	vst v63  }
0x49: {  	s16 =	rddreg [dreg:$0x9]  }
0x4a: {  	[tilespmem:s26], [sflag:$0x3] =	stream.linear.gather [hbm4b:s16+s13], $0x80, $0x38;
	[tilespmem:$0x1C300] =	vst v63  }
0x4b: {  	s17 =	rddreg [dreg:$0xa]  }
0x4c: {  	[tilespmem:s28], [sflag:$0x4] =	stream.linear.gather [hbm4b:s17+s13], $0x80, $0x38;
	[tilespmem:$0x1C300] =	vst v63  }
0x4d: {  	_ =	swait.ge [sflag:s29], $0x80  }
0x4e: {  	[sflag:s29] =	ssyncset.done $0x0  }
0x4f: {  	[sflag:s29] =	ssyncadd.s32 $0xFFFFFF80  }
0x50: {  	[tilespmem:s23], [sflag:$0x5] =	stream.indirect.gather [hbm4b:s4+s26], $0x80, s13, s26, $0xb8;
	[tilespmem:$0x1C300] =	vst v63  }
0x51: {  	_ =	swait.ge [sflag:s30], $0x80  }
0x52: {  	[sflag:s30] =	ssyncset.done $0x0  }
0x53: {  	[sflag:s30] =	ssyncadd.s32 $0xFFFFFF80  }
0x54: {  	[tilespmem:s31], [sflag:$0x6] =	stream.indirect.gather [hbm4b:s4+s26], $0x80, s26, s26, $0xb8;
	[tilespmem:$0x1C300] =	vst v63  }
0x55: {  	_ =	swait.ge [sflag:s0], $0x4000  }
0x56: {  	[sflag:s0] =	ssyncset.done $0x0  }
0x57: {  	[sflag:s0] =	ssyncadd.s32 $0xFFFFC000  }
0x58: {  	_ =	swait.ge [sflag:s1], $0x80  }
0x59: {  	[sflag:s1] =	ssyncset.done $0x0  }
0x5a: {  	[sflag:s1] =	ssyncadd.s32 $0xFFFFFF80  }
0x5b: {  	[spmem:s2] =	stream.indirect.scatter.add.f32 [tilespmem:s23], [sflag:$0x7], $0x80, s25, s26, $0xb8;
	[tilespmem:$0x1C300] =	vst v63  }
0x5c: {  	_ =	swait.ge [sflag:s24], $0x4000  }
0x5d: {  	s14 =	sshrl.u32 s20, $0x3;
	[sflag:s24] =	ssyncset.done $0x0  }
0x5e: {  	s13 =	sadd.s32 s5, s14;
	[sflag:s24] =	ssyncadd.s32 $0xFFFFC000  }
0x5f: {  	[tilespmem:s3], [sflag:$0x1] =	stream.linear.gather [hbm4b:s13+s3], $0x80, $0x38;
	[tilespmem:$0x1C300] =	vst v63  }
0x60: {  	s15 =	sadd.s32 $0x0, s19  }
0x61: {  	[tilespmem:s25], [sflag:$0x2] =	stream.linear.gather [hbm4b:s15+s3], $0x80, $0x38;
	[tilespmem:$0x1C300] =	vst v63  }
0x62: {  	_ =	swait.ge [sflag:s29], $0x80  }
0x63: {  	[sflag:s29] =	ssyncset.done $0x0  }
0x64: {  	[sflag:s29] =	ssyncadd.s32 $0xFFFFFF80  }
0x65: {  	[tilespmem:s23], [sflag:$0x5] =	stream.indirect.gather [hbm4b:s4+s26], $0x80, s3, s26, $0xb8;
	[tilespmem:$0x1C300] =	vst v63  }
0x66: {  	_ =	swait.ge [sflag:s7], $0x4000  }
0x67: {  	[sflag:s7] =	ssyncset.done $0x0  }
0x68: {  	[sflag:s7] =	ssyncadd.s32 $0xFFFFC000  }
0x69: {  	_ =	swait.ge [sflag:s8], $0x80  }
0x6a: {  	[sflag:s8] =	ssyncset.done $0x0  }
0x6b: {  	[sflag:s8] =	ssyncadd.s32 $0xFFFFFF80  }
0x6c: {  	[spmem:s2] =	stream.indirect.scatter.add.f32 [tilespmem:s31], [sflag:$0x7], $0x80, s28, s26, $0xb8;
	[tilespmem:$0x1C300] =	vst v63  }
0x6d: {  	_ =	swait.ge [sflag:s24], $0x4000  }
0x6e: {  	[sflag:s24] =	ssyncset.done $0x0  }
0x6f: {  	s16 =	sadd.s32 $0x0, s22;
	[sflag:s24] =	ssyncadd.s32 $0xFFFFC000  }
0x70: {  	[tilespmem:s26], [sflag:$0x3] =	stream.linear.gather [hbm4b:s16+s3], $0x80, $0x38;
	[tilespmem:$0x1C300] =	vst v63  }
0x71: {  	s17 =	sadd.s32 $0x0, s21  }
0x72: {  	[tilespmem:s28], [sflag:$0x4] =	stream.linear.gather [hbm4b:s17+s3], $0x80, $0x38;
	[tilespmem:$0x1C300] =	vst v63  }
0x73: {  	_ =	swait.ge [sflag:s30], $0x80  }
0x74: {  	[sflag:s30] =	ssyncset.done $0x0  }
0x75: {  	[sflag:s30] =	ssyncadd.s32 $0xFFFFFF80  }
0x76: {  	[tilespmem:s31], [sflag:$0x6] =	stream.indirect.gather [hbm4b:s4+s26], $0x80, s26, s26, $0xb8;
	[tilespmem:$0x1C300] =	vst v63  }
0x77: {  	_ =	swait.ge [sflag:s0], $0x4000  }
0x78: {  	[sflag:s0] =	ssyncset.done $0x0  }
0x79: {  	[sflag:s0] =	ssyncadd.s32 $0xFFFFC000  }
0x7a: {  	_ =	swait.ge [sflag:s1], $0x80  }
0x7b: {  	[sflag:s1] =	ssyncset.done $0x0  }
0x7c: {  	[sflag:s1] =	ssyncadd.s32 $0xFFFFFF80  }
0x7d: {  	[spmem:s2] =	stream.indirect.scatter.add.f32 [tilespmem:s23], [sflag:$0x7], $0x80, s25, s26, $0xb8;
	[tilespmem:$0x1C300] =	vst v63  }
0x7e: {  	s14 =	sadd.s32 $0x800, s20;
	s13 =	simm.s32 $0x100;
	_ =	swait.ge [sflag:s24], $0x4000  }
0x7f: {  	s15 =	simm.s32 $0x200;
	s16 =	sshrl.u32 s14, $0x3;
	[sflag:s24] =	ssyncset.done $0x0  }
.LBB2_4:
0x80: {  	p0 =	sne.s32 s15, $0x2500;
	s16 =	sadd.s32 s5, s16;
	[sflag:s24] =	ssyncadd.s32 $0xFFFFC000  }
0x81: {  	[tilespmem:s3], [sflag:$0x1] =	stream.linear.gather [hbm4b:s16+s3], $0x80, $0x38;
	[tilespmem:$0x1C300] =	vst v63  }
0x82: {  	s17 =	smov.u32 s15;
	s15 =	sadd.s32 $0x100, s15;
	s16 =	sadd.s32 s13, s19  }
0x83: {  	[tilespmem:s25], [sflag:$0x2] =	stream.linear.gather [hbm4b:s16+s3], $0x80, $0x38;
	[tilespmem:$0x1C300] =	vst v63  }
0x84: {  	_ =	swait.ge [sflag:s29], $0x80  }
0x85: {  	[sflag:s29] =	ssyncset.done $0x0  }
0x86: {  	[sflag:s29] =	ssyncadd.s32 $0xFFFFFF80  }
0x87: {  	[tilespmem:s23], [sflag:$0x5] =	stream.indirect.gather [hbm4b:s4+s26], $0x80, s3, s26, $0xb8;
	[tilespmem:$0x1C300] =	vst v63  }
0x88: {  	_ =	swait.ge [sflag:s7], $0x4000  }
0x89: {  	[sflag:s7] =	ssyncset.done $0x0  }
0x8a: {  	[sflag:s7] =	ssyncadd.s32 $0xFFFFC000  }
0x8b: {  	_ =	swait.ge [sflag:s8], $0x80  }
0x8c: {  	[sflag:s8] =	ssyncset.done $0x0  }
0x8d: {  	[sflag:s8] =	ssyncadd.s32 $0xFFFFFF80  }
0x8e: {  	[spmem:s2] =	stream.indirect.scatter.add.f32 [tilespmem:s31], [sflag:$0x7], $0x80, s28, s26, $0xb8;
	[tilespmem:$0x1C300] =	vst v63  }
0x8f: {  	_ =	swait.ge [sflag:s24], $0x4000  }
0x90: {  	[sflag:s24] =	ssyncset.done $0x0  }
0x91: {  	s16 =	sadd.s32 s13, s22;
	[sflag:s24] =	ssyncadd.s32 $0xFFFFC000  }
0x92: {  	[tilespmem:s26], [sflag:$0x3] =	stream.linear.gather [hbm4b:s16+s3], $0x80, $0x38;
	[tilespmem:$0x1C300] =	vst v63  }
0x93: {  	s16 =	sadd.s32 s13, s21;
	s13 =	smov.u32 s17  }
0x94: {  	[tilespmem:s28], [sflag:$0x4] =	stream.linear.gather [hbm4b:s16+s3], $0x80, $0x38;
	[tilespmem:$0x1C300] =	vst v63  }
0x95: {  	_ =	swait.ge [sflag:s30], $0x80  }
0x96: {  	[sflag:s30] =	ssyncset.done $0x0  }
0x97: {  	[sflag:s30] =	ssyncadd.s32 $0xFFFFFF80  }
0x98: {  	[tilespmem:s31], [sflag:$0x6] =	stream.indirect.gather [hbm4b:s4+s26], $0x80, s26, s26, $0xb8;
	[tilespmem:$0x1C300] =	vst v63  }
0x99: {  	_ =	swait.ge [sflag:s0], $0x4000  }
0x9a: {  	[sflag:s0] =	ssyncset.done $0x0  }
0x9b: {  	[sflag:s0] =	ssyncadd.s32 $0xFFFFC000  }
0x9c: {  	_ =	swait.ge [sflag:s1], $0x80  }
.Ltmp1:
0x9d: {  	[sflag:s1] =	ssyncset.done $0x0;
	(pc) =	sbr.rel @p0 .LBB2_4-.Ltmp1, $4  }
0x9e: {  	[sflag:s1] =	ssyncadd.s32 $0xFFFFFF80  }
0x9f: {  	[spmem:s2] =	stream.indirect.scatter.add.f32 [tilespmem:s23], [sflag:$0x7], $0x80, s25, s26, $0xb8;
	[tilespmem:$0x1C300] =	vst v63  }
0xa0: {  	s14 =	sadd.s32 $0x800, s14;
	_ =	swait.ge [sflag:s24], $0x4000  }
0xa1: {  	s16 =	sshrl.u32 s14, $0x3;
	[sflag:s24] =	ssyncset.done $0x0  }
0xa2: {  	s14 =	sadd.s32 s5, s16;
	[sflag:s24] =	ssyncadd.s32 $0xFFFFC000  }
0xa3: {  	[tilespmem:s3], [sflag:$0x1] =	stream.linear.gather [hbm4b:s14+s3], $0x80, $0x38;
	[tilespmem:$0x1C300] =	vst v63  }
0xa4: {  	s15 =	sadd.s32 s13, s19  }
0xa5: {  	[tilespmem:s25], [sflag:$0x2] =	stream.linear.gather [hbm4b:s15+s3], $0x80, $0x38;
	[tilespmem:$0x1C300] =	vst v63  }
0xa6: {  	_ =	swait.ge [sflag:s29], $0x80  }
0xa7: {  	[sflag:s29] =	ssyncset.done $0x0  }
0xa8: {  	[sflag:s29] =	ssyncadd.s32 $0xFFFFFF80  }
0xa9: {  	[tilespmem:s23], [sflag:$0x5] =	stream.indirect.gather [hbm4b:s4+s26], $0x80, s3, s26, $0xb8;
	[tilespmem:$0x1C300] =	vst v63  }
0xaa: {  	_ =	swait.ge [sflag:s7], $0x4000  }
0xab: {  	[sflag:s7] =	ssyncset.done $0x0  }
0xac: {  	[sflag:s7] =	ssyncadd.s32 $0xFFFFC000  }
0xad: {  	_ =	swait.ge [sflag:s8], $0x80  }
0xae: {  	[sflag:s8] =	ssyncset.done $0x0  }
0xaf: {  	[sflag:s8] =	ssyncadd.s32 $0xFFFFFF80  }
0xb0: {  	[spmem:s2] =	stream.indirect.scatter.add.f32 [tilespmem:s31], [sflag:$0x7], $0x80, s28, s26, $0xb8;
	[tilespmem:$0x1C300] =	vst v63  }
0xb1: {  	_ =	swait.ge [sflag:s24], $0x4000  }
0xb2: {  	[sflag:s24] =	ssyncset.done $0x0  }
0xb3: {  	s16 =	sadd.s32 s13, s22;
	[sflag:s24] =	ssyncadd.s32 $0xFFFFC000  }
0xb4: {  	[tilespmem:s26], [sflag:$0x3] =	stream.linear.gather [hbm4b:s16+s3], $0x80, $0x38;
	[tilespmem:$0x1C300] =	vst v63  }
0xb5: {  	s17 =	sadd.s32 s13, s21  }
0xb6: {  	[tilespmem:s28], [sflag:$0x4] =	stream.linear.gather [hbm4b:s17+s3], $0x80, $0x38;
	[tilespmem:$0x1C300] =	vst v63  }
0xb7: {  	_ =	swait.ge [sflag:s30], $0x80  }
0xb8: {  	[sflag:s30] =	ssyncset.done $0x0  }
0xb9: {  	[sflag:s30] =	ssyncadd.s32 $0xFFFFFF80  }
0xba: {  	[tilespmem:s31], [sflag:$0x6] =	stream.indirect.gather [hbm4b:s4+s26], $0x80, s26, s26, $0xb8;
	[tilespmem:$0x1C300] =	vst v63  }
0xbb: {  	_ =	swait.ge [sflag:s0], $0x4000  }
0xbc: {  	[sflag:s0] =	ssyncset.done $0x0  }
0xbd: {  	[sflag:s0] =	ssyncadd.s32 $0xFFFFC000  }
0xbe: {  	_ =	swait.ge [sflag:s1], $0x80  }
0xbf: {  	[sflag:s1] =	ssyncset.done $0x0  }
0xc0: {  	[sflag:s1] =	ssyncadd.s32 $0xFFFFFF80  }
0xc1: {  	[spmem:s2] =	stream.indirect.scatter.add.f32 [tilespmem:s23], [sflag:$0x7], $0x80, s25, s26, $0xb8;
	[tilespmem:$0x1C300] =	vst v63  }
0xc2: {  	_ =	swait.ge [sflag:s24], $0x4000  }
0xc3: {  	[sflag:s24] =	ssyncset.done $0x0  }
0xc4: {  	[sflag:s24] =	ssyncadd.s32 $0xFFFFC000  }
0xc5: {  	_ =	swait.ge [sflag:s7], $0x4000  }
0xc6: {  	[sflag:s7] =	ssyncset.done $0x0  }
0xc7: {  	[sflag:s7] =	ssyncadd.s32 $0xFFFFC000  }
0xc8: {  	_ =	swait.ge [sflag:s8], $0x80  }
0xc9: {  	[sflag:s8] =	ssyncset.done $0x0  }
0xca: {  	[sflag:s8] =	ssyncadd.s32 $0xFFFFFF80  }
0xcb: {  	[spmem:s2] =	stream.indirect.scatter.add.f32 [tilespmem:s31], [sflag:$0x7], $0x80, s28, s26, $0xb8;
	[tilespmem:$0x1C300] =	vst v63  }
0xcc: {  	_ =	swait.ge [sflag:s24], $0x4000  }
0xcd: {  	[sflag:s24] =	ssyncset.done $0x0  }
0xce: {  	s14 =	rddreg [dreg:$0xb];
	[sflag:s24] =	ssyncadd.s32 $0xFFFFC000  }
0xcf: {  	[tilespmem:s9], [sflag:$0x7] =	stream.linear.gather [hbm4b:s14+s3], $0x80, $0x38;
	[tilespmem:$0x1C300] =	vst v63  }
0xd0: {  	_ =	swait.ge [sflag:s24], $0x80  }
0xd1: {  	[sflag:s24] =	ssyncset.done $0x0  }
0xd2: {  	s15 =	rddreg [dreg:$0xc];
	[sflag:s24] =	ssyncadd.s32 $0xFFFFFF80  }
0xd3: {  	[tilespmem:s10], [sflag:$0x7] =	stream.linear.gather [hbm4b:s15+s3], $0x80, $0x38;
	[tilespmem:$0x1C300] =	vst v63  }
0xd4: {  	_ =	swait.ge [sflag:s24], $0x80  }
0xd5: {  	[sflag:s24] =	ssyncset.done $0x0  }
0xd6: {  	[sflag:s24] =	ssyncadd.s32 $0xFFFFFF80  }
0xd7: {  	[tilespmem:s23], [sflag:$0x5] =	stream.indirect.gather [hbm4b:s4+s11], $0x80, s9, s11, $0xb8;
	[tilespmem:$0x1C300] =	vst v63  }
0xd8: {  	_ =	swait.ge [sflag:s0], $0x800  }
0xd9: {  	[sflag:s0] =	ssyncset.done $0x0  }
0xda: {  	[sflag:s0] =	ssyncadd.s32 $0xFFFFF800  }
0xdb: {  	[spmem:s2] =	stream.indirect.scatter.add.f32 [tilespmem:s23], [sflag:$0x7], $0x80, s10, s11, $0xb8;
	[tilespmem:$0x1C300] =	vst v63  }
0xdc: {  	_ =	swait.ge [sflag:s24], $0x800  }
0xdd: {  	s16 =	stileid.u32;
	[sflag:s24] =	ssyncset.done $0x0  }
0xde: {  	s12 =	sadd.s32 $0x1, s12;
	s13 =	sshll.u32 s16, $0x6;
	[sflag:s24] =	ssyncadd.s32 $0xFFFFF800  }
0xdf: {  	p0 =	sne.s32 s12, s18;
	s13 =	sor.u32 $0x1C07, s13;
	[bflag:$0x0] =	sbarrier.arrive $0xFFFF  }
.Ltmp2:
0xe0: {  	s17 =	sshrl.u32 s6, $0x3;
	s15 =	rddreg [dreg:$0xd];
	(pc) =	sbr.rel @p0 .LBB2_1-.Ltmp2, $4  }
0xe1: {  	[hbm:s15], [sflag:s13] =	dma.local [spmem:s17], $0x2800  }
0xe2: {  	_ =	swait.ge [sflag:s24], $0x2800  }
0xe3: {  	[sflag:s24] =	ssyncset.done $0x0  }
0xe4: {  	[sflag:s24] =	ssyncadd.s32 $0xFFFFD800  }
0xe5: {  	_ =	sfence.sel $0x180000  }
0xe6: {  	[bflag:$0x0] =	sbarrier.arrive $0xFFFF  }
0xe7: {  	_ =	strace $0x9000004D  }
0xe8: {  	s0 =	stileid.u32;
	[bflag:$0x2] =	sbarrier.arrive $0xFFFF  }
0xe9: {  	p0 =	sne.s32 s0, $0x0;
	s0 =	rddreg [dreg:$0x2]  }
0xea: {  	s0 =	sadd.s32 @!p0 $0x100000, s0  }
0xeb: {  	[sflag:s0] =	ssyncadd.tile.s32 @!p0 $0x1;
	_ =	shalt  }
.Lfunc_end2:
_tile_overlayer_lowered:
.L_overlay_start_2:
0xec: {  	(tag) =	ssettag $0x2  }
0xed: {  	s0 =	rddreg [dreg:$0x0];
	s2 =	stileid.u32  }
0xee: {  	s1 =	rddreg [dreg:$0x1];
	p0 =	sne.s32 s2, $0x0  }
0xef: {  	s3 =	rddreg [dreg:$0x2];
	[bflag:$0x3] =	sbarrier.arrive $0xFFFF;
	s2 =	simm.s32 @!p0 $0x1C07  }
0xf0: {  	[timem:s3], [sflag:s2] =	dma.local @!p0 [hbm:s0], s1  }
0xf1: {  	s0 =	simm.s32 @!p0 $0x7  }
0xf2: {  	_ =	swait.ge @!p0 [sflag:s0], s1  }
0xf3: {  	s1 =	ssub.s32 @!p0 $0x0, s1;
	[sflag:s0] =	ssyncset.done @!p0 $0x0  }
0xf4: {  	[sflag:s0] =	ssyncadd.s32 @!p0 s1  }
0xf5: {  	[bflag:$0x3] =	sbarrier.arrive $0xFFFF  }
0xf6: {  	_ =	shalt  }

// kernel: kernel.9.cloned.1.call-start
scs
__scs_entry_jumppad:
0x0: {  	(pc) =	sbr.rel $0x88, $3  }
0x1: {  	(tag) =	ssettag $0x0;
	lr =	simm.s32 $0x1  }
0x2: {  	[smem:$0x3F9B] =	sst lr;
	_ =	strace $0xD0000000  }
0x3: {  	_ = 	snop  }
0x4: {  	_ = 	snop  }
0x5: {  	_ = 	snop  }
0x6: {  	_ = 	snop  }
0x7: {  	_ = 	snop  }
__scs_overlays_trampoline_lowered:
0x8: {  	[smem:$0x3FAA] =	sst s0  }
0x9: {  	[smem:$0x3FAB] =	sst s1  }
0xa: {  	[smem:$0x3FAC] =	sst s2  }
0xb: {  	[smem:$0x3FAD] =	sst s3  }
0xc: {  	[smem:$0x3FAE] =	sst s4  }
0xd: {  	[smem:$0x3FAF] =	sst s5  }
0xe: {  	[smem:$0x3FB0] =	sst s6  }
0xf: {  	[smem:$0x3FB1] =	sst s7  }
0x10: {  	[smem:$0x3FB2] =	sst s8  }
0x11: {  	[smem:$0x3FB3] =	sst s9;
	s0 =	simm.s32 @!p0 $0x0  }
0x12: {  	s1 =	sld [smem:$0x3F99];
	s0 =	simm.s32 @p0 $0x1  }
0x13: {  	[smem:$0x3FB4] =	sst s0;
	s0 =	simm.s32 @!p1 $0x0  }
0x14: {  	s2 =	sld [smem:$0x3F98];
	s0 =	simm.s32 @p1 $0x1  }
0x15: {  	[smem:$0x3FB5] =	sst s0;
	s0 =	simm.s32 @!p2 $0x0  }
0x16: {  	s3 =	sld [smem:$0x3FDB];
	s0 =	simm.s32 @p2 $0x1  }
0x17: {  	s4 =	simm.s32 $0x1BF5;
	[smem:$0x3FB7] =	sst s0  }
0x18: {  	s0 =	sld [smem:$0x3F9A];
	_ =	swait.ge [sflag:s4], $0x0  }
0x19: {  	s7 =	sld [smem:$0x3F9B]  }
0x1a: {  	s8 =	sadd.s32 $0xFFFFE003, lr  }
0x1b: {  	s9 =	sadd.s32 $0xFFFFFEF7, lr;
	s5 =	simm.s32 $0xFFFFFFFF;
	p2 =	slt.u32 s8, $0xFFFFF086  }
0x1c: {  	p1 =	slt.u32 s9, $0xF7A;
	s5 =	simm.s32 @!p2 $0x0  }
0x1d: {  	s5 =	simm.s32 @p1 $0x1;
	p0 =	seq.s32 s7, s2  }
0x1e: {  	s7 =	smul.u32 @!p0 $0xF7A, s2;
	p2 =	seq.s32 @!p0 s5, $0x0  }
0x1f: {  	s9 =	smul.u32 $0xF7A, s1;
	s8 =	simm.s32 @!p0 $0x1BF5;
	p2 =	por !p2, p0  }
0x20: {  	[sflag:s8] =	ssyncset.s32 @!p0 $0xFFFFF086;
	s6 =	sadd.s32 @!p0 s3, s7;
	s7 =	simm.s32 @!p0 $0x108  }
0x21: {  	s3 =	sadd.s32 s3, s9;
	s6 =	sadd.s32 @!p0 $0x88, s6;
	s7 =	simm.s32 @p2 $0x1082  }
0x22: {  	[simem:s7], [sflag:s8] =	dma.local @!p0 [hbm:s6], $0xF7A  }
0x23: {  	s9 =	sor.u32 $0xD0000000, s2;
	s6 =	simm.s32 $0x108;
	_ =	swait.ge @!p0 [sflag:s8], $0x0  }
0x24: {  	s3 =	sadd.s32 $0x88, s3;
	s6 =	simm.s32 @!p1 $0x1082;
	[sflag:s4] =	ssyncset.s32 $0xFFFFF086  }
0x25: {  	[simem:s6], [sflag:s4] =	dma.local [hbm:s3], $0xF7A  }
0x26: {  	[smem:$0x3F9B] =	sst s1;
	(tag) =	ssettag s2;
	_ =	strace s9  }
0x27: {  	s1 =	sld [smem:$0x3FAB]  }
0x28: {  	s2 =	sld [smem:$0x3FAC]  }
0x29: {  	s4 =	sld [smem:$0x3FAE]  }
0x2a: {  	p0 =	seq.s32 s5, $0x0;
	s5 =	sld [smem:$0x3FAF]  }
0x2b: {  	s6 =	sld [smem:$0x3FB0]  }
0x2c: {  	s7 =	sld [smem:$0x3FB1]  }
0x2d: {  	s3 =	simm.s32 $0x108;
	s8 =	sld [smem:$0x3FB2]  }
0x2e: {  	s3 =	simm.s32 @!p0 $0x1082;
	s9 =	sld [smem:$0x3FB3]  }
0x2f: {  	lr =	sadd.s32 s0, s3;
	s0 =	sld [smem:$0x3FAA]  }
0x30: {  	s3 =	sld [smem:$0x3FAD]  }
0x31: {  	[smem:$0x3FB6] =	sst s10  }
0x32: {  	s10 =	sld [smem:$0x3FB4];
	_ =	sdelay $0x3  }
0x33: {  	p0 =	seq.s32 s10, $0x1;
	s10 =	sld [smem:$0x3FB6];
	_ =	sdelay $0x3  }
0x34: {  	[smem:$0x3FB6] =	sst s10  }
0x35: {  	s10 =	sld [smem:$0x3FB5];
	_ =	sdelay $0x3  }
0x36: {  	p1 =	seq.s32 s10, $0x1;
	s10 =	sld [smem:$0x3FB6];
	_ =	sdelay $0x3  }
0x37: {  	[smem:$0x3FB6] =	sst s10  }
0x38: {  	s10 =	sld [smem:$0x3FB7]  }
0x39: {  	_ = 	snop;
	(pc) =	sbr.ind lr, $3  }
0x3a: {  	_ = 	snop  }
0x3b: {  	_ = 	snop  }
0x3c: {  	p2 =	seq.s32 s10, $0x1;
	s10 =	sld [smem:$0x3FB6]  }
0x3d: {  	_ =	shalt  }
0x3e: {  	_ =	shalt  }
0x3f: {  	_ =	shalt  }
0x40: {  	_ =	shalt  }
0x41: {  	_ =	shalt  }
0x42: {  	_ =	shalt  }
0x43: {  	_ =	shalt  }
0x44: {  	_ =	shalt  }
0x45: {  	_ =	shalt  }
0x46: {  	_ =	shalt  }
0x47: {  	_ =	shalt  }
0x48: {  	_ =	shalt  }
0x49: {  	_ =	shalt  }
0x4a: {  	_ =	shalt  }
0x4b: {  	_ =	shalt  }
0x4c: {  	_ =	shalt  }
0x4d: {  	_ =	shalt  }
0x4e: {  	_ =	shalt  }
0x4f: {  	_ =	shalt  }
0x50: {  	_ =	shalt  }
0x51: {  	_ =	shalt  }
0x52: {  	_ =	shalt  }
0x53: {  	_ =	shalt  }
0x54: {  	_ =	shalt  }
0x55: {  	_ =	shalt  }
0x56: {  	_ =	shalt  }
0x57: {  	_ =	shalt  }
0x58: {  	_ =	shalt  }
0x59: {  	_ =	shalt  }
0x5a: {  	_ =	shalt  }
0x5b: {  	_ =	shalt  }
0x5c: {  	_ =	shalt  }
0x5d: {  	_ =	shalt  }
0x5e: {  	_ =	shalt  }
0x5f: {  	_ =	shalt  }
0x60: {  	_ =	shalt  }
0x61: {  	_ =	shalt  }
0x62: {  	_ =	shalt  }
0x63: {  	_ =	shalt  }
0x64: {  	_ =	shalt  }
0x65: {  	_ =	shalt  }
0x66: {  	_ =	shalt  }
0x67: {  	_ =	shalt  }
0x68: {  	_ =	shalt  }
0x69: {  	_ =	shalt  }
0x6a: {  	_ =	shalt  }
0x6b: {  	_ =	shalt  }
0x6c: {  	_ =	shalt  }
0x6d: {  	_ =	shalt  }
0x6e: {  	_ =	shalt  }
0x6f: {  	_ =	shalt  }
0x70: {  	_ =	shalt  }
0x71: {  	_ =	shalt  }
0x72: {  	_ =	shalt  }
0x73: {  	_ =	shalt  }
0x74: {  	_ =	shalt  }
0x75: {  	_ =	shalt  }
0x76: {  	_ =	shalt  }
0x77: {  	_ =	shalt  }
0x78: {  	_ =	shalt  }
0x79: {  	_ =	shalt  }
0x7a: {  	_ =	shalt  }
0x7b: {  	_ =	shalt  }
0x7c: {  	_ =	shalt  }
0x7d: {  	_ =	shalt  }
0x7e: {  	_ =	shalt  }
0x7f: {  	_ =	shalt  }
0x80: {  	_ =	shalt  }
0x81: {  	_ =	shalt  }
0x82: {  	_ =	shalt  }
0x83: {  	_ =	shalt  }
0x84: {  	_ =	shalt  }
0x85: {  	_ =	shalt  }
0x86: {  	_ =	shalt  }
0x87: {  	_ =	shalt  }
.Lfunc_end0:
.L_simem_size_0:
called_computation_lowered:
.L_overlay_start_0:
0x88: {  	s2 =	sld [smem:$0x3FD9]  }
0x89: {  	s3 =	sld [smem:$0x3FFE];
	_ =	sdelay $0x1  }
0x8a: {  	s1 =	srdreg.scid  }
0x8b: {  	s0 =	sand.u32 $0x1, s1  }
0x8c: {  	s16 =	sshll.u32 s0, $0xA;
	s2 =	sadd.s32 s3, s2  }
0x8d: {  	s2 =	sadd.s32 s2, s16  }
0x8e: {  	[smem:$0x3FC2] =	sst s2  }
0x8f: {  	_ = 	snop  }
0x90: {  	(tm) =	ssettm $0x1  }
0x91: {  	s17 =	sld [smem:$0x3FFB];
	_ =	sdelay $0x3  }
0x92: {  	_ =	strace s17  }
0x93: {  	s2 =	sld [smem:$0x3FFC];
	_ =	sdelay $0x3  }
0x94: {  	_ =	strace s2  }
0x95: {  	s2 =	sld [smem:$0x3FFD];
	_ =	sdelay $0x3  }
0x96: {  	_ =	strace s2  }
0x97: {  	_ =	strace $0x8FFFFFFF  }
0x98: {  	s18 =	sld [smem:$0x3FDB];
	_ =	sdelay $0x1  }
0x99: {  	s19 =	simm.s32 $_scs_section_size  }
0x9a: {  	s4 =	simm.s32 $_size__tile_overlayer_lowered;
	s5 =	simm.s32 $_tile_overlayer_lowered  }
0x9b: {  	s22 =	simm.s32 $0x1BFF;
	s21 =	sshll.u32 s5, $0x1;
	s2 =	sadd.s32 s19, s18  }
0x9c: {  	s6 =	simm.s32 $0x0;
	s20 =	sshll.u32 s4, $0x1;
	s4 =	sadd.s32 s21, s2  }
0x9d: {  	[timem:s6], [sflag:s22] =	dma.local [hbm:s4], s20  }
0x9e: {  	_ =	swait.ge [sflag:s22], s20  }
0x9f: {  	s3 =	ssub.s32 $0x0, s20;
	[sflag:s22] =	ssyncset.done $0x0  }
0xa0: {  	[sflag:s22] =	ssyncadd.s32 s3;
	_ =	sdelay $0x1  }
0xa1: {  	s23 =	simm.s32 $0x1B8B  }
0xa2: {  	_ =	swait.ge [sflag:s23], $0x1  }
0xa3: {  	[sflag:s23] =	ssyncset.done $0x0  }
0xa4: {  	s25 =	simm.s32 $0x1B8E;
	s24 =	sld [smem:$0x3FFE];
	[sflag:s23] =	ssyncadd.s32 $0xFFFFFFFF  }
0xa5: {  	s26 =	simm.s32 $execute0_lowered;
	[smem:$0x3FD2] =	sst s25  }
0xa6: {  	s4 =	sshll.u32 s26, $0x1;
	_ =	strace $0x80000046;
	[dreg:$0x1] =	wrdreg $0xFFFFFFFF  }
0xa7: {  	s28 =	simm.s32 $_size_execute0_lowered;
	s2 =	sadd.s32 s2, s4;
	[dreg:$0x0] =	wrdreg $0x0  }
0xa8: {  	s4 =	sshll.u32 s28, $0x1;
	[dreg:$0x2] =	wrdreg s2  }
0xa9: {  	[dreg:$0x3] =	wrdreg s4  }
0xaa: {  	[dreg:$0x4] =	wrdreg $0xC0  }
0xab: {  	_ =	task [dreg:s6], $0x5FFFF  }
0xac: {  	[dreg:$0x1] =	wrdreg $0xFFFFFFFF  }
0xad: {  	[dreg:$0x0] =	wrdreg $0x60  }
0xae: {  	[dreg:$0x2] =	wrdreg s24  }
0xaf: {  	[dreg:$0x3] =	wrdreg $0x4800  }
0xb0: {  	[dreg:$0x4] =	wrdreg $0x9  }
0xb1: {  	_ =	task.clear_ibuf [dreg:s6], $0x5FFFF;
	_ =	strace $0x90000046  }
0xb2: {  	s29 =	simm.s32 $0x9;
	_ =	strace $0x80000048  }
0xb3: {  	_ =	swait.ge [sflag:s29], $0x1  }
0xb4: {  	[sflag:s29] =	ssyncadd.s32 $0xFFFFFFFF  }
0xb5: {  	_ =	strace $0x90000048  }
0xb6: {  	_ =	sfence  }
0xb7: {  	s30 =	sld [smem:$0x0];
	_ =	sdelay $0x2  }
0xb8: {  	s31 =	sshll.u32 s1, $0xD;
	s1 =	sshrl.u32 s1, $0x2  }
0xb9: {  	s3 =	sand.u32 $0x4000, s31;
	s1 =	sadd.s32 s1, s30  }
0xba: {  	s0 =	sor.u32 s3, s0;
	s1 =	sshll.u32 s1, $0x11  }
0xbb: {  	s0 =	sor.u32 s1, s0  }
0xbc: {  	s0 =	sadd.s32 $0x8F2B, s0  }
0xbd: {  	[sflag:s0] =	ssyncadd.remote.s32 $0x1  }
0xbe: {  	_ =	sfence.sel $0xFFFF  }
0xbf: {  	[dreg:$0x0] =	wrdreg $0xFFFFFFFF;
	(pc) =	sbr.abs _section_cstart, $3  }
0xc0: {  	[dreg:$0x1] =	wrdreg $0xFFFFFFFF  }
0xc1: {  	_ =	task.clear_ibuf [dreg:s6], $0x2FFFF;
	_ =	strace $0x9FFFFFFF  }
0xc2: {  	(tm) =	ssettm $0x7FFFFFFF  }
0xc3: {  	_ =	shalt  }
tec
execute0_lowered:
.L_overlay_start_1:
0x0: {  	(tag) =	ssettag $0x1  }
0x1: {  	s4 =	rddreg [dreg:$0x0]  }
0x2: {  	s2 =	rddreg [dreg:$0x1]  }
0x3: {  	s0 =	rddreg [dreg:$0x2];
	s5 =	srdreg.scid  }
0x4: {  	s1 =	stileid.u32;
	s3 =	simm.s32 $0x0;
	s13 =	simm.s32 $0x3  }
0x5: {  	s14 =	simm.s32 $0x80;
	s15 =	simm.s32 $0x1;
	s16 =	simm.s32 $0x180  }
0x6: {  	s17 =	simm.s32 $0x2;
	s18 =	simm.s32 $0x100;
	s19 =	simm.s32 $0x10  }
0x7: {  	s21 =	simm.s32 $0x20;
	s22 =	simm.s32 $0x0;
	s5 =	sand.u32 $0x1, s5  }
0x8: {  	s6 =	smul.u32 $0x500, s1;
	[smem:$0x7FF] =	sst s3;
	s11 =	sadd.s32 $0x2800, s4  }
0x9: {  	s8 =	smul.u32 $0xA00, s1;
	s10 =	sshll.u32 s1, $0x7;
	s20 =	sshll.u32 s1, $0x6  }
0xa: {  	s7 =	sshll.u32 s5, $0x7;
	_ =	strace $0x80000047;
	s23 =	sshll.u32 s5, $0x4  }
0xb: {  	s5 =	ssub.s32 $0x2, s5;
	s6 =	sor.u32 s7, s6;
	s7 =	sor.u32 s1, s23  }
0xc: {  	s24 =	sand.u32 $0x380, s10;
	s10 =	sor.u32 $0x400, s10;
	s7 =	sshrl.u32 s7, $0x3  }
0xd: {  	s20 =	sor.u32 $0x1C03, s20;
	s9 =	sshrl.u32 s5, $0x1;
	s7 =	smul.u32 $0x13C00, s7  }
0xe: {  	s25 =	sshrl.u32 s8, $0x2;
	s6 =	sshrl.u32 s6, $0x3;
	s9 =	ssub.s32 s5, s9  }
0xf: {  	s12 =	sadd.s32 s6, s4;
	s4 =	sadd.s32 s25, s2;
	s26 =	sadd.s32 $0x4F000, s7  }
0x10: {  	s8 =	smax.u32 s9, $0x1;
	s28 =	sor.u32 s24, s7;
	s5 =	sor.u32 s24, s26  }
0x11: {  	s7 =	sadd.s32 $0x62800, s28;
	s10 =	sadd.s32 s26, s10;
	s30 =	sadd.s32 $0x4F800, s28  }
0x12: {  	s5 =	sshrl.u32 s5, $0x3;
	s7 =	sshrl.u32 s7, $0x3;
	s29 =	sshrl.u32 s10, $0x3  }
0x13: {  	s10 =	sshrl.u32 s30, $0x3;
	s5 =	sadd.s32 s11, s5;
	s6 =	sadd.s32 s11, s7  }
0x14: {  	s7 =	sadd.s32 $0x16400, s12;
	s31 =	sadd.s32 s11, s29;
	s10 =	sadd.s32 s10, s11  }
0x15: {  	v0 =	vimm.f32 $1.000000000e+00;
	v1 =	vimm.f32 $0.0e+00;
	s11 =	sadd.s32 s29, s11;
	s12 =	simm.s32 $0x200;
	s9 =	sadd.s32 $0x2600, s31  }
.LBB2_1:
0x16: {  	[tilespmem:$0x180] =	vst v0  }
0x17: {  	[tilespmem:$0x190] =	vst v0  }
0x18: {  	[tilespmem:$0x1A0] =	vst v0  }
0x19: {  	[tilespmem:$0x1B0] =	vst v0  }
0x1a: {  	[tilespmem:$0x1C0] =	vst v0  }
0x1b: {  	[tilespmem:$0x1D0] =	vst v0  }
0x1c: {  	[tilespmem:$0x1E0] =	vst v0  }
0x1d: {  	[tilespmem:$0x1F0] =	vst v0  }
0x1e: {  	[tilespmem:$0x200] =	vst v1  }
0x1f: {  	[tilespmem:$0x210] =	vst v1  }
0x20: {  	[tilespmem:$0x220] =	vst v1  }
0x21: {  	[tilespmem:$0x230] =	vst v1  }
0x22: {  	[tilespmem:$0x240] =	vst v1  }
0x23: {  	[tilespmem:$0x250] =	vst v1  }
0x24: {  	[tilespmem:$0x260] =	vst v1  }
0x25: {  	[tilespmem:$0x270] =	vst v1  }
0x26: {  	[tilespmem:$0x280] =	vst v1  }
0x27: {  	[tilespmem:$0x290] =	vst v1  }
0x28: {  	[tilespmem:$0x2A0] =	vst v1  }
0x29: {  	[tilespmem:$0x2B0] =	vst v1  }
0x2a: {  	[tilespmem:$0x2C0] =	vst v1  }
0x2b: {  	[tilespmem:$0x2D0] =	vst v1  }
0x2c: {  	[tilespmem:$0x2E0] =	vst v1  }
0x2d: {  	[tilespmem:$0x2F0] =	vst v1  }
0x2e: {  	[tilespmem:$0x300] =	vst v1  }
0x2f: {  	[tilespmem:$0x310] =	vst v1  }
0x30: {  	[tilespmem:$0x320] =	vst v1  }
0x31: {  	[tilespmem:$0x330] =	vst v1  }
0x32: {  	[tilespmem:$0x340] =	vst v1  }
0x33: {  	[tilespmem:$0x350] =	vst v1  }
0x34: {  	[tilespmem:$0x360] =	vst v1  }
0x35: {  	[tilespmem:$0x370] =	vst v1  }
0x36: {  	[tilespmem:$0x380] =	vst v1  }
0x37: {  	[tilespmem:$0x390] =	vst v1  }
0x38: {  	[tilespmem:$0x3A0] =	vst v1  }
0x39: {  	[tilespmem:$0x3B0] =	vst v1  }
0x3a: {  	[tilespmem:$0x3C0] =	vst v1  }
0x3b: {  	[tilespmem:$0x3D0] =	vst v1  }
0x3c: {  	[tilespmem:$0x3E0] =	vst v1  }
0x3d: {  	[tilespmem:$0x3F0] =	vst v1  }
0x3e: {  	[tilespmem:$0x400] =	vst v1  }
0x3f: {  	[tilespmem:$0x410] =	vst v1  }
0x40: {  	[tilespmem:$0x420] =	vst v1  }
0x41: {  	[tilespmem:$0x430] =	vst v1  }
0x42: {  	[tilespmem:$0x440] =	vst v1  }
0x43: {  	[tilespmem:$0x450] =	vst v1  }
0x44: {  	[tilespmem:$0x460] =	vst v1  }
0x45: {  	[tilespmem:$0x470] =	vst v1  }
0x46: {  	[spmem:s4] =	stream.linear.scatter [tilespmem:s12], [sflag:$0x3], $0x280, $0x38;
	[tilespmem:$0x700] =	vst v63  }
0x47: {  	_ =	swait.ge [sflag:s13], $0x280  }
0x48: {  	[sflag:s13] =	ssyncset.done $0x0  }
0x49: {  	[sflag:s13] =	ssyncadd.s32 $0xFFFFFD80  }
0x4a: {  	[bflag:$0x0] =	sbarrier.arrive $0xFFFF  }
0x4b: {  	[tilespmem:s3], [sflag:$0x1] =	stream.linear.gather [hbm4b:s5+s3], $0x80, $0x38;
	[tilespmem:$0x700] =	vst v63  }
0x4c: {  	s23 =	sadd.s32 $0x0, s11  }
0x4d: {  	[tilespmem:s14], [sflag:$0x2] =	stream.linear.gather [hbm4b:s23+s3], $0x80, $0x38;
	[tilespmem:$0x700] =	vst v63  }
0x4e: {  	_ =	swait.ge [sflag:s15], $0x80  }
0x4f: {  	[sflag:s15] =	ssyncset.done $0x0  }
0x50: {  	[sflag:s15] =	ssyncadd.s32 $0xFFFFFF80  }
0x51: {  	[spmem:s2] =	stream.indirect.scatter.add.f32 [tilespmem:s16], [sflag:$0x3], $0x1, s3, s14, $0xb8;
	[tilespmem:$0x700] =	vst v63  }
0x52: {  	_ =	swait.ge [sflag:s13], $0x80  }
0x53: {  	[sflag:s13] =	ssyncset.done $0x0  }
0x54: {  	s31 =	sadd.s32 $0x0, s10;
	[sflag:s13] =	ssyncadd.s32 $0xFFFFFF80  }
0x55: {  	[tilespmem:s3], [sflag:$0x1] =	stream.linear.gather [hbm4b:s31+s3], $0x80, $0x38;
	[tilespmem:$0x700] =	vst v63  }
0x56: {  	_ =	swait.ge [sflag:s17], $0x80  }
0x57: {  	[sflag:s17] =	ssyncset.done $0x0  }
0x58: {  	[sflag:s17] =	ssyncadd.s32 $0xFFFFFF80  }
0x59: {  	[spmem:s2] =	stream.indirect.scatter.add.f32 [tilespmem:s16], [sflag:$0x3], $0x1, s14, s14, $0xb8;
	[tilespmem:$0x700] =	vst v63  }
0x5a: {  	_ =	swait.ge [sflag:s13], $0x80  }
0x5b: {  	s24 =	simm.s32 $0x200;
	s23 =	simm.s32 $0x100;
	[sflag:s13] =	ssyncset.done $0x0  }
.LBB2_2:
0x5c: {  	s25 =	sadd.s32 s23, s11  }
0x5d: {  	[sflag:s13] =	ssyncadd.s32 $0xFFFFFF80;
	s26 =	smov.u32 s24;
	s28 =	sadd.s32 $0x100, s24  }
0x5e: {  	[tilespmem:s14], [sflag:$0x2] =	stream.linear.gather [hbm4b:s25+s3], $0x80, $0x38;
	[tilespmem:$0x700] =	vst v63  }
0x5f: {  	p0 =	sne.s32 s24, $0x2500;
	_ =	swait.ge [sflag:s15], $0x80  }
0x60: {  	[sflag:s15] =	ssyncset.done $0x0  }
0x61: {  	[sflag:s15] =	ssyncadd.s32 $0xFFFFFF80  }
0x62: {  	[spmem:s2] =	stream.indirect.scatter.add.f32 [tilespmem:s16], [sflag:$0x3], $0x1, s3, s14, $0xb8;
	[tilespmem:$0x700] =	vst v63  }
0x63: {  	_ =	swait.ge [sflag:s13], $0x80  }
0x64: {  	[sflag:s13] =	ssyncset.done $0x0  }
0x65: {  	s24 =	sadd.s32 s23, s10;
	s23 =	smov.u32 s26;
	[sflag:s13] =	ssyncadd.s32 $0xFFFFFF80  }
0x66: {  	[tilespmem:s3], [sflag:$0x1] =	stream.linear.gather [hbm4b:s24+s3], $0x80, $0x38;
	[tilespmem:$0x700] =	vst v63  }
0x67: {  	_ =	swait.ge [sflag:s17], $0x80  }
.Ltmp0:
0x68: {  	[sflag:s17] =	ssyncset.done $0x0;
	(pc) =	sbr.rel @p0 .LBB2_2-.Ltmp0, $4  }
0x69: {  	[sflag:s17] =	ssyncadd.s32 $0xFFFFFF80  }
0x6a: {  	[spmem:s2] =	stream.indirect.scatter.add.f32 [tilespmem:s16], [sflag:$0x3], $0x1, s14, s14, $0xb8;
	[tilespmem:$0x700] =	vst v63  }
0x6b: {  	_ =	swait.ge [sflag:s13], $0x80  }
0x6c: {  	s24 =	smov.u32 s28;
	[sflag:s13] =	ssyncset.done $0x0  }
0x6d: {  	s24 =	sadd.s32 s23, s11;
	[sflag:s13] =	ssyncadd.s32 $0xFFFFFF80  }
0x6e: {  	[tilespmem:s14], [sflag:$0x2] =	stream.linear.gather [hbm4b:s24+s3], $0x80, $0x38;
	[tilespmem:$0x700] =	vst v63  }
0x6f: {  	_ =	swait.ge [sflag:s15], $0x80  }
0x70: {  	[sflag:s15] =	ssyncset.done $0x0  }
0x71: {  	[sflag:s15] =	ssyncadd.s32 $0xFFFFFF80  }
0x72: {  	[spmem:s2] =	stream.indirect.scatter.add.f32 [tilespmem:s16], [sflag:$0x3], $0x1, s3, s14, $0xb8;
	[tilespmem:$0x700] =	vst v63  }
0x73: {  	_ =	swait.ge [sflag:s13], $0x80  }
0x74: {  	[sflag:s13] =	ssyncset.done $0x0  }
0x75: {  	s30 =	sadd.s32 s23, s10;
	[sflag:s13] =	ssyncadd.s32 $0xFFFFFF80  }
0x76: {  	[tilespmem:s3], [sflag:$0x1] =	stream.linear.gather [hbm4b:s30+s3], $0x80, $0x38;
	[tilespmem:$0x700] =	vst v63  }
0x77: {  	_ =	swait.ge [sflag:s17], $0x80  }
0x78: {  	[sflag:s17] =	ssyncset.done $0x0  }
0x79: {  	[sflag:s17] =	ssyncadd.s32 $0xFFFFFF80  }
0x7a: {  	[spmem:s2] =	stream.indirect.scatter.add.f32 [tilespmem:s16], [sflag:$0x3], $0x1, s14, s14, $0xb8;
	[tilespmem:$0x700] =	vst v63  }
0x7b: {  	_ =	swait.ge [sflag:s13], $0x80  }
0x7c: {  	[sflag:s13] =	ssyncset.done $0x0  }
0x7d: {  	[sflag:s13] =	ssyncadd.s32 $0xFFFFFF80  }
0x7e: {  	[tilespmem:s14], [sflag:$0x2] =	stream.linear.gather [hbm4b:s9+s3], $0x80, $0x38;
	[tilespmem:$0x700] =	vst v63  }
0x7f: {  	_ =	swait.ge [sflag:s15], $0x80  }
0x80: {  	[sflag:s15] =	ssyncset.done $0x0  }
0x81: {  	[sflag:s15] =	ssyncadd.s32 $0xFFFFFF80  }
0x82: {  	[spmem:s2] =	stream.indirect.scatter.add.f32 [tilespmem:s16], [sflag:$0x3], $0x1, s3, s14, $0xb8;
	[tilespmem:$0x700] =	vst v63  }
0x83: {  	_ =	swait.ge [sflag:s13], $0x80  }
0x84: {  	[sflag:s13] =	ssyncset.done $0x0  }
0x85: {  	[sflag:s13] =	ssyncadd.s32 $0xFFFFFF80  }
0x86: {  	_ =	swait.ge [sflag:s17], $0x80  }
0x87: {  	[sflag:s17] =	ssyncset.done $0x0  }
0x88: {  	[sflag:s17] =	ssyncadd.s32 $0xFFFFFF80  }
0x89: {  	[spmem:s2] =	stream.indirect.scatter.add.f32 [tilespmem:s16], [sflag:$0x3], $0x1, s14, s14, $0xb8;
	[tilespmem:$0x700] =	vst v63  }
0x8a: {  	_ =	swait.ge [sflag:s13], $0x80  }
0x8b: {  	[sflag:s13] =	ssyncset.done $0x0  }
0x8c: {  	[sflag:s13] =	ssyncadd.s32 $0xFFFFFF80  }
0x8d: {  	[tilespmem:s18], [sflag:$0x3] =	stream.linear.gather [hbm4b:s6+s3], $0x80, $0x38;
	[tilespmem:$0x700] =	vst v63  }
0x8e: {  	_ =	swait.ge [sflag:s13], $0x80  }
0x8f: {  	[sflag:s13] =	ssyncset.done $0x0  }
0x90: {  	[sflag:s13] =	ssyncadd.s32 $0xFFFFFF80  }
0x91: {  	[spmem:s2] =	stream.indirect.scatter.add.f32 [tilespmem:s16], [sflag:$0x3], $0x1, s18, s19, $0xb8;
	[tilespmem:$0x700] =	vst v63  }
0x92: {  	_ =	swait.ge [sflag:s13], $0x10  }
0x93: {  	s22 =	sadd.s32 $0x1, s22;
	[sflag:s13] =	ssyncset.done $0x0  }
0x94: {  	p0 =	sne.s32 s22, s8;
	[sflag:s13] =	ssyncadd.s32 $0xFFFFFFF0  }
.Ltmp1:
0x95: {  	s31 =	sshrl.u32 s4, $0x3;
	[bflag:$0x0] =	sbarrier.arrive $0xFFFF;
	(pc) =	sbr.rel @p0 .LBB2_1-.Ltmp1, $4  }
0x96: {  	[hbm:s7@s21], [sflag:s20] =	dma.strided [spmem:s31@s19], $0x50, s15, $0x10   }
0x97: {  	_ =	swait.ge [sflag:s13], $0x50  }
0x98: {  	[sflag:s13] =	ssyncset.done $0x0  }
0x99: {  	[sflag:s13] =	ssyncadd.s32 $0xFFFFFFB0  }
0x9a: {  	_ =	sfence.sel $0x180000  }
0x9b: {  	[bflag:$0x0] =	sbarrier.arrive $0xFFFF  }
0x9c: {  	p0 =	sne.s32 s1, $0x0;
	_ =	strace $0x90000047  }
0x9d: {  	s0 =	sadd.s32 @!p0 $0x100000, s0;
	[bflag:$0x2] =	sbarrier.arrive $0xFFFF  }
0x9e: {  	[sflag:s0] =	ssyncadd.tile.s32 @!p0 $0x1;
	_ =	shalt  }
.Lfunc_end2:
_tile_overlayer_lowered:
.L_overlay_start_2:
0x9f: {  	(tag) =	ssettag $0x2  }
0xa0: {  	s0 =	rddreg [dreg:$0x0];
	s2 =	stileid.u32  }
0xa1: {  	s1 =	rddreg [dreg:$0x1];
	p0 =	sne.s32 s2, $0x0  }
0xa2: {  	s3 =	rddreg [dreg:$0x2];
	[bflag:$0x3] =	sbarrier.arrive $0xFFFF;
	s2 =	simm.s32 @!p0 $0x1C03  }
0xa3: {  	[timem:s3], [sflag:s2] =	dma.local @!p0 [hbm:s0], s1  }
0xa4: {  	s0 =	simm.s32 @!p0 $0x3  }
0xa5: {  	_ =	swait.ge @!p0 [sflag:s0], s1  }
0xa6: {  	s1 =	ssub.s32 @!p0 $0x0, s1;
	[sflag:s0] =	ssyncset.done @!p0 $0x0  }
0xa7: {  	[sflag:s0] =	ssyncadd.s32 @!p0 s1  }
0xa8: {  	[bflag:$0x3] =	sbarrier.arrive $0xFFFF  }
0xa9: {  	_ =	shalt  }

</sc_bundles>
